<compile_context>
chip_gen: v7x
topology: tpu7x:2x2x1
jax: 0.10.2.dev20260603
libtpu: 0.0.44.dev20260713+nightly
codegen_flags: <defaults>
</compile_context>

<pallas_src>
import jax
import jax.numpy as jnp
from jax import lax
from jax.experimental import pallas as pl
from jax.experimental.pallas import tpu as pltpu
from jax.experimental.pallas import tpu_sc as plsc

N_NODES = 10000
C = 128
E_ADJ = 320000
N_EDGES = 160000

NC = 2
NS = 16
NW = NC * NS
L = 16

NP = 10112
ROWS_PER_SUB = NP // NS
DUMMY = 10008
CHUNK = 128

ADJ_CPW = 80
E_ADJ_PAD = ADJ_CPW * NW * CHUNK
EDG_CPW = 40
E_EDG_PAD = EDG_CPW * NW * CHUNK
HALF = ADJ_CPW // 2

EC = 64
EB_CPW = E_EDG_PAD // (NW * EC)
NBUF = 4

_SC_MESH = plsc.VectorSubcoreMesh(
    core_axis_name="c", subcore_axis_name="s", num_cores=NC, num_subcores=NS
)



def _mm2_body(x_ref, wa_ref, wb_ref, oa_ref, ob_ref):
    x = x_ref[...]
    pad = ((0, NP - N_NODES), (0, 0))
    oa_ref[...] = jnp.pad(
        jnp.dot(x, wa_ref[...], preferred_element_type=jnp.float32), pad)
    ob_ref[...] = jnp.pad(
        jnp.dot(x, wb_ref[...], preferred_element_type=jnp.float32), pad)


def _mm2(xp, wa, wb):
    return pl.pallas_call(
        _mm2_body,
        out_shape=(
            jax.ShapeDtypeStruct((NP, C), jnp.float32),
            jax.ShapeDtypeStruct((NP, C), jnp.float32),
        ),
    )(xp, wa, wb)


def _sig_mm_pair_body(p_ref, w_ref, o_ref):
    u = jax.nn.sigmoid(p_ref[0] + p_ref[1])
    o_ref[...] = jnp.dot(u, w_ref[...], preferred_element_type=jnp.float32)


def _sig_mm_pair(parts, w):
    return pl.pallas_call(
        _sig_mm_pair_body,
        out_shape=jax.ShapeDtypeStruct((NP, C), jnp.float32),
    )(parts, w)


_EDGE_BLK = 4096


def _sig_mm_body(d_ref, w_ref, o_ref):
    u = jax.nn.sigmoid(d_ref[...])
    o_ref[...] = jnp.dot(u, w_ref[...], preferred_element_type=jnp.float32)


def _sig_mm_edges(d, w):
    nblk = E_EDG_PAD // _EDGE_BLK
    return pl.pallas_call(
        _sig_mm_body,
        grid=(nblk,),
        in_specs=[
            pl.BlockSpec((_EDGE_BLK, C), lambda i: (i, 0)),
            pl.BlockSpec((C, C), lambda i: (0, 0)),
        ],
        out_specs=pl.BlockSpec((_EDGE_BLK, C), lambda i: (i, 0)),
        out_shape=jax.ShapeDtypeStruct((E_EDG_PAD, C), jnp.float32),
    )(d, w)


def _sum2_body(p_ref, o_ref):
    o_ref[...] = p_ref[0, :N_NODES, :] + p_ref[1, :N_NODES, :]


def _sum2(parts):
    return pl.pallas_call(
        _sum2_body,
        out_shape=jax.ShapeDtypeStruct((N_NODES, C), jnp.float32),
    )(parts)



def _zero_acc(z_hbm, acc, s):
    sub_lo = s * ROWS_PER_SUB
    pltpu.sync_copy(z_hbm, acc.at[pl.ds(sub_lo, ROWS_PER_SUB)])


def _flush_acc(acc, out_hbm, c, s):
    sub_lo = s * ROWS_PER_SUB
    pltpu.sync_copy(acc.at[pl.ds(sub_lo, ROWS_PER_SUB)],
                    out_hbm.at[c, pl.ds(sub_lo, ROWS_PER_SUB)])


def _gather_scatter_pipeline(h_hbm, idxc, idxr, acc, rows0, rows1,
                             g0, g1, s0, s1, cpw):
    pltpu.async_copy(h_hbm.at[idxc.at[0]], rows0, g0)
    pltpu.async_copy(h_hbm.at[idxc.at[1]], rows1, g1)

    @pl.loop(0, cpw, step=2)
    def _(i):
        pltpu.make_async_copy(h_hbm.at[idxc.at[0]], rows0, g0).wait()
        pltpu.async_copy(rows0, acc.at[idxr.at[i]], s0, add=True)
        pltpu.make_async_copy(h_hbm.at[idxc.at[0]], rows1, g1).wait()
        pltpu.make_async_copy(rows0, acc.at[idxr.at[i]], s0).wait()

        @pl.when(i + 2 < cpw)
        def _():
            pltpu.async_copy(h_hbm.at[idxc.at[i + 2]], rows0, g0)

        pltpu.async_copy(rows1, acc.at[idxr.at[i + 1]], s1, add=True)
        pltpu.make_async_copy(rows1, acc.at[idxr.at[i]], s1).wait()

        @pl.when(i + 3 < cpw)
        def _():
            pltpu.async_copy(h_hbm.at[idxc.at[i + 3]], rows1, g1)



def _seg_adj_body(h_hbm, row_hbm, col_hbm, z_hbm, out_hbm,
                  acc, idxr, idxc, rows0, rows1, g0, g1, s0, s1):
    c = lax.axis_index("c")
    s = lax.axis_index("s")
    wid = c * NS + s
    _zero_acc(z_hbm, acc, s)
    ibase = wid * ADJ_CPW
    pltpu.sync_copy(col_hbm.at[pl.ds(ibase, HALF)], idxc)
    pltpu.sync_copy(row_hbm.at[pl.ds(ibase, HALF)], idxr)
    plsc.subcore_barrier()

    _gather_scatter_pipeline(h_hbm, idxc, idxr, acc, rows0, rows1,
                             g0, g1, s0, s1, HALF)
    pltpu.sync_copy(col_hbm.at[pl.ds(ibase + HALF, HALF)], idxc)
    pltpu.sync_copy(row_hbm.at[pl.ds(ibase + HALF, HALF)], idxr)
    _gather_scatter_pipeline(h_hbm, idxc, idxr, acc, rows0, rows1,
                             g0, g1, s0, s1, HALF)

    plsc.subcore_barrier()
    _flush_acc(acc, out_hbm, c, s)


def _sc_scratch():
    return [
        pltpu.VMEM_SHARED((NP, C), jnp.float32),
        pltpu.VMEM((HALF, CHUNK), jnp.int32),
        pltpu.VMEM((HALF, CHUNK), jnp.int32),
        pltpu.VMEM((CHUNK, C), jnp.float32),
        pltpu.VMEM((CHUNK, C), jnp.float32),
    ] + [pltpu.SemaphoreType.DMA] * 4


def _seg_adj(h, adj_row2, adj_col2, zeros_np):
    k = pl.kernel(
        _seg_adj_body,
        out_type=jax.ShapeDtypeStruct((NC, NP, C), jnp.float32),
        mesh=_SC_MESH,
        scratch_types=_sc_scratch(),
    )
    return k(h, adj_row2, adj_col2, zeros_np)


def _diff_rows(dst, src):
    @pl.loop(0, EC)
    def _(r):
        for g in range(C // L):
            slc = (r, pl.ds(g * L, L))
            dst.at[slc[0], slc[1]][...] = (
                dst.at[slc[0], slc[1]][...] - src.at[slc[0], slc[1]][...]
            )


EB_HALF = EB_CPW // 2


def _edge_pipe(hsp, idxa, idxb, out_hbm, obase,
               a0, a1, b0, b1, ga0, ga1, gb0, gb1, st0, st1):
    pltpu.async_copy(hsp.at[idxa.at[0]], a0, ga0)
    pltpu.async_copy(hsp.at[idxb.at[0]], b0, gb0)
    pltpu.async_copy(hsp.at[idxa.at[1]], a1, ga1)
    pltpu.async_copy(hsp.at[idxb.at[1]], b1, gb1)

    @pl.loop(0, EB_HALF, step=2)
    def _(i):
        off = obase + i * EC
        pltpu.make_async_copy(hsp.at[idxa.at[0]], a0, ga0).wait()
        pltpu.make_async_copy(hsp.at[idxb.at[0]], b0, gb0).wait()
        _diff_rows(b0, a0)

        @pl.when(i + 2 < EB_HALF)
        def _():
            pltpu.async_copy(hsp.at[idxa.at[i + 2]], a0, ga0)

        pltpu.async_copy(b0, out_hbm.at[pl.ds(off, EC)], st0)

        pltpu.make_async_copy(hsp.at[idxa.at[0]], a1, ga1).wait()
        pltpu.make_async_copy(hsp.at[idxb.at[0]], b1, gb1).wait()
        _diff_rows(b1, a1)

        pltpu.make_async_copy(b0, out_hbm.at[pl.ds(off, EC)], st0).wait()

        @pl.when(i + 2 < EB_HALF)
        def _():
            pltpu.async_copy(hsp.at[idxb.at[i + 2]], b0, gb0)

        @pl.when(i + 3 < EB_HALF)
        def _():
            pltpu.async_copy(hsp.at[idxa.at[i + 3]], a1, ga1)

        pltpu.async_copy(b1, out_hbm.at[pl.ds(off + EC, EC)], st1)
        pltpu.make_async_copy(b1, out_hbm.at[pl.ds(off, EC)], st1).wait()

        @pl.when(i + 3 < EB_HALF)
        def _():
            pltpu.async_copy(hsp.at[idxb.at[i + 3]], b1, gb1)


def _edge_diff_body(h_hbm, na_hbm, nb_hbm, out_hbm, hsp, idxa, idxb,
                    a0, a1, b0, b1, ga0, ga1, gb0, gb1, st0, st1):
    c = lax.axis_index("c")
    s = lax.axis_index("s")
    wid = c * NS + s
    sub_lo = s * ROWS_PER_SUB
    pltpu.sync_copy(h_hbm.at[pl.ds(sub_lo, ROWS_PER_SUB)],
                    hsp.at[pl.ds(sub_lo, ROWS_PER_SUB)])
    ibase = wid * EB_CPW
    pltpu.sync_copy(na_hbm.at[pl.ds(ibase, EB_HALF)], idxa)
    pltpu.sync_copy(nb_hbm.at[pl.ds(ibase, EB_HALF)], idxb)
    plsc.subcore_barrier()

    _edge_pipe(hsp, idxa, idxb, out_hbm, wid * EB_CPW * EC,
               a0, a1, b0, b1, ga0, ga1, gb0, gb1, st0, st1)
    pltpu.sync_copy(na_hbm.at[pl.ds(ibase + EB_HALF, EB_HALF)], idxa)
    pltpu.sync_copy(nb_hbm.at[pl.ds(ibase + EB_HALF, EB_HALF)], idxb)
    _edge_pipe(hsp, idxa, idxb, out_hbm, (wid * EB_CPW + EB_HALF) * EC,
               a0, a1, b0, b1, ga0, ga1, gb0, gb1, st0, st1)


def _edge_diff(h, na2, nb2):
    k = pl.kernel(
        _edge_diff_body,
        out_type=jax.ShapeDtypeStruct((E_EDG_PAD, C), jnp.float32),
        mesh=_SC_MESH,
        scratch_types=[
            pltpu.VMEM_SHARED((NP, C), jnp.float32),
            pltpu.VMEM((EB_HALF, EC), jnp.int32),
            pltpu.VMEM((EB_HALF, EC), jnp.int32),
        ] + [pltpu.VMEM((EC, C), jnp.float32)] * 4
          + [pltpu.SemaphoreType.DMA] * 6,
    )
    return k(h, na2, nb2)


def _neg_rows(buf):
    @pl.loop(0, CHUNK)
    def _(r):
        for g in range(C // L):
            slc = (r, pl.ds(g * L, L))
            buf.at[slc[0], slc[1]][...] = -buf.at[slc[0], slc[1]][...]


def _final_agg_body(g1_hbm, g2_hbm, row_hbm, col_hbm, na_hbm, nb_hbm, z_hbm,
                    out_hbm, acc, idxr, idxc, rows0, rows1, g0, g1, s0, s1):
    c = lax.axis_index("c")
    s = lax.axis_index("s")
    wid = c * NS + s
    _zero_acc(z_hbm, acc, s)
    ibase = wid * ADJ_CPW
    pltpu.sync_copy(col_hbm.at[pl.ds(ibase, HALF)], idxc)
    pltpu.sync_copy(row_hbm.at[pl.ds(ibase, HALF)], idxr)
    plsc.subcore_barrier()

    _gather_scatter_pipeline(g1_hbm, idxc, idxr, acc, rows0, rows1,
                             g0, g1, s0, s1, HALF)
    pltpu.sync_copy(col_hbm.at[pl.ds(ibase + HALF, HALF)], idxc)
    pltpu.sync_copy(row_hbm.at[pl.ds(ibase + HALF, HALF)], idxr)
    _gather_scatter_pipeline(g1_hbm, idxc, idxr, acc, rows0, rows1,
                             g0, g1, s0, s1, HALF)

    ebase = wid * EDG_CPW
    pltpu.sync_copy(na_hbm.at[pl.ds(ebase, EDG_CPW)], idxr)
    pltpu.sync_copy(nb_hbm.at[pl.ds(ebase, EDG_CPW)], idxc)
    lbase = wid * EDG_CPW * CHUNK
    pltpu.async_copy(g2_hbm.at[pl.ds(lbase, CHUNK)], rows0, g0)
    pltpu.async_copy(g2_hbm.at[pl.ds(lbase + CHUNK, CHUNK)], rows1, g1)

    @pl.loop(0, EDG_CPW, step=2)
    def _(i):
        off = lbase + i * CHUNK
        pltpu.make_async_copy(g2_hbm.at[pl.ds(lbase, CHUNK)], rows0, g0).wait()
        pltpu.async_copy(rows0, acc.at[idxc.at[i]], s0, add=True)
        pltpu.make_async_copy(rows0, acc.at[idxc.at[i]], s0).wait()
        _neg_rows(rows0)
        pltpu.async_copy(rows0, acc.at[idxr.at[i]], s0, add=True)
        pltpu.make_async_copy(rows0, acc.at[idxr.at[i]], s0).wait()

        @pl.when(i + 2 < EDG_CPW)
        def _():
            pltpu.async_copy(g2_hbm.at[pl.ds(off + 2 * CHUNK, CHUNK)],
                             rows0, g0)

        pltpu.make_async_copy(g2_hbm.at[pl.ds(lbase, CHUNK)], rows1, g1).wait()
        pltpu.async_copy(rows1, acc.at[idxc.at[i + 1]], s1, add=True)
        pltpu.make_async_copy(rows1, acc.at[idxc.at[i]], s1).wait()
        _neg_rows(rows1)
        pltpu.async_copy(rows1, acc.at[idxr.at[i + 1]], s1, add=True)
        pltpu.make_async_copy(rows1, acc.at[idxr.at[i]], s1).wait()

        @pl.when(i + 3 < EDG_CPW)
        def _():
            pltpu.async_copy(g2_hbm.at[pl.ds(off + 3 * CHUNK, CHUNK)],
                             rows1, g1)

    plsc.subcore_barrier()
    _flush_acc(acc, out_hbm, c, s)


def _final_agg(g1_arr, g2_arr, adj_row2, adj_col2, na2, nb2, zeros_np):
    k = pl.kernel(
        _final_agg_body,
        out_type=jax.ShapeDtypeStruct((NC, NP, C), jnp.float32),
        mesh=_SC_MESH,
        scratch_types=_sc_scratch(),
    )
    return k(g1_arr, g2_arr, adj_row2, adj_col2, na2, nb2, zeros_np)



def _pad_idx2(a, total, cpw, chunk):
    npad = total - a.shape[0]
    dummies = DUMMY + (jnp.arange(npad, dtype=jnp.int32) % (NP - DUMMY))
    p = jnp.concatenate([a.astype(jnp.int32), dummies])
    return (p.reshape(cpw, NW, chunk)
            .transpose(1, 0, 2)
            .reshape(total // chunk, chunk))


def kernel(x, W_l1_00, W_l1_01, W_l2_00, W_l2_10, inc_val,
           adj_row, adj_col, inc_node, inc_edge):
    zeros_np = jnp.zeros((ROWS_PER_SUB, C), jnp.float32)

    adj_row2 = _pad_idx2(adj_row, E_ADJ_PAD, ADJ_CPW, CHUNK)
    adj_col2 = _pad_idx2(adj_col, E_ADJ_PAD, ADJ_CPW, CHUNK)
    na64 = _pad_idx2(inc_node[:N_EDGES], E_EDG_PAD, EB_CPW, EC)
    nb64 = _pad_idx2(inc_node[N_EDGES:], E_EDG_PAD, EB_CPW, EC)
    na2 = na64.reshape(E_EDG_PAD // CHUNK, CHUNK)
    nb2 = nb64.reshape(E_EDG_PAD // CHUNK, CHUNK)

    h1, h2 = _mm2(x, W_l1_00, W_l1_01)

    t1_parts = _seg_adj(h1, adj_row2, adj_col2, zeros_np)
    d = _edge_diff(h2, na64, nb64)

    g1 = _sig_mm_pair(t1_parts, W_l2_00)
    g2 = _sig_mm_edges(d, W_l2_10)

    out_parts = _final_agg(g1, g2, adj_row2, adj_col2, na2, nb2,
                           zeros_np)
    return _sum2(out_parts)

# --- scband reference (transcript-rebuilt; emitter-appended) ---
"""Pipeline reference for scband-hsnlayer-60773787238914 (READ-ONLY COPY).

The authoritative reference and input builder live on the scoring server;
editing this copy changes nothing except your own understanding.
"""

import jax, jax.numpy as jnp
import numpy as np

N_NODES = 10000
CHANNELS = 128
E_ADJ = 320000      # nnz of adjacency_matrix_0 [N_NODES, N_NODES]
N_EDGES = 160000    # number of 1-simplices; incidence_matrix_1 is [N_NODES, N_EDGES] with 2 nnz per column


def _xavier_uniform(key, fan_in, fan_out):
    limit = (6.0 / (fan_in + fan_out)) ** 0.5
    return jax.random.uniform(key, (fan_in, fan_out), minval=-limit, maxval=limit, dtype=jnp.float32)


def setup_inputs(seed: int = 0) -> dict:
    key = jax.random.key(seed)
    ks = jax.random.split(key, 10)
    x = jax.random.normal(ks[0], (N_NODES, CHANNELS), dtype=jnp.float32)
    # adjacency_matrix_0 in COO form, values all 1.0
    adj_row = jax.random.randint(ks[1], (E_ADJ,), 0, N_NODES)
    adj_col = jax.random.randint(ks[2], (E_ADJ,), 0, N_NODES)
    # incidence_matrix_1 in COO form: each edge (1-simplex) touches two nodes with values -1, +1
    na = jax.random.randint(ks[3], (N_EDGES,), 0, N_NODES)
    nb = jax.random.randint(ks[4], (N_EDGES,), 0, N_NODES)
    inc_node = jnp.concatenate([na, nb])
    inc_edge = jnp.concatenate([jnp.arange(N_EDGES), jnp.arange(N_EDGES)])
    inc_val = jnp.concatenate([-jnp.ones((N_EDGES,), jnp.float32), jnp.ones((N_EDGES,), jnp.float32)])
    # four MessagePassingConv weights, all [CHANNELS, CHANNELS], xavier_uniform
    W_l1_00 = _xavier_uniform(ks[5], CHANNELS, CHANNELS)
    W_l1_01 = _xavier_uniform(ks[6], CHANNELS, CHANNELS)
    W_l2_00 = _xavier_uniform(ks[7], CHANNELS, CHANNELS)
    W_l2_10 = _xavier_uniform(ks[8], CHANNELS, CHANNELS)
    return {
        "x": x,
        "W_l1_00": W_l1_00,
        "W_l1_01": W_l1_01,
        "W_l2_00": W_l2_00,
        "W_l2_10": W_l2_10,
        "inc_val": inc_val,
        "adj_row": adj_row,
        "adj_col": adj_col,
        "inc_node": inc_node,
        "inc_edge": inc_edge,
    }


def reference(x, W_l1_00, W_l1_01, W_l2_00, W_l2_10, inc_val, adj_row, adj_col, inc_node, inc_edge):
    # MessagePassingConv: update(neighborhood @ (x @ W))
    def spmm_adj(h):  # A_0 @ h : [N_NODES, C]
        return jax.ops.segment_sum(h[adj_col], adj_row, num_segments=N_NODES)

    def spmm_inc_T(h):  # B_1^T @ h : nodes -> edges, [N_EDGES, C]
        return jax.ops.segment_sum(inc_val[:, None] * h[inc_node], inc_edge, num_segments=N_EDGES)

    def spmm_inc(h):  # B_1 @ h : edges -> nodes, [N_NODES, C]
        return jax.ops.segment_sum(inc_val[:, None] * h[inc_edge], inc_node, num_segments=N_NODES)

    # Level 1: two message passings from nodes, sigmoid update
    x0_level1 = jax.nn.sigmoid(spmm_adj(x @ W_l1_00))        # 0 -> 0
    x1_level1 = jax.nn.sigmoid(spmm_inc_T(x @ W_l1_01))      # 0 -> 1

    # Level 2: merge with inter_aggr='sum', no update
    x0 = spmm_adj(x0_level1 @ W_l2_00) + spmm_inc(x1_level1 @ W_l2_10)
    return x0

if __name__ == "__main__":
    import jax
    _d = setup_inputs()
    print(jax.jit(kernel)(*tuple(_d.values())))

</pallas_src>

<mosaic_0001>
#map = affine_map<(d0, d1) -> (0, 0)>
module attributes {stable_mosaic.version = 14 : i64} {
  func.func @_edge_diff_body(%arg0: i32, %arg1: i32, %arg2: memref<10112x128xf32, #tpu.memory_space<hbm>>, %arg3: memref<2560x64xi32, #tpu.memory_space<hbm>>, %arg4: memref<2560x64xi32, #tpu.memory_space<hbm>>, %arg5: memref<163840x128xf32, #tpu.memory_space<hbm>>, %arg6: memref<10112x128xf32, #tpu.memory_space<vmem_shared>>, %arg7: memref<40x64xi32, #tpu.memory_space<vmem>>, %arg8: memref<40x64xi32, #tpu.memory_space<vmem>>, %arg9: memref<64x128xf32, #tpu.memory_space<vmem>>, %arg10: memref<64x128xf32, #tpu.memory_space<vmem>>, %arg11: memref<64x128xf32, #tpu.memory_space<vmem>>, %arg12: memref<64x128xf32, #tpu.memory_space<vmem>>, %arg13: memref<!tpu.dma_semaphore, #tpu.memory_space<semaphore_mem>>, %arg14: memref<!tpu.dma_semaphore, #tpu.memory_space<semaphore_mem>>, %arg15: memref<!tpu.dma_semaphore, #tpu.memory_space<semaphore_mem>>, %arg16: memref<!tpu.dma_semaphore, #tpu.memory_space<semaphore_mem>>, %arg17: memref<!tpu.dma_semaphore, #tpu.memory_space<semaphore_mem>>, %arg18: memref<!tpu.dma_semaphore, #tpu.memory_space<semaphore_mem>>) attributes {dimension_semantics = [#tpu.dimension_semantics<core_parallel>, #tpu.dimension_semantics<subcore_parallel>], iteration_bounds = array<i64: 2, 16>, scalar_prefetch = 0 : i64, scratch_operands = 13 : i64, tpu.core_type = #tpu.core_type<sc_vector_subcore>, window_params = [{transform_indices = #map}, {transform_indices = #map}, {transform_indices = #map}, {transform_indices = #map}]} {
    %mul3A = arith.constant 16 : i32
    %mul3A_0 = arith.muli %arg0, %mul3A : i32
    %add3A = arith.addi %mul3A_0, %arg1 : i32
    %mul3A_1 = arith.constant 632 : i32
    %mul3A_2 = arith.muli %arg1, %mul3A_1 : i32
    "tpu.region"() ({
      %run_scoped3A = tpu.sem_alloc : memref<!tpu.dma_semaphore, #tpu.memory_space<semaphore_mem>>
      %dma_start3A_83 = arith.constant 0 : i32
      %dma_start3A_84 = tpu.memref_slice %arg6[%mul3A_2, %dma_start3A_83] : memref<10112x128xf32, #tpu.memory_space<vmem_shared>> -> memref<632x128xf32, #tpu.memory_space<vmem_shared>>
      %dma_start3A_85 = arith.constant 0 : i32
      %dma_start3A_86 = tpu.memref_slice %arg2[%mul3A_2, %dma_start3A_85] : memref<10112x128xf32, #tpu.memory_space<hbm>> -> memref<632x128xf32, #tpu.memory_space<hbm>>
      tpu.enqueue_dma source(%dma_start3A_86 : memref<632x128xf32, #tpu.memory_space<hbm>>) target(%dma_start3A_84 : memref<632x128xf32, #tpu.memory_space<vmem_shared>>) target_semaphore(%run_scoped3A : memref<!tpu.dma_semaphore, #tpu.memory_space<semaphore_mem>>)
      %dma_wait3A = arith.constant 0 : i32
      %dma_wait3A_87 = tpu.memref_slice %arg6[%mul3A_2, %dma_wait3A] : memref<10112x128xf32, #tpu.memory_space<vmem_shared>> -> memref<632x128xf32, #tpu.memory_space<vmem_shared>>
      %dma_wait3A_88 = arith.constant 0 : i32
      %dma_wait3A_89 = tpu.memref_slice %arg2[%mul3A_2, %dma_wait3A_88] : memref<10112x128xf32, #tpu.memory_space<hbm>> -> memref<632x128xf32, #tpu.memory_space<hbm>>
      tpu.wait_dma2 semaphore(%run_scoped3A : memref<!tpu.dma_semaphore, #tpu.memory_space<semaphore_mem>>) src(%dma_wait3A_89 : memref<632x128xf32, #tpu.memory_space<hbm>>) dst(%dma_wait3A_87 : memref<632x128xf32, #tpu.memory_space<vmem_shared>>)
      tpu.yield
    }) : () -> ()
    %mul3A_3 = arith.constant 80 : i32
    %mul3A_4 = arith.muli %add3A, %mul3A_3 : i32
    "tpu.region"() ({
      %run_scoped3A = tpu.sem_alloc : memref<!tpu.dma_semaphore, #tpu.memory_space<semaphore_mem>>
      %dma_start3A_83 = arith.constant 0 : i32
      %dma_start3A_84 = tpu.memref_slice %arg3[%mul3A_4, %dma_start3A_83] : memref<2560x64xi32, #tpu.memory_space<hbm>> -> memref<40x64xi32, #tpu.memory_space<hbm>>
      %dma_start3A_85 = arith.constant 0 : i32
      %dma_start3A_86 = tpu.memref_slice %arg3[%mul3A_4, %dma_start3A_85] : memref<2560x64xi32, #tpu.memory_space<hbm>> -> memref<40x64xi32, #tpu.memory_space<hbm>>
      tpu.enqueue_dma source(%dma_start3A_86 : memref<40x64xi32, #tpu.memory_space<hbm>>) target(%arg7 : memref<40x64xi32, #tpu.memory_space<vmem>>) target_semaphore(%run_scoped3A : memref<!tpu.dma_semaphore, #tpu.memory_space<semaphore_mem>>)
      %dma_wait3A = arith.constant 0 : i32
      %dma_wait3A_87 = tpu.memref_slice %arg3[%mul3A_4, %dma_wait3A] : memref<2560x64xi32, #tpu.memory_space<hbm>> -> memref<40x64xi32, #tpu.memory_space<hbm>>
      %dma_wait3A_88 = arith.constant 0 : i32
      %dma_wait3A_89 = tpu.memref_slice %arg3[%mul3A_4, %dma_wait3A_88] : memref<2560x64xi32, #tpu.memory_space<hbm>> -> memref<40x64xi32, #tpu.memory_space<hbm>>
      tpu.wait_dma2 semaphore(%run_scoped3A : memref<!tpu.dma_semaphore, #tpu.memory_space<semaphore_mem>>) src(%dma_wait3A_89 : memref<40x64xi32, #tpu.memory_space<hbm>>) dst(%arg7 : memref<40x64xi32, #tpu.memory_space<vmem>>)
      tpu.yield
    }) : () -> ()
    "tpu.region"() ({
      %run_scoped3A = tpu.sem_alloc : memref<!tpu.dma_semaphore, #tpu.memory_space<semaphore_mem>>
      %dma_start3A_83 = arith.constant 0 : i32
      %dma_start3A_84 = tpu.memref_slice %arg4[%mul3A_4, %dma_start3A_83] : memref<2560x64xi32, #tpu.memory_space<hbm>> -> memref<40x64xi32, #tpu.memory_space<hbm>>
      %dma_start3A_85 = arith.constant 0 : i32
      %dma_start3A_86 = tpu.memref_slice %arg4[%mul3A_4, %dma_start3A_85] : memref<2560x64xi32, #tpu.memory_space<hbm>> -> memref<40x64xi32, #tpu.memory_space<hbm>>
      tpu.enqueue_dma source(%dma_start3A_86 : memref<40x64xi32, #tpu.memory_space<hbm>>) target(%arg8 : memref<40x64xi32, #tpu.memory_space<vmem>>) target_semaphore(%run_scoped3A : memref<!tpu.dma_semaphore, #tpu.memory_space<semaphore_mem>>)
      %dma_wait3A = arith.constant 0 : i32
      %dma_wait3A_87 = tpu.memref_slice %arg4[%mul3A_4, %dma_wait3A] : memref<2560x64xi32, #tpu.memory_space<hbm>> -> memref<40x64xi32, #tpu.memory_space<hbm>>
      %dma_wait3A_88 = arith.constant 0 : i32
      %dma_wait3A_89 = tpu.memref_slice %arg4[%mul3A_4, %dma_wait3A_88] : memref<2560x64xi32, #tpu.memory_space<hbm>> -> memref<40x64xi32, #tpu.memory_space<hbm>>
      tpu.wait_dma2 semaphore(%run_scoped3A : memref<!tpu.dma_semaphore, #tpu.memory_space<semaphore_mem>>) src(%dma_wait3A_89 : memref<40x64xi32, #tpu.memory_space<hbm>>) dst(%arg8 : memref<40x64xi32, #tpu.memory_space<vmem>>)
      tpu.yield
    }) : () -> ()
    %barrier3A = arith.constant 0 : index
    tpu.barrier barrier_id(%barrier3A)
    %mul3A_5 = arith.constant 80 : i32
    %mul3A_6 = arith.muli %add3A, %mul3A_5 : i32
    %mul3A_7 = arith.constant 64 : i32
    %mul3A_8 = arith.muli %mul3A_6, %mul3A_7 : i32
    %dma_start3A = arith.constant 0 : i32
    %dma_start3A_9 = arith.constant 0 : i32
    %dma_start3A_10 = tpu.memref_slice %arg7[%dma_start3A, %dma_start3A_9] : memref<40x64xi32, #tpu.memory_space<vmem>> -> memref<1x64xi32, #tpu.memory_space<vmem>>
    %dma_start3A_11 = tpu.memref_squeeze %dma_start3A_10 : memref<1x64xi32, #tpu.memory_space<vmem>> -> memref<64xi32, #tpu.memory_space<vmem>>
    %dma_start3A_12 = arith.constant 0 : i32
    %dma_start3A_13 = arith.constant 0 : i32
    %dma_start3A_14 = tpu.memref_slice %arg6[%dma_start3A_12, %dma_start3A_13] : memref<10112x128xf32, #tpu.memory_space<vmem_shared>> -> memref<10112x128xf32, #tpu.memory_space<vmem_shared>>
    tpu.enqueue_indirect_dma source(%dma_start3A_14 : memref<10112x128xf32, #tpu.memory_space<vmem_shared>>) target(%arg9 : memref<64x128xf32, #tpu.memory_space<vmem>>) offsets(%dma_start3A_11 : memref<64xi32, #tpu.memory_space<vmem>>) semaphore(%arg13 : memref<!tpu.dma_semaphore, #tpu.memory_space<semaphore_mem>>)
    %dma_start3A_15 = arith.constant 0 : i32
    %dma_start3A_16 = arith.constant 0 : i32
    %dma_start3A_17 = tpu.memref_slice %arg8[%dma_start3A_15, %dma_start3A_16] : memref<40x64xi32, #tpu.memory_space<vmem>> -> memref<1x64xi32, #tpu.memory_space<vmem>>
    %dma_start3A_18 = tpu.memref_squeeze %dma_start3A_17 : memref<1x64xi32, #tpu.memory_space<vmem>> -> memref<64xi32, #tpu.memory_space<vmem>>
    %dma_start3A_19 = arith.constant 0 : i32
    %dma_start3A_20 = arith.constant 0 : i32
    %dma_start3A_21 = tpu.memref_slice %arg6[%dma_start3A_19, %dma_start3A_20] : memref<10112x128xf32, #tpu.memory_space<vmem_shared>> -> memref<10112x128xf32, #tpu.memory_space<vmem_shared>>
    tpu.enqueue_indirect_dma source(%dma_start3A_21 : memref<10112x128xf32, #tpu.memory_space<vmem_shared>>) target(%arg11 : memref<64x128xf32, #tpu.memory_space<vmem>>) offsets(%dma_start3A_18 : memref<64xi32, #tpu.memory_space<vmem>>) semaphore(%arg15 : memref<!tpu.dma_semaphore, #tpu.memory_space<semaphore_mem>>)
    %dma_start3A_22 = arith.constant 1 : i32
    %dma_start3A_23 = arith.constant 0 : i32
    %dma_start3A_24 = tpu.memref_slice %arg7[%dma_start3A_22, %dma_start3A_23] : memref<40x64xi32, #tpu.memory_space<vmem>> -> memref<1x64xi32, #tpu.memory_space<vmem>>
    %dma_start3A_25 = tpu.memref_squeeze %dma_start3A_24 : memref<1x64xi32, #tpu.memory_space<vmem>> -> memref<64xi32, #tpu.memory_space<vmem>>
    %dma_start3A_26 = arith.constant 0 : i32
    %dma_start3A_27 = arith.constant 0 : i32
    %dma_start3A_28 = tpu.memref_slice %arg6[%dma_start3A_26, %dma_start3A_27] : memref<10112x128xf32, #tpu.memory_space<vmem_shared>> -> memref<10112x128xf32, #tpu.memory_space<vmem_shared>>
    tpu.enqueue_indirect_dma source(%dma_start3A_28 : memref<10112x128xf32, #tpu.memory_space<vmem_shared>>) target(%arg10 : memref<64x128xf32, #tpu.memory_space<vmem>>) offsets(%dma_start3A_25 : memref<64xi32, #tpu.memory_space<vmem>>) semaphore(%arg14 : memref<!tpu.dma_semaphore, #tpu.memory_space<semaphore_mem>>)
    %dma_start3A_29 = arith.constant 1 : i32
    %dma_start3A_30 = arith.constant 0 : i32
    %dma_start3A_31 = tpu.memref_slice %arg8[%dma_start3A_29, %dma_start3A_30] : memref<40x64xi32, #tpu.memory_space<vmem>> -> memref<1x64xi32, #tpu.memory_space<vmem>>
    %dma_start3A_32 = tpu.memref_squeeze %dma_start3A_31 : memref<1x64xi32, #tpu.memory_space<vmem>> -> memref<64xi32, #tpu.memory_space<vmem>>
    %dma_start3A_33 = arith.constant 0 : i32
    %dma_start3A_34 = arith.constant 0 : i32
    %dma_start3A_35 = tpu.memref_slice %arg6[%dma_start3A_33, %dma_start3A_34] : memref<10112x128xf32, #tpu.memory_space<vmem_shared>> -> memref<10112x128xf32, #tpu.memory_space<vmem_shared>>
    tpu.enqueue_indirect_dma source(%dma_start3A_35 : memref<10112x128xf32, #tpu.memory_space<vmem_shared>>) target(%arg12 : memref<64x128xf32, #tpu.memory_space<vmem>>) offsets(%dma_start3A_32 : memref<64xi32, #tpu.memory_space<vmem>>) semaphore(%arg16 : memref<!tpu.dma_semaphore, #tpu.memory_space<semaphore_mem>>)
    %scan3A = arith.constant 0 : i32
    %scan3A_36 = arith.constant 20 : i32
    %scan3A_37 = arith.addi %scan3A, %scan3A_36 : i32
    %scan3A_38 = arith.constant 1 : i32
    scf.for %scan3A_83 = %scan3A to %scan3A_37 step %scan3A_38  : i32 {
      %mul3A_84 = arith.constant 2 : i32
      %mul3A_85 = arith.muli %scan3A_83, %mul3A_84 : i32
      %add3A_86 = arith.constant 0 : i32
      %add3A_87 = arith.addi %add3A_86, %mul3A_85 : i32
      %mul3A_88 = arith.constant 64 : i32
      %mul3A_89 = arith.muli %add3A_87, %mul3A_88 : i32
      %add3A_90 = arith.addi %mul3A_8, %mul3A_89 : i32
      %dma_wait3A = arith.constant 0 : i32
      %dma_wait3A_91 = arith.constant 0 : i32
      %dma_wait3A_92 = tpu.memref_slice %arg7[%dma_wait3A, %dma_wait3A_91] : memref<40x64xi32, #tpu.memory_space<vmem>> -> memref<1x64xi32, #tpu.memory_space<vmem>>
      %dma_wait3A_93 = tpu.memref_squeeze %dma_wait3A_92 : memref<1x64xi32, #tpu.memory_space<vmem>> -> memref<64xi32, #tpu.memory_space<vmem>>
      %dma_wait3A_94 = arith.constant 0 : i32
      %dma_wait3A_95 = arith.constant 0 : i32
      %dma_wait3A_96 = tpu.memref_slice %arg6[%dma_wait3A_94, %dma_wait3A_95] : memref<10112x128xf32, #tpu.memory_space<vmem_shared>> -> memref<10112x128xf32, #tpu.memory_space<vmem_shared>>
      tpu.wait_indirect_dma semaphore(%arg13 : memref<!tpu.dma_semaphore, #tpu.memory_space<semaphore_mem>>) src(%dma_wait3A_96 : memref<10112x128xf32, #tpu.memory_space<vmem_shared>>) dst(%arg9 : memref<64x128xf32, #tpu.memory_space<vmem>>)
      %dma_wait3A_97 = arith.constant 0 : i32
      %dma_wait3A_98 = arith.constant 0 : i32
      %dma_wait3A_99 = tpu.memref_slice %arg8[%dma_wait3A_97, %dma_wait3A_98] : memref<40x64xi32, #tpu.memory_space<vmem>> -> memref<1x64xi32, #tpu.memory_space<vmem>>
      %dma_wait3A_100 = tpu.memref_squeeze %dma_wait3A_99 : memref<1x64xi32, #tpu.memory_space<vmem>> -> memref<64xi32, #tpu.memory_space<vmem>>
      %dma_wait3A_101 = arith.constant 0 : i32
      %dma_wait3A_102 = arith.constant 0 : i32
      %dma_wait3A_103 = tpu.memref_slice %arg6[%dma_wait3A_101, %dma_wait3A_102] : memref<10112x128xf32, #tpu.memory_space<vmem_shared>> -> memref<10112x128xf32, #tpu.memory_space<vmem_shared>>
      tpu.wait_indirect_dma semaphore(%arg15 : memref<!tpu.dma_semaphore, #tpu.memory_space<semaphore_mem>>) src(%dma_wait3A_103 : memref<10112x128xf32, #tpu.memory_space<vmem_shared>>) dst(%arg11 : memref<64x128xf32, #tpu.memory_space<vmem>>)
      %scan3A_104 = arith.constant 0 : i32
      %scan3A_105 = arith.constant 64 : i32
      %scan3A_106 = arith.addi %scan3A_104, %scan3A_105 : i32
      %scan3A_107 = arith.constant 1 : i32
      scf.for %scan3A_171 = %scan3A_104 to %scan3A_106 step %scan3A_107  : i32 {
        %mul3A_172 = arith.constant 1 : i32
        %mul3A_173 = arith.muli %scan3A_171, %mul3A_172 : i32
        %add3A_174 = arith.constant 0 : i32
        %add3A_175 = arith.addi %add3A_174, %mul3A_173 : i32
        %get3A = arith.index_cast %add3A_175 : i32 to index
        %get3A_176 = arith.constant 0 : index
        %get3A_177 = tpu.vector_load %arg11[%get3A, %get3A_176] {strides = array<i32>} : memref<64x128xf32, #tpu.memory_space<vmem>>, vector<1x16xf32>,
        %get3A_178 = vector.shape_cast %get3A_177 : vector<1x16xf32> to vector<16xf32>
        %get3A_179 = arith.index_cast %add3A_175 : i32 to index
        %get3A_180 = arith.constant 0 : index
        %get3A_181 = tpu.vector_load %arg9[%get3A_179, %get3A_180] {strides = array<i32>} : memref<64x128xf32, #tpu.memory_space<vmem>>, vector<1x16xf32>,
        %get3A_182 = vector.shape_cast %get3A_181 : vector<1x16xf32> to vector<16xf32>
        %sub3A = arith.subf %get3A_178, %get3A_182 : vector<16xf32>
        %swap3A = arith.index_cast %add3A_175 : i32 to index
        %swap3A_183 = arith.constant 0 : index
        %swap3A_184 = tpu.vector_load %arg11[%swap3A, %swap3A_183] {strides = array<i32>} : memref<64x128xf32, #tpu.memory_space<vmem>>, vector<1x16xf32>,
        %swap3A_185 = vector.shape_cast %swap3A_184 : vector<1x16xf32> to vector<16xf32>
        %swap3A_186 = vector.shape_cast %sub3A : vector<16xf32> to vector<1x16xf32>
        tpu.vector_store %arg11[%swap3A, %swap3A_183], %swap3A_186 {strides = array<i32>} : memref<64x128xf32, #tpu.memory_space<vmem>>, vector<1x16xf32>,
        %get3A_187 = arith.index_cast %add3A_175 : i32 to index
        %get3A_188 = arith.constant 16 : index
        %get3A_189 = tpu.vector_load %arg11[%get3A_187, %get3A_188] {strides = array<i32>} : memref<64x128xf32, #tpu.memory_space<vmem>>, vector<1x16xf32>,
        %get3A_190 = vector.shape_cast %get3A_189 : vector<1x16xf32> to vector<16xf32>
        %get3A_191 = arith.index_cast %add3A_175 : i32 to index
        %get3A_192 = arith.constant 16 : index
        %get3A_193 = tpu.vector_load %arg9[%get3A_191, %get3A_192] {strides = array<i32>} : memref<64x128xf32, #tpu.memory_space<vmem>>, vector<1x16xf32>,
        %get3A_194 = vector.shape_cast %get3A_193 : vector<1x16xf32> to vector<16xf32>
        %sub3A_195 = arith.subf %get3A_190, %get3A_194 : vector<16xf32>
        %swap3A_196 = arith.index_cast %add3A_175 : i32 to index
        %swap3A_197 = arith.constant 16 : index
        %swap3A_198 = tpu.vector_load %arg11[%swap3A_196, %swap3A_197] {strides = array<i32>} : memref<64x128xf32, #tpu.memory_space<vmem>>, vector<1x16xf32>,
        %swap3A_199 = vector.shape_cast %swap3A_198 : vector<1x16xf32> to vector<16xf32>
        %swap3A_200 = vector.shape_cast %sub3A_195 : vector<16xf32> to vector<1x16xf32>
        tpu.vector_store %arg11[%swap3A_196, %swap3A_197], %swap3A_200 {strides = array<i32>} : memref<64x128xf32, #tpu.memory_space<vmem>>, vector<1x16xf32>,
        %get3A_201 = arith.index_cast %add3A_175 : i32 to index
        %get3A_202 = arith.constant 32 : index
        %get3A_203 = tpu.vector_load %arg11[%get3A_201, %get3A_202] {strides = array<i32>} : memref<64x128xf32, #tpu.memory_space<vmem>>, vector<1x16xf32>,
        %get3A_204 = vector.shape_cast %get3A_203 : vector<1x16xf32> to vector<16xf32>
        %get3A_205 = arith.index_cast %add3A_175 : i32 to index
        %get3A_206 = arith.constant 32 : index
        %get3A_207 = tpu.vector_load %arg9[%get3A_205, %get3A_206] {strides = array<i32>} : memref<64x128xf32, #tpu.memory_space<vmem>>, vector<1x16xf32>,
        %get3A_208 = vector.shape_cast %get3A_207 : vector<1x16xf32> to vector<16xf32>
        %sub3A_209 = arith.subf %get3A_204, %get3A_208 : vector<16xf32>
        %swap3A_210 = arith.index_cast %add3A_175 : i32 to index
        %swap3A_211 = arith.constant 32 : index
        %swap3A_212 = tpu.vector_load %arg11[%swap3A_210, %swap3A_211] {strides = array<i32>} : memref<64x128xf32, #tpu.memory_space<vmem>>, vector<1x16xf32>,
        %swap3A_213 = vector.shape_cast %swap3A_212 : vector<1x16xf32> to vector<16xf32>
        %swap3A_214 = vector.shape_cast %sub3A_209 : vector<16xf32> to vector<1x16xf32>
        tpu.vector_store %arg11[%swap3A_210, %swap3A_211], %swap3A_214 {strides = array<i32>} : memref<64x128xf32, #tpu.memory_space<vmem>>, vector<1x16xf32>,
        %get3A_215 = arith.index_cast %add3A_175 : i32 to index
        %get3A_216 = arith.constant 48 : index
        %get3A_217 = tpu.vector_load %arg11[%get3A_215, %get3A_216] {strides = array<i32>} : memref<64x128xf32, #tpu.memory_space<vmem>>, vector<1x16xf32>,
        %get3A_218 = vector.shape_cast %get3A_217 : vector<1x16xf32> to vector<16xf32>
        %get3A_219 = arith.index_cast %add3A_175 : i32 to index
        %get3A_220 = arith.constant 48 : index
        %get3A_221 = tpu.vector_load %arg9[%get3A_219, %get3A_220] {strides = array<i32>} : memref<64x128xf32, #tpu.memory_space<vmem>>, vector<1x16xf32>,
        %get3A_222 = vector.shape_cast %get3A_221 : vector<1x16xf32> to vector<16xf32>
        %sub3A_223 = arith.subf %get3A_218, %get3A_222 : vector<16xf32>
        %swap3A_224 = arith.index_cast %add3A_175 : i32 to index
        %swap3A_225 = arith.constant 48 : index
        %swap3A_226 = tpu.vector_load %arg11[%swap3A_224, %swap3A_225] {strides = array<i32>} : memref<64x128xf32, #tpu.memory_space<vmem>>, vector<1x16xf32>,
        %swap3A_227 = vector.shape_cast %swap3A_226 : vector<1x16xf32> to vector<16xf32>
        %swap3A_228 = vector.shape_cast %sub3A_223 : vector<16xf32> to vector<1x16xf32>
        tpu.vector_store %arg11[%swap3A_224, %swap3A_225], %swap3A_228 {strides = array<i32>} : memref<64x128xf32, #tpu.memory_space<vmem>>, vector<1x16xf32>,
        %get3A_229 = arith.index_cast %add3A_175 : i32 to index
        %get3A_230 = arith.constant 64 : index
        %get3A_231 = tpu.vector_load %arg11[%get3A_229, %get3A_230] {strides = array<i32>} : memref<64x128xf32, #tpu.memory_space<vmem>>, vector<1x16xf32>,
        %get3A_232 = vector.shape_cast %get3A_231 : vector<1x16xf32> to vector<16xf32>
        %get3A_233 = arith.index_cast %add3A_175 : i32 to index
        %get3A_234 = arith.constant 64 : index
        %get3A_235 = tpu.vector_load %arg9[%get3A_233, %get3A_234] {strides = array<i32>} : memref<64x128xf32, #tpu.memory_space<vmem>>, vector<1x16xf32>,
        %get3A_236 = vector.shape_cast %get3A_235 : vector<1x16xf32> to vector<16xf32>
        %sub3A_237 = arith.subf %get3A_232, %get3A_236 : vector<16xf32>
        %swap3A_238 = arith.index_cast %add3A_175 : i32 to index
        %swap3A_239 = arith.constant 64 : index
        %swap3A_240 = tpu.vector_load %arg11[%swap3A_238, %swap3A_239] {strides = array<i32>} : memref<64x128xf32, #tpu.memory_space<vmem>>, vector<1x16xf32>,
        %swap3A_241 = vector.shape_cast %swap3A_240 : vector<1x16xf32> to vector<16xf32>
        %swap3A_242 = vector.shape_cast %sub3A_237 : vector<16xf32> to vector<1x16xf32>
        tpu.vector_store %arg11[%swap3A_238, %swap3A_239], %swap3A_242 {strides = array<i32>} : memref<64x128xf32, #tpu.memory_space<vmem>>, vector<1x16xf32>,
        %get3A_243 = arith.index_cast %add3A_175 : i32 to index
        %get3A_244 = arith.constant 80 : index
        %get3A_245 = tpu.vector_load %arg11[%get3A_243, %get3A_244] {strides = array<i32>} : memref<64x128xf32, #tpu.memory_space<vmem>>, vector<1x16xf32>,
        %get3A_246 = vector.shape_cast %get3A_245 : vector<1x16xf32> to vector<16xf32>
        %get3A_247 = arith.index_cast %add3A_175 : i32 to index
        %get3A_248 = arith.constant 80 : index
        %get3A_249 = tpu.vector_load %arg9[%get3A_247, %get3A_248] {strides = array<i32>} : memref<64x128xf32, #tpu.memory_space<vmem>>, vector<1x16xf32>,
        %get3A_250 = vector.shape_cast %get3A_249 : vector<1x16xf32> to vector<16xf32>
        %sub3A_251 = arith.subf %get3A_246, %get3A_250 : vector<16xf32>
        %swap3A_252 = arith.index_cast %add3A_175 : i32 to index
        %swap3A_253 = arith.constant 80 : index
        %swap3A_254 = tpu.vector_load %arg11[%swap3A_252, %swap3A_253] {strides = array<i32>} : memref<64x128xf32, #tpu.memory_space<vmem>>, vector<1x16xf32>,
        %swap3A_255 = vector.shape_cast %swap3A_254 : vector<1x16xf32> to vector<16xf32>
        %swap3A_256 = vector.shape_cast %sub3A_251 : vector<16xf32> to vector<1x16xf32>
        tpu.vector_store %arg11[%swap3A_252, %swap3A_253], %swap3A_256 {strides = array<i32>} : memref<64x128xf32, #tpu.memory_space<vmem>>, vector<1x16xf32>,
        %get3A_257 = arith.index_cast %add3A_175 : i32 to index
        %get3A_258 = arith.constant 96 : index
        %get3A_259 = tpu.vector_load %arg11[%get3A_257, %get3A_258] {strides = array<i32>} : memref<64x128xf32, #tpu.memory_space<vmem>>, vector<1x16xf32>,
        %get3A_260 = vector.shape_cast %get3A_259 : vector<1x16xf32> to vector<16xf32>
        %get3A_261 = arith.index_cast %add3A_175 : i32 to index
        %get3A_262 = arith.constant 96 : index
        %get3A_263 = tpu.vector_load %arg9[%get3A_261, %get3A_262] {strides = array<i32>} : memref<64x128xf32, #tpu.memory_space<vmem>>, vector<1x16xf32>,
        %get3A_264 = vector.shape_cast %get3A_263 : vector<1x16xf32> to vector<16xf32>
        %sub3A_265 = arith.subf %get3A_260, %get3A_264 : vector<16xf32>
        %swap3A_266 = arith.index_cast %add3A_175 : i32 to index
        %swap3A_267 = arith.constant 96 : index
        %swap3A_268 = tpu.vector_load %arg11[%swap3A_266, %swap3A_267] {strides = array<i32>} : memref<64x128xf32, #tpu.memory_space<vmem>>, vector<1x16xf32>,
        %swap3A_269 = vector.shape_cast %swap3A_268 : vector<1x16xf32> to vector<16xf32>
        %swap3A_270 = vector.shape_cast %sub3A_265 : vector<16xf32> to vector<1x16xf32>
        tpu.vector_store %arg11[%swap3A_266, %swap3A_267], %swap3A_270 {strides = array<i32>} : memref<64x128xf32, #tpu.memory_space<vmem>>, vector<1x16xf32>,
        %get3A_271 = arith.index_cast %add3A_175 : i32 to index
        %get3A_272 = arith.constant 112 : index
        %get3A_273 = tpu.vector_load %arg11[%get3A_271, %get3A_272] {strides = array<i32>} : memref<64x128xf32, #tpu.memory_space<vmem>>, vector<1x16xf32>,
        %get3A_274 = vector.shape_cast %get3A_273 : vector<1x16xf32> to vector<16xf32>
        %get3A_275 = arith.index_cast %add3A_175 : i32 to index
        %get3A_276 = arith.constant 112 : index
        %get3A_277 = tpu.vector_load %arg9[%get3A_275, %get3A_276] {strides = array<i32>} : memref<64x128xf32, #tpu.memory_space<vmem>>, vector<1x16xf32>,
        %get3A_278 = vector.shape_cast %get3A_277 : vector<1x16xf32> to vector<16xf32>
        %sub3A_279 = arith.subf %get3A_274, %get3A_278 : vector<16xf32>
        %swap3A_280 = arith.index_cast %add3A_175 : i32 to index
        %swap3A_281 = arith.constant 112 : index
        %swap3A_282 = tpu.vector_load %arg11[%swap3A_280, %swap3A_281] {strides = array<i32>} : memref<64x128xf32, #tpu.memory_space<vmem>>, vector<1x16xf32>,
        %swap3A_283 = vector.shape_cast %swap3A_282 : vector<1x16xf32> to vector<16xf32>
        %swap3A_284 = vector.shape_cast %sub3A_279 : vector<16xf32> to vector<1x16xf32>
        tpu.vector_store %arg11[%swap3A_280, %swap3A_281], %swap3A_284 {strides = array<i32>} : memref<64x128xf32, #tpu.memory_space<vmem>>, vector<1x16xf32>,
      }
      %scan3A_108 = arith.constant 64 : i32
      %add3A_109 = arith.constant 2 : i32
      %add3A_110 = arith.addi %add3A_87, %add3A_109 : i32
      %lt3A = arith.constant 40 : i32
      %lt3A_111 = arith.cmpi slt, %add3A_110, %lt3A : i32
      %convert_element_type3A = arith.extui %lt3A_111 : i1 to i32
      %cond3A = arith.constant 0 : i32
      %cond3A_112 = arith.cmpi ne, %convert_element_type3A, %cond3A : i32
      scf.if %cond3A_112 {
        %add3A_171 = arith.constant 2 : i32
        %add3A_172 = arith.addi %add3A_87, %add3A_171 : i32
        %dma_start3A_173 = arith.constant 0 : i32
        %dma_start3A_174 = tpu.memref_slice %arg7[%add3A_172, %dma_start3A_173] : memref<40x64xi32, #tpu.memory_space<vmem>> -> memref<1x64xi32, #tpu.memory_space<vmem>>
        %dma_start3A_175 = tpu.memref_squeeze %dma_start3A_174 : memref<1x64xi32, #tpu.memory_space<vmem>> -> memref<64xi32, #tpu.memory_space<vmem>>
        %dma_start3A_176 = arith.constant 0 : i32
        %dma_start3A_177 = arith.constant 0 : i32
        %dma_start3A_178 = tpu.memref_slice %arg6[%dma_start3A_176, %dma_start3A_177] : memref<10112x128xf32, #tpu.memory_space<vmem_shared>> -> memref<10112x128xf32, #tpu.memory_space<vmem_shared>>
        tpu.enqueue_indirect_dma source(%dma_start3A_178 : memref<10112x128xf32, #tpu.memory_space<vmem_shared>>) target(%arg9 : memref<64x128xf32, #tpu.memory_space<vmem>>) offsets(%dma_start3A_175 : memref<64xi32, #tpu.memory_space<vmem>>) semaphore(%arg13 : memref<!tpu.dma_semaphore, #tpu.memory_space<semaphore_mem>>)
      } else {
      }
      %dma_start3A_113 = arith.constant 0 : i32
      %dma_start3A_114 = tpu.memref_slice %arg5[%add3A_90, %dma_start3A_113] : memref<163840x128xf32, #tpu.memory_space<hbm>> -> memref<64x128xf32, #tpu.memory_space<hbm>>
      %dma_start3A_115 = arith.constant 0 : i32
      %dma_start3A_116 = tpu.memref_slice %arg5[%add3A_90, %dma_start3A_115] : memref<163840x128xf32, #tpu.memory_space<hbm>> -> memref<64x128xf32, #tpu.memory_space<hbm>>
      tpu.enqueue_dma source(%arg11 : memref<64x128xf32, #tpu.memory_space<vmem>>) target(%dma_start3A_116 : memref<64x128xf32, #tpu.memory_space<hbm>>) target_semaphore(%arg17 : memref<!tpu.dma_semaphore, #tpu.memory_space<semaphore_mem>>)
      %dma_wait3A_117 = arith.constant 0 : i32
      %dma_wait3A_118 = arith.constant 0 : i32
      %dma_wait3A_119 = tpu.memref_slice %arg7[%dma_wait3A_117, %dma_wait3A_118] : memref<40x64xi32, #tpu.memory_space<vmem>> -> memref<1x64xi32, #tpu.memory_space<vmem>>
      %dma_wait3A_120 = tpu.memref_squeeze %dma_wait3A_119 : memref<1x64xi32, #tpu.memory_space<vmem>> -> memref<64xi32, #tpu.memory_space<vmem>>
      %dma_wait3A_121 = arith.constant 0 : i32
      %dma_wait3A_122 = arith.constant 0 : i32
      %dma_wait3A_123 = tpu.memref_slice %arg6[%dma_wait3A_121, %dma_wait3A_122] : memref<10112x128xf32, #tpu.memory_space<vmem_shared>> -> memref<10112x128xf32, #tpu.memory_space<vmem_shared>>
      tpu.wait_indirect_dma semaphore(%arg14 : memref<!tpu.dma_semaphore, #tpu.memory_space<semaphore_mem>>) src(%dma_wait3A_123 : memref<10112x128xf32, #tpu.memory_space<vmem_shared>>) dst(%arg10 : memref<64x128xf32, #tpu.memory_space<vmem>>)
      %dma_wait3A_124 = arith.constant 0 : i32
      %dma_wait3A_125 = arith.constant 0 : i32
      %dma_wait3A_126 = tpu.memref_slice %arg8[%dma_wait3A_124, %dma_wait3A_125] : memref<40x64xi32, #tpu.memory_space<vmem>> -> memref<1x64xi32, #tpu.memory_space<vmem>>
      %dma_wait3A_127 = tpu.memref_squeeze %dma_wait3A_126 : memref<1x64xi32, #tpu.memory_space<vmem>> -> memref<64xi32, #tpu.memory_space<vmem>>
      %dma_wait3A_128 = arith.constant 0 : i32
      %dma_wait3A_129 = arith.constant 0 : i32
      %dma_wait3A_130 = tpu.memref_slice %arg6[%dma_wait3A_128, %dma_wait3A_129] : memref<10112x128xf32, #tpu.memory_space<vmem_shared>> -> memref<10112x128xf32, #tpu.memory_space<vmem_shared>>
      tpu.wait_indirect_dma semaphore(%arg16 : memref<!tpu.dma_semaphore, #tpu.memory_space<semaphore_mem>>) src(%dma_wait3A_130 : memref<10112x128xf32, #tpu.memory_space<vmem_shared>>) dst(%arg12 : memref<64x128xf32, #tpu.memory_space<vmem>>)
      %scan3A_131 = arith.constant 0 : i32
      %scan3A_132 = arith.constant 64 : i32
      %scan3A_133 = arith.addi %scan3A_131, %scan3A_132 : i32
      %scan3A_134 = arith.constant 1 : i32
      scf.for %scan3A_171 = %scan3A_131 to %scan3A_133 step %scan3A_134  : i32 {
        %mul3A_172 = arith.constant 1 : i32
        %mul3A_173 = arith.muli %scan3A_171, %mul3A_172 : i32
        %add3A_174 = arith.constant 0 : i32
        %add3A_175 = arith.addi %add3A_174, %mul3A_173 : i32
        %get3A = arith.index_cast %add3A_175 : i32 to index
        %get3A_176 = arith.constant 0 : index
        %get3A_177 = tpu.vector_load %arg12[%get3A, %get3A_176] {strides = array<i32>} : memref<64x128xf32, #tpu.memory_space<vmem>>, vector<1x16xf32>,
        %get3A_178 = vector.shape_cast %get3A_177 : vector<1x16xf32> to vector<16xf32>
        %get3A_179 = arith.index_cast %add3A_175 : i32 to index
        %get3A_180 = arith.constant 0 : index
        %get3A_181 = tpu.vector_load %arg10[%get3A_179, %get3A_180] {strides = array<i32>} : memref<64x128xf32, #tpu.memory_space<vmem>>, vector<1x16xf32>,
        %get3A_182 = vector.shape_cast %get3A_181 : vector<1x16xf32> to vector<16xf32>
        %sub3A = arith.subf %get3A_178, %get3A_182 : vector<16xf32>
        %swap3A = arith.index_cast %add3A_175 : i32 to index
        %swap3A_183 = arith.constant 0 : index
        %swap3A_184 = tpu.vector_load %arg12[%swap3A, %swap3A_183] {strides = array<i32>} : memref<64x128xf32, #tpu.memory_space<vmem>>, vector<1x16xf32>,
        %swap3A_185 = vector.shape_cast %swap3A_184 : vector<1x16xf32> to vector<16xf32>
        %swap3A_186 = vector.shape_cast %sub3A : vector<16xf32> to vector<1x16xf32>
        tpu.vector_store %arg12[%swap3A, %swap3A_183], %swap3A_186 {strides = array<i32>} : memref<64x128xf32, #tpu.memory_space<vmem>>, vector<1x16xf32>,
        %get3A_187 = arith.index_cast %add3A_175 : i32 to index
        %get3A_188 = arith.constant 16 : index
        %get3A_189 = tpu.vector_load %arg12[%get3A_187, %get3A_188] {strides = array<i32>} : memref<64x128xf32, #tpu.memory_space<vmem>>, vector<1x16xf32>,
        %get3A_190 = vector.shape_cast %get3A_189 : vector<1x16xf32> to vector<16xf32>
        %get3A_191 = arith.index_cast %add3A_175 : i32 to index
        %get3A_192 = arith.constant 16 : index
        %get3A_193 = tpu.vector_load %arg10[%get3A_191, %get3A_192] {strides = array<i32>} : memref<64x128xf32, #tpu.memory_space<vmem>>, vector<1x16xf32>,
        %get3A_194 = vector.shape_cast %get3A_193 : vector<1x16xf32> to vector<16xf32>
        %sub3A_195 = arith.subf %get3A_190, %get3A_194 : vector<16xf32>
        %swap3A_196 = arith.index_cast %add3A_175 : i32 to index
        %swap3A_197 = arith.constant 16 : index
        %swap3A_198 = tpu.vector_load %arg12[%swap3A_196, %swap3A_197] {strides = array<i32>} : memref<64x128xf32, #tpu.memory_space<vmem>>, vector<1x16xf32>,
        %swap3A_199 = vector.shape_cast %swap3A_198 : vector<1x16xf32> to vector<16xf32>
        %swap3A_200 = vector.shape_cast %sub3A_195 : vector<16xf32> to vector<1x16xf32>
        tpu.vector_store %arg12[%swap3A_196, %swap3A_197], %swap3A_200 {strides = array<i32>} : memref<64x128xf32, #tpu.memory_space<vmem>>, vector<1x16xf32>,
        %get3A_201 = arith.index_cast %add3A_175 : i32 to index
        %get3A_202 = arith.constant 32 : index
        %get3A_203 = tpu.vector_load %arg12[%get3A_201, %get3A_202] {strides = array<i32>} : memref<64x128xf32, #tpu.memory_space<vmem>>, vector<1x16xf32>,
        %get3A_204 = vector.shape_cast %get3A_203 : vector<1x16xf32> to vector<16xf32>
        %get3A_205 = arith.index_cast %add3A_175 : i32 to index
        %get3A_206 = arith.constant 32 : index
        %get3A_207 = tpu.vector_load %arg10[%get3A_205, %get3A_206] {strides = array<i32>} : memref<64x128xf32, #tpu.memory_space<vmem>>, vector<1x16xf32>,
        %get3A_208 = vector.shape_cast %get3A_207 : vector<1x16xf32> to vector<16xf32>
        %sub3A_209 = arith.subf %get3A_204, %get3A_208 : vector<16xf32>
        %swap3A_210 = arith.index_cast %add3A_175 : i32 to index
        %swap3A_211 = arith.constant 32 : index
        %swap3A_212 = tpu.vector_load %arg12[%swap3A_210, %swap3A_211] {strides = array<i32>} : memref<64x128xf32, #tpu.memory_space<vmem>>, vector<1x16xf32>,
        %swap3A_213 = vector.shape_cast %swap3A_212 : vector<1x16xf32> to vector<16xf32>
        %swap3A_214 = vector.shape_cast %sub3A_209 : vector<16xf32> to vector<1x16xf32>
        tpu.vector_store %arg12[%swap3A_210, %swap3A_211], %swap3A_214 {strides = array<i32>} : memref<64x128xf32, #tpu.memory_space<vmem>>, vector<1x16xf32>,
        %get3A_215 = arith.index_cast %add3A_175 : i32 to index
        %get3A_216 = arith.constant 48 : index
        %get3A_217 = tpu.vector_load %arg12[%get3A_215, %get3A_216] {strides = array<i32>} : memref<64x128xf32, #tpu.memory_space<vmem>>, vector<1x16xf32>,
        %get3A_218 = vector.shape_cast %get3A_217 : vector<1x16xf32> to vector<16xf32>
        %get3A_219 = arith.index_cast %add3A_175 : i32 to index
        %get3A_220 = arith.constant 48 : index
        %get3A_221 = tpu.vector_load %arg10[%get3A_219, %get3A_220] {strides = array<i32>} : memref<64x128xf32, #tpu.memory_space<vmem>>, vector<1x16xf32>,
        %get3A_222 = vector.shape_cast %get3A_221 : vector<1x16xf32> to vector<16xf32>
        %sub3A_223 = arith.subf %get3A_218, %get3A_222 : vector<16xf32>
        %swap3A_224 = arith.index_cast %add3A_175 : i32 to index
        %swap3A_225 = arith.constant 48 : index
        %swap3A_226 = tpu.vector_load %arg12[%swap3A_224, %swap3A_225] {strides = array<i32>} : memref<64x128xf32, #tpu.memory_space<vmem>>, vector<1x16xf32>,
        %swap3A_227 = vector.shape_cast %swap3A_226 : vector<1x16xf32> to vector<16xf32>
        %swap3A_228 = vector.shape_cast %sub3A_223 : vector<16xf32> to vector<1x16xf32>
        tpu.vector_store %arg12[%swap3A_224, %swap3A_225], %swap3A_228 {strides = array<i32>} : memref<64x128xf32, #tpu.memory_space<vmem>>, vector<1x16xf32>,
        %get3A_229 = arith.index_cast %add3A_175 : i32 to index
        %get3A_230 = arith.constant 64 : index
        %get3A_231 = tpu.vector_load %arg12[%get3A_229, %get3A_230] {strides = array<i32>} : memref<64x128xf32, #tpu.memory_space<vmem>>, vector<1x16xf32>,
        %get3A_232 = vector.shape_cast %get3A_231 : vector<1x16xf32> to vector<16xf32>
        %get3A_233 = arith.index_cast %add3A_175 : i32 to index
        %get3A_234 = arith.constant 64 : index
        %get3A_235 = tpu.vector_load %arg10[%get3A_233, %get3A_234] {strides = array<i32>} : memref<64x128xf32, #tpu.memory_space<vmem>>, vector<1x16xf32>,
        %get3A_236 = vector.shape_cast %get3A_235 : vector<1x16xf32> to vector<16xf32>
        %sub3A_237 = arith.subf %get3A_232, %get3A_236 : vector<16xf32>
        %swap3A_238 = arith.index_cast %add3A_175 : i32 to index
        %swap3A_239 = arith.constant 64 : index
        %swap3A_240 = tpu.vector_load %arg12[%swap3A_238, %swap3A_239] {strides = array<i32>} : memref<64x128xf32, #tpu.memory_space<vmem>>, vector<1x16xf32>,
        %swap3A_241 = vector.shape_cast %swap3A_240 : vector<1x16xf32> to vector<16xf32>
        %swap3A_242 = vector.shape_cast %sub3A_237 : vector<16xf32> to vector<1x16xf32>
        tpu.vector_store %arg12[%swap3A_238, %swap3A_239], %swap3A_242 {strides = array<i32>} : memref<64x128xf32, #tpu.memory_space<vmem>>, vector<1x16xf32>,
        %get3A_243 = arith.index_cast %add3A_175 : i32 to index
        %get3A_244 = arith.constant 80 : index
        %get3A_245 = tpu.vector_load %arg12[%get3A_243, %get3A_244] {strides = array<i32>} : memref<64x128xf32, #tpu.memory_space<vmem>>, vector<1x16xf32>,
        %get3A_246 = vector.shape_cast %get3A_245 : vector<1x16xf32> to vector<16xf32>
        %get3A_247 = arith.index_cast %add3A_175 : i32 to index
        %get3A_248 = arith.constant 80 : index
        %get3A_249 = tpu.vector_load %arg10[%get3A_247, %get3A_248] {strides = array<i32>} : memref<64x128xf32, #tpu.memory_space<vmem>>, vector<1x16xf32>,
        %get3A_250 = vector.shape_cast %get3A_249 : vector<1x16xf32> to vector<16xf32>
        %sub3A_251 = arith.subf %get3A_246, %get3A_250 : vector<16xf32>
        %swap3A_252 = arith.index_cast %add3A_175 : i32 to index
        %swap3A_253 = arith.constant 80 : index
        %swap3A_254 = tpu.vector_load %arg12[%swap3A_252, %swap3A_253] {strides = array<i32>} : memref<64x128xf32, #tpu.memory_space<vmem>>, vector<1x16xf32>,
        %swap3A_255 = vector.shape_cast %swap3A_254 : vector<1x16xf32> to vector<16xf32>
        %swap3A_256 = vector.shape_cast %sub3A_251 : vector<16xf32> to vector<1x16xf32>
        tpu.vector_store %arg12[%swap3A_252, %swap3A_253], %swap3A_256 {strides = array<i32>} : memref<64x128xf32, #tpu.memory_space<vmem>>, vector<1x16xf32>,
        %get3A_257 = arith.index_cast %add3A_175 : i32 to index
        %get3A_258 = arith.constant 96 : index
        %get3A_259 = tpu.vector_load %arg12[%get3A_257, %get3A_258] {strides = array<i32>} : memref<64x128xf32, #tpu.memory_space<vmem>>, vector<1x16xf32>,
        %get3A_260 = vector.shape_cast %get3A_259 : vector<1x16xf32> to vector<16xf32>
        %get3A_261 = arith.index_cast %add3A_175 : i32 to index
        %get3A_262 = arith.constant 96 : index
        %get3A_263 = tpu.vector_load %arg10[%get3A_261, %get3A_262] {strides = array<i32>} : memref<64x128xf32, #tpu.memory_space<vmem>>, vector<1x16xf32>,
        %get3A_264 = vector.shape_cast %get3A_263 : vector<1x16xf32> to vector<16xf32>
        %sub3A_265 = arith.subf %get3A_260, %get3A_264 : vector<16xf32>
        %swap3A_266 = arith.index_cast %add3A_175 : i32 to index
        %swap3A_267 = arith.constant 96 : index
        %swap3A_268 = tpu.vector_load %arg12[%swap3A_266, %swap3A_267] {strides = array<i32>} : memref<64x128xf32, #tpu.memory_space<vmem>>, vector<1x16xf32>,
        %swap3A_269 = vector.shape_cast %swap3A_268 : vector<1x16xf32> to vector<16xf32>
        %swap3A_270 = vector.shape_cast %sub3A_265 : vector<16xf32> to vector<1x16xf32>
        tpu.vector_store %arg12[%swap3A_266, %swap3A_267], %swap3A_270 {strides = array<i32>} : memref<64x128xf32, #tpu.memory_space<vmem>>, vector<1x16xf32>,
        %get3A_271 = arith.index_cast %add3A_175 : i32 to index
        %get3A_272 = arith.constant 112 : index
        %get3A_273 = tpu.vector_load %arg12[%get3A_271, %get3A_272] {strides = array<i32>} : memref<64x128xf32, #tpu.memory_space<vmem>>, vector<1x16xf32>,
        %get3A_274 = vector.shape_cast %get3A_273 : vector<1x16xf32> to vector<16xf32>
        %get3A_275 = arith.index_cast %add3A_175 : i32 to index
        %get3A_276 = arith.constant 112 : index
        %get3A_277 = tpu.vector_load %arg10[%get3A_275, %get3A_276] {strides = array<i32>} : memref<64x128xf32, #tpu.memory_space<vmem>>, vector<1x16xf32>,
        %get3A_278 = vector.shape_cast %get3A_277 : vector<1x16xf32> to vector<16xf32>
        %sub3A_279 = arith.subf %get3A_274, %get3A_278 : vector<16xf32>
        %swap3A_280 = arith.index_cast %add3A_175 : i32 to index
        %swap3A_281 = arith.constant 112 : index
        %swap3A_282 = tpu.vector_load %arg12[%swap3A_280, %swap3A_281] {strides = array<i32>} : memref<64x128xf32, #tpu.memory_space<vmem>>, vector<1x16xf32>,
        %swap3A_283 = vector.shape_cast %swap3A_282 : vector<1x16xf32> to vector<16xf32>
        %swap3A_284 = vector.shape_cast %sub3A_279 : vector<16xf32> to vector<1x16xf32>
        tpu.vector_store %arg12[%swap3A_280, %swap3A_281], %swap3A_284 {strides = array<i32>} : memref<64x128xf32, #tpu.memory_space<vmem>>, vector<1x16xf32>,
      }
      %scan3A_135 = arith.constant 64 : i32
      %dma_wait3A_136 = arith.constant 0 : i32
      %dma_wait3A_137 = tpu.memref_slice %arg5[%add3A_90, %dma_wait3A_136] : memref<163840x128xf32, #tpu.memory_space<hbm>> -> memref<64x128xf32, #tpu.memory_space<hbm>>
      %dma_wait3A_138 = arith.constant 0 : i32
      %dma_wait3A_139 = tpu.memref_slice %arg5[%add3A_90, %dma_wait3A_138] : memref<163840x128xf32, #tpu.memory_space<hbm>> -> memref<64x128xf32, #tpu.memory_space<hbm>>
      tpu.wait_dma2 semaphore(%arg17 : memref<!tpu.dma_semaphore, #tpu.memory_space<semaphore_mem>>) src(%arg11 : memref<64x128xf32, #tpu.memory_space<vmem>>) dst(%dma_wait3A_139 : memref<64x128xf32, #tpu.memory_space<hbm>>)
      %add3A_140 = arith.constant 2 : i32
      %add3A_141 = arith.addi %add3A_87, %add3A_140 : i32
      %lt3A_142 = arith.constant 40 : i32
      %lt3A_143 = arith.cmpi slt, %add3A_141, %lt3A_142 : i32
      %convert_element_type3A_144 = arith.extui %lt3A_143 : i1 to i32
      %cond3A_145 = arith.constant 0 : i32
      %cond3A_146 = arith.cmpi ne, %convert_element_type3A_144, %cond3A_145 : i32
      scf.if %cond3A_146 {
        %add3A_171 = arith.constant 2 : i32
        %add3A_172 = arith.addi %add3A_87, %add3A_171 : i32
        %dma_start3A_173 = arith.constant 0 : i32
        %dma_start3A_174 = tpu.memref_slice %arg8[%add3A_172, %dma_start3A_173] : memref<40x64xi32, #tpu.memory_space<vmem>> -> memref<1x64xi32, #tpu.memory_space<vmem>>
        %dma_start3A_175 = tpu.memref_squeeze %dma_start3A_174 : memref<1x64xi32, #tpu.memory_space<vmem>> -> memref<64xi32, #tpu.memory_space<vmem>>
        %dma_start3A_176 = arith.constant 0 : i32
        %dma_start3A_177 = arith.constant 0 : i32
        %dma_start3A_178 = tpu.memref_slice %arg6[%dma_start3A_176, %dma_start3A_177] : memref<10112x128xf32, #tpu.memory_space<vmem_shared>> -> memref<10112x128xf32, #tpu.memory_space<vmem_shared>>
        tpu.enqueue_indirect_dma source(%dma_start3A_178 : memref<10112x128xf32, #tpu.memory_space<vmem_shared>>) target(%arg11 : memref<64x128xf32, #tpu.memory_space<vmem>>) offsets(%dma_start3A_175 : memref<64xi32, #tpu.memory_space<vmem>>) semaphore(%arg15 : memref<!tpu.dma_semaphore, #tpu.memory_space<semaphore_mem>>)
      } else {
      }
      %add3A_147 = arith.constant 3 : i32
      %add3A_148 = arith.addi %add3A_87, %add3A_147 : i32
      %lt3A_149 = arith.constant 40 : i32
      %lt3A_150 = arith.cmpi slt, %add3A_148, %lt3A_149 : i32
      %convert_element_type3A_151 = arith.extui %lt3A_150 : i1 to i32
      %cond3A_152 = arith.constant 0 : i32
      %cond3A_153 = arith.cmpi ne, %convert_element_type3A_151, %cond3A_152 : i32
      scf.if %cond3A_153 {
        %add3A_171 = arith.constant 3 : i32
        %add3A_172 = arith.addi %add3A_87, %add3A_171 : i32
        %dma_start3A_173 = arith.constant 0 : i32
        %dma_start3A_174 = tpu.memref_slice %arg7[%add3A_172, %dma_start3A_173] : memref<40x64xi32, #tpu.memory_space<vmem>> -> memref<1x64xi32, #tpu.memory_space<vmem>>
        %dma_start3A_175 = tpu.memref_squeeze %dma_start3A_174 : memref<1x64xi32, #tpu.memory_space<vmem>> -> memref<64xi32, #tpu.memory_space<vmem>>
        %dma_start3A_176 = arith.constant 0 : i32
        %dma_start3A_177 = arith.constant 0 : i32
        %dma_start3A_178 = tpu.memref_slice %arg6[%dma_start3A_176, %dma_start3A_177] : memref<10112x128xf32, #tpu.memory_space<vmem_shared>> -> memref<10112x128xf32, #tpu.memory_space<vmem_shared>>
        tpu.enqueue_indirect_dma source(%dma_start3A_178 : memref<10112x128xf32, #tpu.memory_space<vmem_shared>>) target(%arg10 : memref<64x128xf32, #tpu.memory_space<vmem>>) offsets(%dma_start3A_175 : memref<64xi32, #tpu.memory_space<vmem>>) semaphore(%arg14 : memref<!tpu.dma_semaphore, #tpu.memory_space<semaphore_mem>>)
      } else {
      }
      %add3A_154 = arith.constant 64 : i32
      %add3A_155 = arith.addi %add3A_90, %add3A_154 : i32
      %dma_start3A_156 = arith.constant 0 : i32
      %dma_start3A_157 = tpu.memref_slice %arg5[%add3A_155, %dma_start3A_156] : memref<163840x128xf32, #tpu.memory_space<hbm>> -> memref<64x128xf32, #tpu.memory_space<hbm>>
      %dma_start3A_158 = arith.constant 0 : i32
      %dma_start3A_159 = tpu.memref_slice %arg5[%add3A_155, %dma_start3A_158] : memref<163840x128xf32, #tpu.memory_space<hbm>> -> memref<64x128xf32, #tpu.memory_space<hbm>>
      tpu.enqueue_dma source(%arg12 : memref<64x128xf32, #tpu.memory_space<vmem>>) target(%dma_start3A_159 : memref<64x128xf32, #tpu.memory_space<hbm>>) target_semaphore(%arg18 : memref<!tpu.dma_semaphore, #tpu.memory_space<semaphore_mem>>)
      %dma_wait3A_160 = arith.constant 0 : i32
      %dma_wait3A_161 = tpu.memref_slice %arg5[%add3A_90, %dma_wait3A_160] : memref<163840x128xf32, #tpu.memory_space<hbm>> -> memref<64x128xf32, #tpu.memory_space<hbm>>
      %dma_wait3A_162 = arith.constant 0 : i32
      %dma_wait3A_163 = tpu.memref_slice %arg5[%add3A_90, %dma_wait3A_162] : memref<163840x128xf32, #tpu.memory_space<hbm>> -> memref<64x128xf32, #tpu.memory_space<hbm>>
      tpu.wait_dma2 semaphore(%arg18 : memref<!tpu.dma_semaphore, #tpu.memory_space<semaphore_mem>>) src(%arg12 : memref<64x128xf32, #tpu.memory_space<vmem>>) dst(%dma_wait3A_163 : memref<64x128xf32, #tpu.memory_space<hbm>>)
      %add3A_164 = arith.constant 3 : i32
      %add3A_165 = arith.addi %add3A_87, %add3A_164 : i32
      %lt3A_166 = arith.constant 40 : i32
      %lt3A_167 = arith.cmpi slt, %add3A_165, %lt3A_166 : i32
      %convert_element_type3A_168 = arith.extui %lt3A_167 : i1 to i32
      %cond3A_169 = arith.constant 0 : i32
      %cond3A_170 = arith.cmpi ne, %convert_element_type3A_168, %cond3A_169 : i32
      scf.if %cond3A_170 {
        %add3A_171 = arith.constant 3 : i32
        %add3A_172 = arith.addi %add3A_87, %add3A_171 : i32
        %dma_start3A_173 = arith.constant 0 : i32
        %dma_start3A_174 = tpu.memref_slice %arg8[%add3A_172, %dma_start3A_173] : memref<40x64xi32, #tpu.memory_space<vmem>> -> memref<1x64xi32, #tpu.memory_space<vmem>>
        %dma_start3A_175 = tpu.memref_squeeze %dma_start3A_174 : memref<1x64xi32, #tpu.memory_space<vmem>> -> memref<64xi32, #tpu.memory_space<vmem>>
        %dma_start3A_176 = arith.constant 0 : i32
        %dma_start3A_177 = arith.constant 0 : i32
        %dma_start3A_178 = tpu.memref_slice %arg6[%dma_start3A_176, %dma_start3A_177] : memref<10112x128xf32, #tpu.memory_space<vmem_shared>> -> memref<10112x128xf32, #tpu.memory_space<vmem_shared>>
        tpu.enqueue_indirect_dma source(%dma_start3A_178 : memref<10112x128xf32, #tpu.memory_space<vmem_shared>>) target(%arg12 : memref<64x128xf32, #tpu.memory_space<vmem>>) offsets(%dma_start3A_175 : memref<64xi32, #tpu.memory_space<vmem>>) semaphore(%arg16 : memref<!tpu.dma_semaphore, #tpu.memory_space<semaphore_mem>>)
      } else {
      }
    }
    %scan3A_39 = arith.constant 20 : i32
    %add3A_40 = arith.constant 40 : i32
    %add3A_41 = arith.addi %mul3A_4, %add3A_40 : i32
    "tpu.region"() ({
      %run_scoped3A = tpu.sem_alloc : memref<!tpu.dma_semaphore, #tpu.memory_space<semaphore_mem>>
      %dma_start3A_83 = arith.constant 0 : i32
      %dma_start3A_84 = tpu.memref_slice %arg3[%add3A_41, %dma_start3A_83] : memref<2560x64xi32, #tpu.memory_space<hbm>> -> memref<40x64xi32, #tpu.memory_space<hbm>>
      %dma_start3A_85 = arith.constant 0 : i32
      %dma_start3A_86 = tpu.memref_slice %arg3[%add3A_41, %dma_start3A_85] : memref<2560x64xi32, #tpu.memory_space<hbm>> -> memref<40x64xi32, #tpu.memory_space<hbm>>
      tpu.enqueue_dma source(%dma_start3A_86 : memref<40x64xi32, #tpu.memory_space<hbm>>) target(%arg7 : memref<40x64xi32, #tpu.memory_space<vmem>>) target_semaphore(%run_scoped3A : memref<!tpu.dma_semaphore, #tpu.memory_space<semaphore_mem>>)
      %dma_wait3A = arith.constant 0 : i32
      %dma_wait3A_87 = tpu.memref_slice %arg3[%add3A_41, %dma_wait3A] : memref<2560x64xi32, #tpu.memory_space<hbm>> -> memref<40x64xi32, #tpu.memory_space<hbm>>
      %dma_wait3A_88 = arith.constant 0 : i32
      %dma_wait3A_89 = tpu.memref_slice %arg3[%add3A_41, %dma_wait3A_88] : memref<2560x64xi32, #tpu.memory_space<hbm>> -> memref<40x64xi32, #tpu.memory_space<hbm>>
      tpu.wait_dma2 semaphore(%run_scoped3A : memref<!tpu.dma_semaphore, #tpu.memory_space<semaphore_mem>>) src(%dma_wait3A_89 : memref<40x64xi32, #tpu.memory_space<hbm>>) dst(%arg7 : memref<40x64xi32, #tpu.memory_space<vmem>>)
      tpu.yield
    }) : () -> ()
    %add3A_42 = arith.constant 40 : i32
    %add3A_43 = arith.addi %mul3A_4, %add3A_42 : i32
    "tpu.region"() ({
      %run_scoped3A = tpu.sem_alloc : memref<!tpu.dma_semaphore, #tpu.memory_space<semaphore_mem>>
      %dma_start3A_83 = arith.constant 0 : i32
      %dma_start3A_84 = tpu.memref_slice %arg4[%add3A_43, %dma_start3A_83] : memref<2560x64xi32, #tpu.memory_space<hbm>> -> memref<40x64xi32, #tpu.memory_space<hbm>>
      %dma_start3A_85 = arith.constant 0 : i32
      %dma_start3A_86 = tpu.memref_slice %arg4[%add3A_43, %dma_start3A_85] : memref<2560x64xi32, #tpu.memory_space<hbm>> -> memref<40x64xi32, #tpu.memory_space<hbm>>
      tpu.enqueue_dma source(%dma_start3A_86 : memref<40x64xi32, #tpu.memory_space<hbm>>) target(%arg8 : memref<40x64xi32, #tpu.memory_space<vmem>>) target_semaphore(%run_scoped3A : memref<!tpu.dma_semaphore, #tpu.memory_space<semaphore_mem>>)
      %dma_wait3A = arith.constant 0 : i32
      %dma_wait3A_87 = tpu.memref_slice %arg4[%add3A_43, %dma_wait3A] : memref<2560x64xi32, #tpu.memory_space<hbm>> -> memref<40x64xi32, #tpu.memory_space<hbm>>
      %dma_wait3A_88 = arith.constant 0 : i32
      %dma_wait3A_89 = tpu.memref_slice %arg4[%add3A_43, %dma_wait3A_88] : memref<2560x64xi32, #tpu.memory_space<hbm>> -> memref<40x64xi32, #tpu.memory_space<hbm>>
      tpu.wait_dma2 semaphore(%run_scoped3A : memref<!tpu.dma_semaphore, #tpu.memory_space<semaphore_mem>>) src(%dma_wait3A_89 : memref<40x64xi32, #tpu.memory_space<hbm>>) dst(%arg8 : memref<40x64xi32, #tpu.memory_space<vmem>>)
      tpu.yield
    }) : () -> ()
    %mul3A_44 = arith.constant 80 : i32
    %mul3A_45 = arith.muli %add3A, %mul3A_44 : i32
    %add3A_46 = arith.constant 40 : i32
    %add3A_47 = arith.addi %mul3A_45, %add3A_46 : i32
    %mul3A_48 = arith.constant 64 : i32
    %mul3A_49 = arith.muli %add3A_47, %mul3A_48 : i32
    %dma_start3A_50 = arith.constant 0 : i32
    %dma_start3A_51 = arith.constant 0 : i32
    %dma_start3A_52 = tpu.memref_slice %arg7[%dma_start3A_50, %dma_start3A_51] : memref<40x64xi32, #tpu.memory_space<vmem>> -> memref<1x64xi32, #tpu.memory_space<vmem>>
    %dma_start3A_53 = tpu.memref_squeeze %dma_start3A_52 : memref<1x64xi32, #tpu.memory_space<vmem>> -> memref<64xi32, #tpu.memory_space<vmem>>
    %dma_start3A_54 = arith.constant 0 : i32
    %dma_start3A_55 = arith.constant 0 : i32
    %dma_start3A_56 = tpu.memref_slice %arg6[%dma_start3A_54, %dma_start3A_55] : memref<10112x128xf32, #tpu.memory_space<vmem_shared>> -> memref<10112x128xf32, #tpu.memory_space<vmem_shared>>
    tpu.enqueue_indirect_dma source(%dma_start3A_56 : memref<10112x128xf32, #tpu.memory_space<vmem_shared>>) target(%arg9 : memref<64x128xf32, #tpu.memory_space<vmem>>) offsets(%dma_start3A_53 : memref<64xi32, #tpu.memory_space<vmem>>) semaphore(%arg13 : memref<!tpu.dma_semaphore, #tpu.memory_space<semaphore_mem>>)
    %dma_start3A_57 = arith.constant 0 : i32
    %dma_start3A_58 = arith.constant 0 : i32
    %dma_start3A_59 = tpu.memref_slice %arg8[%dma_start3A_57, %dma_start3A_58] : memref<40x64xi32, #tpu.memory_space<vmem>> -> memref<1x64xi32, #tpu.memory_space<vmem>>
    %dma_start3A_60 = tpu.memref_squeeze %dma_start3A_59 : memref<1x64xi32, #tpu.memory_space<vmem>> -> memref<64xi32, #tpu.memory_space<vmem>>
    %dma_start3A_61 = arith.constant 0 : i32
    %dma_start3A_62 = arith.constant 0 : i32
    %dma_start3A_63 = tpu.memref_slice %arg6[%dma_start3A_61, %dma_start3A_62] : memref<10112x128xf32, #tpu.memory_space<vmem_shared>> -> memref<10112x128xf32, #tpu.memory_space<vmem_shared>>
    tpu.enqueue_indirect_dma source(%dma_start3A_63 : memref<10112x128xf32, #tpu.memory_space<vmem_shared>>) target(%arg11 : memref<64x128xf32, #tpu.memory_space<vmem>>) offsets(%dma_start3A_60 : memref<64xi32, #tpu.memory_space<vmem>>) semaphore(%arg15 : memref<!tpu.dma_semaphore, #tpu.memory_space<semaphore_mem>>)
    %dma_start3A_64 = arith.constant 1 : i32
    %dma_start3A_65 = arith.constant 0 : i32
    %dma_start3A_66 = tpu.memref_slice %arg7[%dma_start3A_64, %dma_start3A_65] : memref<40x64xi32, #tpu.memory_space<vmem>> -> memref<1x64xi32, #tpu.memory_space<vmem>>
    %dma_start3A_67 = tpu.memref_squeeze %dma_start3A_66 : memref<1x64xi32, #tpu.memory_space<vmem>> -> memref<64xi32, #tpu.memory_space<vmem>>
    %dma_start3A_68 = arith.constant 0 : i32
    %dma_start3A_69 = arith.constant 0 : i32
    %dma_start3A_70 = tpu.memref_slice %arg6[%dma_start3A_68, %dma_start3A_69] : memref<10112x128xf32, #tpu.memory_space<vmem_shared>> -> memref<10112x128xf32, #tpu.memory_space<vmem_shared>>
    tpu.enqueue_indirect_dma source(%dma_start3A_70 : memref<10112x128xf32, #tpu.memory_space<vmem_shared>>) target(%arg10 : memref<64x128xf32, #tpu.memory_space<vmem>>) offsets(%dma_start3A_67 : memref<64xi32, #tpu.memory_space<vmem>>) semaphore(%arg14 : memref<!tpu.dma_semaphore, #tpu.memory_space<semaphore_mem>>)
    %dma_start3A_71 = arith.constant 1 : i32
    %dma_start3A_72 = arith.constant 0 : i32
    %dma_start3A_73 = tpu.memref_slice %arg8[%dma_start3A_71, %dma_start3A_72] : memref<40x64xi32, #tpu.memory_space<vmem>> -> memref<1x64xi32, #tpu.memory_space<vmem>>
    %dma_start3A_74 = tpu.memref_squeeze %dma_start3A_73 : memref<1x64xi32, #tpu.memory_space<vmem>> -> memref<64xi32, #tpu.memory_space<vmem>>
    %dma_start3A_75 = arith.constant 0 : i32
    %dma_start3A_76 = arith.constant 0 : i32
    %dma_start3A_77 = tpu.memref_slice %arg6[%dma_start3A_75, %dma_start3A_76] : memref<10112x128xf32, #tpu.memory_space<vmem_shared>> -> memref<10112x128xf32, #tpu.memory_space<vmem_shared>>
    tpu.enqueue_indirect_dma source(%dma_start3A_77 : memref<10112x128xf32, #tpu.memory_space<vmem_shared>>) target(%arg12 : memref<64x128xf32, #tpu.memory_space<vmem>>) offsets(%dma_start3A_74 : memref<64xi32, #tpu.memory_space<vmem>>) semaphore(%arg16 : memref<!tpu.dma_semaphore, #tpu.memory_space<semaphore_mem>>)
    %scan3A_78 = arith.constant 0 : i32
    %scan3A_79 = arith.constant 20 : i32
    %scan3A_80 = arith.addi %scan3A_78, %scan3A_79 : i32
    %scan3A_81 = arith.constant 1 : i32
    scf.for %scan3A_83 = %scan3A_78 to %scan3A_80 step %scan3A_81  : i32 {
      %mul3A_84 = arith.constant 2 : i32
      %mul3A_85 = arith.muli %scan3A_83, %mul3A_84 : i32
      %add3A_86 = arith.constant 0 : i32
      %add3A_87 = arith.addi %add3A_86, %mul3A_85 : i32
      %mul3A_88 = arith.constant 64 : i32
      %mul3A_89 = arith.muli %add3A_87, %mul3A_88 : i32
      %add3A_90 = arith.addi %mul3A_49, %mul3A_89 : i32
      %dma_wait3A = arith.constant 0 : i32
      %dma_wait3A_91 = arith.constant 0 : i32
      %dma_wait3A_92 = tpu.memref_slice %arg7[%dma_wait3A, %dma_wait3A_91] : memref<40x64xi32, #tpu.memory_space<vmem>> -> memref<1x64xi32, #tpu.memory_space<vmem>>
      %dma_wait3A_93 = tpu.memref_squeeze %dma_wait3A_92 : memref<1x64xi32, #tpu.memory_space<vmem>> -> memref<64xi32, #tpu.memory_space<vmem>>
      %dma_wait3A_94 = arith.constant 0 : i32
      %dma_wait3A_95 = arith.constant 0 : i32
      %dma_wait3A_96 = tpu.memref_slice %arg6[%dma_wait3A_94, %dma_wait3A_95] : memref<10112x128xf32, #tpu.memory_space<vmem_shared>> -> memref<10112x128xf32, #tpu.memory_space<vmem_shared>>
      tpu.wait_indirect_dma semaphore(%arg13 : memref<!tpu.dma_semaphore, #tpu.memory_space<semaphore_mem>>) src(%dma_wait3A_96 : memref<10112x128xf32, #tpu.memory_space<vmem_shared>>) dst(%arg9 : memref<64x128xf32, #tpu.memory_space<vmem>>)
      %dma_wait3A_97 = arith.constant 0 : i32
      %dma_wait3A_98 = arith.constant 0 : i32
      %dma_wait3A_99 = tpu.memref_slice %arg8[%dma_wait3A_97, %dma_wait3A_98] : memref<40x64xi32, #tpu.memory_space<vmem>> -> memref<1x64xi32, #tpu.memory_space<vmem>>
      %dma_wait3A_100 = tpu.memref_squeeze %dma_wait3A_99 : memref<1x64xi32, #tpu.memory_space<vmem>> -> memref<64xi32, #tpu.memory_space<vmem>>
      %dma_wait3A_101 = arith.constant 0 : i32
      %dma_wait3A_102 = arith.constant 0 : i32
      %dma_wait3A_103 = tpu.memref_slice %arg6[%dma_wait3A_101, %dma_wait3A_102] : memref<10112x128xf32, #tpu.memory_space<vmem_shared>> -> memref<10112x128xf32, #tpu.memory_space<vmem_shared>>
      tpu.wait_indirect_dma semaphore(%arg15 : memref<!tpu.dma_semaphore, #tpu.memory_space<semaphore_mem>>) src(%dma_wait3A_103 : memref<10112x128xf32, #tpu.memory_space<vmem_shared>>) dst(%arg11 : memref<64x128xf32, #tpu.memory_space<vmem>>)
      %scan3A_104 = arith.constant 0 : i32
      %scan3A_105 = arith.constant 64 : i32
      %scan3A_106 = arith.addi %scan3A_104, %scan3A_105 : i32
      %scan3A_107 = arith.constant 1 : i32
      scf.for %scan3A_171 = %scan3A_104 to %scan3A_106 step %scan3A_107  : i32 {
        %mul3A_172 = arith.constant 1 : i32
        %mul3A_173 = arith.muli %scan3A_171, %mul3A_172 : i32
        %add3A_174 = arith.constant 0 : i32
        %add3A_175 = arith.addi %add3A_174, %mul3A_173 : i32
        %get3A = arith.index_cast %add3A_175 : i32 to index
        %get3A_176 = arith.constant 0 : index
        %get3A_177 = tpu.vector_load %arg11[%get3A, %get3A_176] {strides = array<i32>} : memref<64x128xf32, #tpu.memory_space<vmem>>, vector<1x16xf32>,
        %get3A_178 = vector.shape_cast %get3A_177 : vector<1x16xf32> to vector<16xf32>
        %get3A_179 = arith.index_cast %add3A_175 : i32 to index
        %get3A_180 = arith.constant 0 : index
        %get3A_181 = tpu.vector_load %arg9[%get3A_179, %get3A_180] {strides = array<i32>} : memref<64x128xf32, #tpu.memory_space<vmem>>, vector<1x16xf32>,
        %get3A_182 = vector.shape_cast %get3A_181 : vector<1x16xf32> to vector<16xf32>
        %sub3A = arith.subf %get3A_178, %get3A_182 : vector<16xf32>
        %swap3A = arith.index_cast %add3A_175 : i32 to index
        %swap3A_183 = arith.constant 0 : index
        %swap3A_184 = tpu.vector_load %arg11[%swap3A, %swap3A_183] {strides = array<i32>} : memref<64x128xf32, #tpu.memory_space<vmem>>, vector<1x16xf32>,
        %swap3A_185 = vector.shape_cast %swap3A_184 : vector<1x16xf32> to vector<16xf32>
        %swap3A_186 = vector.shape_cast %sub3A : vector<16xf32> to vector<1x16xf32>
        tpu.vector_store %arg11[%swap3A, %swap3A_183], %swap3A_186 {strides = array<i32>} : memref<64x128xf32, #tpu.memory_space<vmem>>, vector<1x16xf32>,
        %get3A_187 = arith.index_cast %add3A_175 : i32 to index
        %get3A_188 = arith.constant 16 : index
        %get3A_189 = tpu.vector_load %arg11[%get3A_187, %get3A_188] {strides = array<i32>} : memref<64x128xf32, #tpu.memory_space<vmem>>, vector<1x16xf32>,
        %get3A_190 = vector.shape_cast %get3A_189 : vector<1x16xf32> to vector<16xf32>
        %get3A_191 = arith.index_cast %add3A_175 : i32 to index
        %get3A_192 = arith.constant 16 : index
        %get3A_193 = tpu.vector_load %arg9[%get3A_191, %get3A_192] {strides = array<i32>} : memref<64x128xf32, #tpu.memory_space<vmem>>, vector<1x16xf32>,
        %get3A_194 = vector.shape_cast %get3A_193 : vector<1x16xf32> to vector<16xf32>
        %sub3A_195 = arith.subf %get3A_190, %get3A_194 : vector<16xf32>
        %swap3A_196 = arith.index_cast %add3A_175 : i32 to index
        %swap3A_197 = arith.constant 16 : index
        %swap3A_198 = tpu.vector_load %arg11[%swap3A_196, %swap3A_197] {strides = array<i32>} : memref<64x128xf32, #tpu.memory_space<vmem>>, vector<1x16xf32>,
        %swap3A_199 = vector.shape_cast %swap3A_198 : vector<1x16xf32> to vector<16xf32>
        %swap3A_200 = vector.shape_cast %sub3A_195 : vector<16xf32> to vector<1x16xf32>
        tpu.vector_store %arg11[%swap3A_196, %swap3A_197], %swap3A_200 {strides = array<i32>} : memref<64x128xf32, #tpu.memory_space<vmem>>, vector<1x16xf32>,
        %get3A_201 = arith.index_cast %add3A_175 : i32 to index
        %get3A_202 = arith.constant 32 : index
        %get3A_203 = tpu.vector_load %arg11[%get3A_201, %get3A_202] {strides = array<i32>} : memref<64x128xf32, #tpu.memory_space<vmem>>, vector<1x16xf32>,
        %get3A_204 = vector.shape_cast %get3A_203 : vector<1x16xf32> to vector<16xf32>
        %get3A_205 = arith.index_cast %add3A_175 : i32 to index
        %get3A_206 = arith.constant 32 : index
        %get3A_207 = tpu.vector_load %arg9[%get3A_205, %get3A_206] {strides = array<i32>} : memref<64x128xf32, #tpu.memory_space<vmem>>, vector<1x16xf32>,
        %get3A_208 = vector.shape_cast %get3A_207 : vector<1x16xf32> to vector<16xf32>
        %sub3A_209 = arith.subf %get3A_204, %get3A_208 : vector<16xf32>
        %swap3A_210 = arith.index_cast %add3A_175 : i32 to index
        %swap3A_211 = arith.constant 32 : index
        %swap3A_212 = tpu.vector_load %arg11[%swap3A_210, %swap3A_211] {strides = array<i32>} : memref<64x128xf32, #tpu.memory_space<vmem>>, vector<1x16xf32>,
        %swap3A_213 = vector.shape_cast %swap3A_212 : vector<1x16xf32> to vector<16xf32>
        %swap3A_214 = vector.shape_cast %sub3A_209 : vector<16xf32> to vector<1x16xf32>
        tpu.vector_store %arg11[%swap3A_210, %swap3A_211], %swap3A_214 {strides = array<i32>} : memref<64x128xf32, #tpu.memory_space<vmem>>, vector<1x16xf32>,
        %get3A_215 = arith.index_cast %add3A_175 : i32 to index
        %get3A_216 = arith.constant 48 : index
        %get3A_217 = tpu.vector_load %arg11[%get3A_215, %get3A_216] {strides = array<i32>} : memref<64x128xf32, #tpu.memory_space<vmem>>, vector<1x16xf32>,
        %get3A_218 = vector.shape_cast %get3A_217 : vector<1x16xf32> to vector<16xf32>
        %get3A_219 = arith.index_cast %add3A_175 : i32 to index
        %get3A_220 = arith.constant 48 : index
        %get3A_221 = tpu.vector_load %arg9[%get3A_219, %get3A_220] {strides = array<i32>} : memref<64x128xf32, #tpu.memory_space<vmem>>, vector<1x16xf32>,
        %get3A_222 = vector.shape_cast %get3A_221 : vector<1x16xf32> to vector<16xf32>
        %sub3A_223 = arith.subf %get3A_218, %get3A_222 : vector<16xf32>
        %swap3A_224 = arith.index_cast %add3A_175 : i32 to index
        %swap3A_225 = arith.constant 48 : index
        %swap3A_226 = tpu.vector_load %arg11[%swap3A_224, %swap3A_225] {strides = array<i32>} : memref<64x128xf32, #tpu.memory_space<vmem>>, vector<1x16xf32>,
        %swap3A_227 = vector.shape_cast %swap3A_226 : vector<1x16xf32> to vector<16xf32>
        %swap3A_228 = vector.shape_cast %sub3A_223 : vector<16xf32> to vector<1x16xf32>
        tpu.vector_store %arg11[%swap3A_224, %swap3A_225], %swap3A_228 {strides = array<i32>} : memref<64x128xf32, #tpu.memory_space<vmem>>, vector<1x16xf32>,
        %get3A_229 = arith.index_cast %add3A_175 : i32 to index
        %get3A_230 = arith.constant 64 : index
        %get3A_231 = tpu.vector_load %arg11[%get3A_229, %get3A_230] {strides = array<i32>} : memref<64x128xf32, #tpu.memory_space<vmem>>, vector<1x16xf32>,
        %get3A_232 = vector.shape_cast %get3A_231 : vector<1x16xf32> to vector<16xf32>
        %get3A_233 = arith.index_cast %add3A_175 : i32 to index
        %get3A_234 = arith.constant 64 : index
        %get3A_235 = tpu.vector_load %arg9[%get3A_233, %get3A_234] {strides = array<i32>} : memref<64x128xf32, #tpu.memory_space<vmem>>, vector<1x16xf32>,
        %get3A_236 = vector.shape_cast %get3A_235 : vector<1x16xf32> to vector<16xf32>
        %sub3A_237 = arith.subf %get3A_232, %get3A_236 : vector<16xf32>
        %swap3A_238 = arith.index_cast %add3A_175 : i32 to index
        %swap3A_239 = arith.constant 64 : index
        %swap3A_240 = tpu.vector_load %arg11[%swap3A_238, %swap3A_239] {strides = array<i32>} : memref<64x128xf32, #tpu.memory_space<vmem>>, vector<1x16xf32>,
        %swap3A_241 = vector.shape_cast %swap3A_240 : vector<1x16xf32> to vector<16xf32>
        %swap3A_242 = vector.shape_cast %sub3A_237 : vector<16xf32> to vector<1x16xf32>
        tpu.vector_store %arg11[%swap3A_238, %swap3A_239], %swap3A_242 {strides = array<i32>} : memref<64x128xf32, #tpu.memory_space<vmem>>, vector<1x16xf32>,
        %get3A_243 = arith.index_cast %add3A_175 : i32 to index
        %get3A_244 = arith.constant 80 : index
        %get3A_245 = tpu.vector_load %arg11[%get3A_243, %get3A_244] {strides = array<i32>} : memref<64x128xf32, #tpu.memory_space<vmem>>, vector<1x16xf32>,
        %get3A_246 = vector.shape_cast %get3A_245 : vector<1x16xf32> to vector<16xf32>
        %get3A_247 = arith.index_cast %add3A_175 : i32 to index
        %get3A_248 = arith.constant 80 : index
        %get3A_249 = tpu.vector_load %arg9[%get3A_247, %get3A_248] {strides = array<i32>} : memref<64x128xf32, #tpu.memory_space<vmem>>, vector<1x16xf32>,
        %get3A_250 = vector.shape_cast %get3A_249 : vector<1x16xf32> to vector<16xf32>
        %sub3A_251 = arith.subf %get3A_246, %get3A_250 : vector<16xf32>
        %swap3A_252 = arith.index_cast %add3A_175 : i32 to index
        %swap3A_253 = arith.constant 80 : index
        %swap3A_254 = tpu.vector_load %arg11[%swap3A_252, %swap3A_253] {strides = array<i32>} : memref<64x128xf32, #tpu.memory_space<vmem>>, vector<1x16xf32>,
        %swap3A_255 = vector.shape_cast %swap3A_254 : vector<1x16xf32> to vector<16xf32>
        %swap3A_256 = vector.shape_cast %sub3A_251 : vector<16xf32> to vector<1x16xf32>
        tpu.vector_store %arg11[%swap3A_252, %swap3A_253], %swap3A_256 {strides = array<i32>} : memref<64x128xf32, #tpu.memory_space<vmem>>, vector<1x16xf32>,
        %get3A_257 = arith.index_cast %add3A_175 : i32 to index
        %get3A_258 = arith.constant 96 : index
        %get3A_259 = tpu.vector_load %arg11[%get3A_257, %get3A_258] {strides = array<i32>} : memref<64x128xf32, #tpu.memory_space<vmem>>, vector<1x16xf32>,
        %get3A_260 = vector.shape_cast %get3A_259 : vector<1x16xf32> to vector<16xf32>
        %get3A_261 = arith.index_cast %add3A_175 : i32 to index
        %get3A_262 = arith.constant 96 : index
        %get3A_263 = tpu.vector_load %arg9[%get3A_261, %get3A_262] {strides = array<i32>} : memref<64x128xf32, #tpu.memory_space<vmem>>, vector<1x16xf32>,
        %get3A_264 = vector.shape_cast %get3A_263 : vector<1x16xf32> to vector<16xf32>
        %sub3A_265 = arith.subf %get3A_260, %get3A_264 : vector<16xf32>
        %swap3A_266 = arith.index_cast %add3A_175 : i32 to index
        %swap3A_267 = arith.constant 96 : index
        %swap3A_268 = tpu.vector_load %arg11[%swap3A_266, %swap3A_267] {strides = array<i32>} : memref<64x128xf32, #tpu.memory_space<vmem>>, vector<1x16xf32>,
        %swap3A_269 = vector.shape_cast %swap3A_268 : vector<1x16xf32> to vector<16xf32>
        %swap3A_270 = vector.shape_cast %sub3A_265 : vector<16xf32> to vector<1x16xf32>
        tpu.vector_store %arg11[%swap3A_266, %swap3A_267], %swap3A_270 {strides = array<i32>} : memref<64x128xf32, #tpu.memory_space<vmem>>, vector<1x16xf32>,
        %get3A_271 = arith.index_cast %add3A_175 : i32 to index
        %get3A_272 = arith.constant 112 : index
        %get3A_273 = tpu.vector_load %arg11[%get3A_271, %get3A_272] {strides = array<i32>} : memref<64x128xf32, #tpu.memory_space<vmem>>, vector<1x16xf32>,
        %get3A_274 = vector.shape_cast %get3A_273 : vector<1x16xf32> to vector<16xf32>
        %get3A_275 = arith.index_cast %add3A_175 : i32 to index
        %get3A_276 = arith.constant 112 : index
        %get3A_277 = tpu.vector_load %arg9[%get3A_275, %get3A_276] {strides = array<i32>} : memref<64x128xf32, #tpu.memory_space<vmem>>, vector<1x16xf32>,
        %get3A_278 = vector.shape_cast %get3A_277 : vector<1x16xf32> to vector<16xf32>
        %sub3A_279 = arith.subf %get3A_274, %get3A_278 : vector<16xf32>
        %swap3A_280 = arith.index_cast %add3A_175 : i32 to index
        %swap3A_281 = arith.constant 112 : index
        %swap3A_282 = tpu.vector_load %arg11[%swap3A_280, %swap3A_281] {strides = array<i32>} : memref<64x128xf32, #tpu.memory_space<vmem>>, vector<1x16xf32>,
        %swap3A_283 = vector.shape_cast %swap3A_282 : vector<1x16xf32> to vector<16xf32>
        %swap3A_284 = vector.shape_cast %sub3A_279 : vector<16xf32> to vector<1x16xf32>
        tpu.vector_store %arg11[%swap3A_280, %swap3A_281], %swap3A_284 {strides = array<i32>} : memref<64x128xf32, #tpu.memory_space<vmem>>, vector<1x16xf32>,
      }
      %scan3A_108 = arith.constant 64 : i32
      %add3A_109 = arith.constant 2 : i32
      %add3A_110 = arith.addi %add3A_87, %add3A_109 : i32
      %lt3A = arith.constant 40 : i32
      %lt3A_111 = arith.cmpi slt, %add3A_110, %lt3A : i32
      %convert_element_type3A = arith.extui %lt3A_111 : i1 to i32
      %cond3A = arith.constant 0 : i32
      %cond3A_112 = arith.cmpi ne, %convert_element_type3A, %cond3A : i32
      scf.if %cond3A_112 {
        %add3A_171 = arith.constant 2 : i32
        %add3A_172 = arith.addi %add3A_87, %add3A_171 : i32
        %dma_start3A_173 = arith.constant 0 : i32
        %dma_start3A_174 = tpu.memref_slice %arg7[%add3A_172, %dma_start3A_173] : memref<40x64xi32, #tpu.memory_space<vmem>> -> memref<1x64xi32, #tpu.memory_space<vmem>>
        %dma_start3A_175 = tpu.memref_squeeze %dma_start3A_174 : memref<1x64xi32, #tpu.memory_space<vmem>> -> memref<64xi32, #tpu.memory_space<vmem>>
        %dma_start3A_176 = arith.constant 0 : i32
        %dma_start3A_177 = arith.constant 0 : i32
        %dma_start3A_178 = tpu.memref_slice %arg6[%dma_start3A_176, %dma_start3A_177] : memref<10112x128xf32, #tpu.memory_space<vmem_shared>> -> memref<10112x128xf32, #tpu.memory_space<vmem_shared>>
        tpu.enqueue_indirect_dma source(%dma_start3A_178 : memref<10112x128xf32, #tpu.memory_space<vmem_shared>>) target(%arg9 : memref<64x128xf32, #tpu.memory_space<vmem>>) offsets(%dma_start3A_175 : memref<64xi32, #tpu.memory_space<vmem>>) semaphore(%arg13 : memref<!tpu.dma_semaphore, #tpu.memory_space<semaphore_mem>>)
      } else {
      }
      %dma_start3A_113 = arith.constant 0 : i32
      %dma_start3A_114 = tpu.memref_slice %arg5[%add3A_90, %dma_start3A_113] : memref<163840x128xf32, #tpu.memory_space<hbm>> -> memref<64x128xf32, #tpu.memory_space<hbm>>
      %dma_start3A_115 = arith.constant 0 : i32
      %dma_start3A_116 = tpu.memref_slice %arg5[%add3A_90, %dma_start3A_115] : memref<163840x128xf32, #tpu.memory_space<hbm>> -> memref<64x128xf32, #tpu.memory_space<hbm>>
      tpu.enqueue_dma source(%arg11 : memref<64x128xf32, #tpu.memory_space<vmem>>) target(%dma_start3A_116 : memref<64x128xf32, #tpu.memory_space<hbm>>) target_semaphore(%arg17 : memref<!tpu.dma_semaphore, #tpu.memory_space<semaphore_mem>>)
      %dma_wait3A_117 = arith.constant 0 : i32
      %dma_wait3A_118 = arith.constant 0 : i32
      %dma_wait3A_119 = tpu.memref_slice %arg7[%dma_wait3A_117, %dma_wait3A_118] : memref<40x64xi32, #tpu.memory_space<vmem>> -> memref<1x64xi32, #tpu.memory_space<vmem>>
      %dma_wait3A_120 = tpu.memref_squeeze %dma_wait3A_119 : memref<1x64xi32, #tpu.memory_space<vmem>> -> memref<64xi32, #tpu.memory_space<vmem>>
      %dma_wait3A_121 = arith.constant 0 : i32
      %dma_wait3A_122 = arith.constant 0 : i32
      %dma_wait3A_123 = tpu.memref_slice %arg6[%dma_wait3A_121, %dma_wait3A_122] : memref<10112x128xf32, #tpu.memory_space<vmem_shared>> -> memref<10112x128xf32, #tpu.memory_space<vmem_shared>>
      tpu.wait_indirect_dma semaphore(%arg14 : memref<!tpu.dma_semaphore, #tpu.memory_space<semaphore_mem>>) src(%dma_wait3A_123 : memref<10112x128xf32, #tpu.memory_space<vmem_shared>>) dst(%arg10 : memref<64x128xf32, #tpu.memory_space<vmem>>)
      %dma_wait3A_124 = arith.constant 0 : i32
      %dma_wait3A_125 = arith.constant 0 : i32
      %dma_wait3A_126 = tpu.memref_slice %arg8[%dma_wait3A_124, %dma_wait3A_125] : memref<40x64xi32, #tpu.memory_space<vmem>> -> memref<1x64xi32, #tpu.memory_space<vmem>>
      %dma_wait3A_127 = tpu.memref_squeeze %dma_wait3A_126 : memref<1x64xi32, #tpu.memory_space<vmem>> -> memref<64xi32, #tpu.memory_space<vmem>>
      %dma_wait3A_128 = arith.constant 0 : i32
      %dma_wait3A_129 = arith.constant 0 : i32
      %dma_wait3A_130 = tpu.memref_slice %arg6[%dma_wait3A_128, %dma_wait3A_129] : memref<10112x128xf32, #tpu.memory_space<vmem_shared>> -> memref<10112x128xf32, #tpu.memory_space<vmem_shared>>
      tpu.wait_indirect_dma semaphore(%arg16 : memref<!tpu.dma_semaphore, #tpu.memory_space<semaphore_mem>>) src(%dma_wait3A_130 : memref<10112x128xf32, #tpu.memory_space<vmem_shared>>) dst(%arg12 : memref<64x128xf32, #tpu.memory_space<vmem>>)
      %scan3A_131 = arith.constant 0 : i32
      %scan3A_132 = arith.constant 64 : i32
      %scan3A_133 = arith.addi %scan3A_131, %scan3A_132 : i32
      %scan3A_134 = arith.constant 1 : i32
      scf.for %scan3A_171 = %scan3A_131 to %scan3A_133 step %scan3A_134  : i32 {
        %mul3A_172 = arith.constant 1 : i32
        %mul3A_173 = arith.muli %scan3A_171, %mul3A_172 : i32
        %add3A_174 = arith.constant 0 : i32
        %add3A_175 = arith.addi %add3A_174, %mul3A_173 : i32
        %get3A = arith.index_cast %add3A_175 : i32 to index
        %get3A_176 = arith.constant 0 : index
        %get3A_177 = tpu.vector_load %arg12[%get3A, %get3A_176] {strides = array<i32>} : memref<64x128xf32, #tpu.memory_space<vmem>>, vector<1x16xf32>,
        %get3A_178 = vector.shape_cast %get3A_177 : vector<1x16xf32> to vector<16xf32>
        %get3A_179 = arith.index_cast %add3A_175 : i32 to index
        %get3A_180 = arith.constant 0 : index
        %get3A_181 = tpu.vector_load %arg10[%get3A_179, %get3A_180] {strides = array<i32>} : memref<64x128xf32, #tpu.memory_space<vmem>>, vector<1x16xf32>,
        %get3A_182 = vector.shape_cast %get3A_181 : vector<1x16xf32> to vector<16xf32>
        %sub3A = arith.subf %get3A_178, %get3A_182 : vector<16xf32>
        %swap3A = arith.index_cast %add3A_175 : i32 to index
        %swap3A_183 = arith.constant 0 : index
        %swap3A_184 = tpu.vector_load %arg12[%swap3A, %swap3A_183] {strides = array<i32>} : memref<64x128xf32, #tpu.memory_space<vmem>>, vector<1x16xf32>,
        %swap3A_185 = vector.shape_cast %swap3A_184 : vector<1x16xf32> to vector<16xf32>
        %swap3A_186 = vector.shape_cast %sub3A : vector<16xf32> to vector<1x16xf32>
        tpu.vector_store %arg12[%swap3A, %swap3A_183], %swap3A_186 {strides = array<i32>} : memref<64x128xf32, #tpu.memory_space<vmem>>, vector<1x16xf32>,
        %get3A_187 = arith.index_cast %add3A_175 : i32 to index
        %get3A_188 = arith.constant 16 : index
        %get3A_189 = tpu.vector_load %arg12[%get3A_187, %get3A_188] {strides = array<i32>} : memref<64x128xf32, #tpu.memory_space<vmem>>, vector<1x16xf32>,
        %get3A_190 = vector.shape_cast %get3A_189 : vector<1x16xf32> to vector<16xf32>
        %get3A_191 = arith.index_cast %add3A_175 : i32 to index
        %get3A_192 = arith.constant 16 : index
        %get3A_193 = tpu.vector_load %arg10[%get3A_191, %get3A_192] {strides = array<i32>} : memref<64x128xf32, #tpu.memory_space<vmem>>, vector<1x16xf32>,
        %get3A_194 = vector.shape_cast %get3A_193 : vector<1x16xf32> to vector<16xf32>
        %sub3A_195 = arith.subf %get3A_190, %get3A_194 : vector<16xf32>
        %swap3A_196 = arith.index_cast %add3A_175 : i32 to index
        %swap3A_197 = arith.constant 16 : index
        %swap3A_198 = tpu.vector_load %arg12[%swap3A_196, %swap3A_197] {strides = array<i32>} : memref<64x128xf32, #tpu.memory_space<vmem>>, vector<1x16xf32>,
        %swap3A_199 = vector.shape_cast %swap3A_198 : vector<1x16xf32> to vector<16xf32>
        %swap3A_200 = vector.shape_cast %sub3A_195 : vector<16xf32> to vector<1x16xf32>
        tpu.vector_store %arg12[%swap3A_196, %swap3A_197], %swap3A_200 {strides = array<i32>} : memref<64x128xf32, #tpu.memory_space<vmem>>, vector<1x16xf32>,
        %get3A_201 = arith.index_cast %add3A_175 : i32 to index
        %get3A_202 = arith.constant 32 : index
        %get3A_203 = tpu.vector_load %arg12[%get3A_201, %get3A_202] {strides = array<i32>} : memref<64x128xf32, #tpu.memory_space<vmem>>, vector<1x16xf32>,
        %get3A_204 = vector.shape_cast %get3A_203 : vector<1x16xf32> to vector<16xf32>
        %get3A_205 = arith.index_cast %add3A_175 : i32 to index
        %get3A_206 = arith.constant 32 : index
        %get3A_207 = tpu.vector_load %arg10[%get3A_205, %get3A_206] {strides = array<i32>} : memref<64x128xf32, #tpu.memory_space<vmem>>, vector<1x16xf32>,
        %get3A_208 = vector.shape_cast %get3A_207 : vector<1x16xf32> to vector<16xf32>
        %sub3A_209 = arith.subf %get3A_204, %get3A_208 : vector<16xf32>
        %swap3A_210 = arith.index_cast %add3A_175 : i32 to index
        %swap3A_211 = arith.constant 32 : index
        %swap3A_212 = tpu.vector_load %arg12[%swap3A_210, %swap3A_211] {strides = array<i32>} : memref<64x128xf32, #tpu.memory_space<vmem>>, vector<1x16xf32>,
        %swap3A_213 = vector.shape_cast %swap3A_212 : vector<1x16xf32> to vector<16xf32>
        %swap3A_214 = vector.shape_cast %sub3A_209 : vector<16xf32> to vector<1x16xf32>
        tpu.vector_store %arg12[%swap3A_210, %swap3A_211], %swap3A_214 {strides = array<i32>} : memref<64x128xf32, #tpu.memory_space<vmem>>, vector<1x16xf32>,
        %get3A_215 = arith.index_cast %add3A_175 : i32 to index
        %get3A_216 = arith.constant 48 : index
        %get3A_217 = tpu.vector_load %arg12[%get3A_215, %get3A_216] {strides = array<i32>} : memref<64x128xf32, #tpu.memory_space<vmem>>, vector<1x16xf32>,
        %get3A_218 = vector.shape_cast %get3A_217 : vector<1x16xf32> to vector<16xf32>
        %get3A_219 = arith.index_cast %add3A_175 : i32 to index
        %get3A_220 = arith.constant 48 : index
        %get3A_221 = tpu.vector_load %arg10[%get3A_219, %get3A_220] {strides = array<i32>} : memref<64x128xf32, #tpu.memory_space<vmem>>, vector<1x16xf32>,
        %get3A_222 = vector.shape_cast %get3A_221 : vector<1x16xf32> to vector<16xf32>
        %sub3A_223 = arith.subf %get3A_218, %get3A_222 : vector<16xf32>
        %swap3A_224 = arith.index_cast %add3A_175 : i32 to index
        %swap3A_225 = arith.constant 48 : index
        %swap3A_226 = tpu.vector_load %arg12[%swap3A_224, %swap3A_225] {strides = array<i32>} : memref<64x128xf32, #tpu.memory_space<vmem>>, vector<1x16xf32>,
        %swap3A_227 = vector.shape_cast %swap3A_226 : vector<1x16xf32> to vector<16xf32>
        %swap3A_228 = vector.shape_cast %sub3A_223 : vector<16xf32> to vector<1x16xf32>
        tpu.vector_store %arg12[%swap3A_224, %swap3A_225], %swap3A_228 {strides = array<i32>} : memref<64x128xf32, #tpu.memory_space<vmem>>, vector<1x16xf32>,
        %get3A_229 = arith.index_cast %add3A_175 : i32 to index
        %get3A_230 = arith.constant 64 : index
        %get3A_231 = tpu.vector_load %arg12[%get3A_229, %get3A_230] {strides = array<i32>} : memref<64x128xf32, #tpu.memory_space<vmem>>, vector<1x16xf32>,
        %get3A_232 = vector.shape_cast %get3A_231 : vector<1x16xf32> to vector<16xf32>
        %get3A_233 = arith.index_cast %add3A_175 : i32 to index
        %get3A_234 = arith.constant 64 : index
        %get3A_235 = tpu.vector_load %arg10[%get3A_233, %get3A_234] {strides = array<i32>} : memref<64x128xf32, #tpu.memory_space<vmem>>, vector<1x16xf32>,
        %get3A_236 = vector.shape_cast %get3A_235 : vector<1x16xf32> to vector<16xf32>
        %sub3A_237 = arith.subf %get3A_232, %get3A_236 : vector<16xf32>
        %swap3A_238 = arith.index_cast %add3A_175 : i32 to index
        %swap3A_239 = arith.constant 64 : index
        %swap3A_240 = tpu.vector_load %arg12[%swap3A_238, %swap3A_239] {strides = array<i32>} : memref<64x128xf32, #tpu.memory_space<vmem>>, vector<1x16xf32>,
        %swap3A_241 = vector.shape_cast %swap3A_240 : vector<1x16xf32> to vector<16xf32>
        %swap3A_242 = vector.shape_cast %sub3A_237 : vector<16xf32> to vector<1x16xf32>
        tpu.vector_store %arg12[%swap3A_238, %swap3A_239], %swap3A_242 {strides = array<i32>} : memref<64x128xf32, #tpu.memory_space<vmem>>, vector<1x16xf32>,
        %get3A_243 = arith.index_cast %add3A_175 : i32 to index
        %get3A_244 = arith.constant 80 : index
        %get3A_245 = tpu.vector_load %arg12[%get3A_243, %get3A_244] {strides = array<i32>} : memref<64x128xf32, #tpu.memory_space<vmem>>, vector<1x16xf32>,
        %get3A_246 = vector.shape_cast %get3A_245 : vector<1x16xf32> to vector<16xf32>
        %get3A_247 = arith.index_cast %add3A_175 : i32 to index
        %get3A_248 = arith.constant 80 : index
        %get3A_249 = tpu.vector_load %arg10[%get3A_247, %get3A_248] {strides = array<i32>} : memref<64x128xf32, #tpu.memory_space<vmem>>, vector<1x16xf32>,
        %get3A_250 = vector.shape_cast %get3A_249 : vector<1x16xf32> to vector<16xf32>
        %sub3A_251 = arith.subf %get3A_246, %get3A_250 : vector<16xf32>
        %swap3A_252 = arith.index_cast %add3A_175 : i32 to index
        %swap3A_253 = arith.constant 80 : index
        %swap3A_254 = tpu.vector_load %arg12[%swap3A_252, %swap3A_253] {strides = array<i32>} : memref<64x128xf32, #tpu.memory_space<vmem>>, vector<1x16xf32>,
        %swap3A_255 = vector.shape_cast %swap3A_254 : vector<1x16xf32> to vector<16xf32>
        %swap3A_256 = vector.shape_cast %sub3A_251 : vector<16xf32> to vector<1x16xf32>
        tpu.vector_store %arg12[%swap3A_252, %swap3A_253], %swap3A_256 {strides = array<i32>} : memref<64x128xf32, #tpu.memory_space<vmem>>, vector<1x16xf32>,
        %get3A_257 = arith.index_cast %add3A_175 : i32 to index
        %get3A_258 = arith.constant 96 : index
        %get3A_259 = tpu.vector_load %arg12[%get3A_257, %get3A_258] {strides = array<i32>} : memref<64x128xf32, #tpu.memory_space<vmem>>, vector<1x16xf32>,
        %get3A_260 = vector.shape_cast %get3A_259 : vector<1x16xf32> to vector<16xf32>
        %get3A_261 = arith.index_cast %add3A_175 : i32 to index
        %get3A_262 = arith.constant 96 : index
        %get3A_263 = tpu.vector_load %arg10[%get3A_261, %get3A_262] {strides = array<i32>} : memref<64x128xf32, #tpu.memory_space<vmem>>, vector<1x16xf32>,
        %get3A_264 = vector.shape_cast %get3A_263 : vector<1x16xf32> to vector<16xf32>
        %sub3A_265 = arith.subf %get3A_260, %get3A_264 : vector<16xf32>
        %swap3A_266 = arith.index_cast %add3A_175 : i32 to index
        %swap3A_267 = arith.constant 96 : index
        %swap3A_268 = tpu.vector_load %arg12[%swap3A_266, %swap3A_267] {strides = array<i32>} : memref<64x128xf32, #tpu.memory_space<vmem>>, vector<1x16xf32>,
        %swap3A_269 = vector.shape_cast %swap3A_268 : vector<1x16xf32> to vector<16xf32>
        %swap3A_270 = vector.shape_cast %sub3A_265 : vector<16xf32> to vector<1x16xf32>
        tpu.vector_store %arg12[%swap3A_266, %swap3A_267], %swap3A_270 {strides = array<i32>} : memref<64x128xf32, #tpu.memory_space<vmem>>, vector<1x16xf32>,
        %get3A_271 = arith.index_cast %add3A_175 : i32 to index
        %get3A_272 = arith.constant 112 : index
        %get3A_273 = tpu.vector_load %arg12[%get3A_271, %get3A_272] {strides = array<i32>} : memref<64x128xf32, #tpu.memory_space<vmem>>, vector<1x16xf32>,
        %get3A_274 = vector.shape_cast %get3A_273 : vector<1x16xf32> to vector<16xf32>
        %get3A_275 = arith.index_cast %add3A_175 : i32 to index
        %get3A_276 = arith.constant 112 : index
        %get3A_277 = tpu.vector_load %arg10[%get3A_275, %get3A_276] {strides = array<i32>} : memref<64x128xf32, #tpu.memory_space<vmem>>, vector<1x16xf32>,
        %get3A_278 = vector.shape_cast %get3A_277 : vector<1x16xf32> to vector<16xf32>
        %sub3A_279 = arith.subf %get3A_274, %get3A_278 : vector<16xf32>
        %swap3A_280 = arith.index_cast %add3A_175 : i32 to index
        %swap3A_281 = arith.constant 112 : index
        %swap3A_282 = tpu.vector_load %arg12[%swap3A_280, %swap3A_281] {strides = array<i32>} : memref<64x128xf32, #tpu.memory_space<vmem>>, vector<1x16xf32>,
        %swap3A_283 = vector.shape_cast %swap3A_282 : vector<1x16xf32> to vector<16xf32>
        %swap3A_284 = vector.shape_cast %sub3A_279 : vector<16xf32> to vector<1x16xf32>
        tpu.vector_store %arg12[%swap3A_280, %swap3A_281], %swap3A_284 {strides = array<i32>} : memref<64x128xf32, #tpu.memory_space<vmem>>, vector<1x16xf32>,
      }
      %scan3A_135 = arith.constant 64 : i32
      %dma_wait3A_136 = arith.constant 0 : i32
      %dma_wait3A_137 = tpu.memref_slice %arg5[%add3A_90, %dma_wait3A_136] : memref<163840x128xf32, #tpu.memory_space<hbm>> -> memref<64x128xf32, #tpu.memory_space<hbm>>
      %dma_wait3A_138 = arith.constant 0 : i32
      %dma_wait3A_139 = tpu.memref_slice %arg5[%add3A_90, %dma_wait3A_138] : memref<163840x128xf32, #tpu.memory_space<hbm>> -> memref<64x128xf32, #tpu.memory_space<hbm>>
      tpu.wait_dma2 semaphore(%arg17 : memref<!tpu.dma_semaphore, #tpu.memory_space<semaphore_mem>>) src(%arg11 : memref<64x128xf32, #tpu.memory_space<vmem>>) dst(%dma_wait3A_139 : memref<64x128xf32, #tpu.memory_space<hbm>>)
      %add3A_140 = arith.constant 2 : i32
      %add3A_141 = arith.addi %add3A_87, %add3A_140 : i32
      %lt3A_142 = arith.constant 40 : i32
      %lt3A_143 = arith.cmpi slt, %add3A_141, %lt3A_142 : i32
      %convert_element_type3A_144 = arith.extui %lt3A_143 : i1 to i32
      %cond3A_145 = arith.constant 0 : i32
      %cond3A_146 = arith.cmpi ne, %convert_element_type3A_144, %cond3A_145 : i32
      scf.if %cond3A_146 {
        %add3A_171 = arith.constant 2 : i32
        %add3A_172 = arith.addi %add3A_87, %add3A_171 : i32
        %dma_start3A_173 = arith.constant 0 : i32
        %dma_start3A_174 = tpu.memref_slice %arg8[%add3A_172, %dma_start3A_173] : memref<40x64xi32, #tpu.memory_space<vmem>> -> memref<1x64xi32, #tpu.memory_space<vmem>>
        %dma_start3A_175 = tpu.memref_squeeze %dma_start3A_174 : memref<1x64xi32, #tpu.memory_space<vmem>> -> memref<64xi32, #tpu.memory_space<vmem>>
        %dma_start3A_176 = arith.constant 0 : i32
        %dma_start3A_177 = arith.constant 0 : i32
        %dma_start3A_178 = tpu.memref_slice %arg6[%dma_start3A_176, %dma_start3A_177] : memref<10112x128xf32, #tpu.memory_space<vmem_shared>> -> memref<10112x128xf32, #tpu.memory_space<vmem_shared>>
        tpu.enqueue_indirect_dma source(%dma_start3A_178 : memref<10112x128xf32, #tpu.memory_space<vmem_shared>>) target(%arg11 : memref<64x128xf32, #tpu.memory_space<vmem>>) offsets(%dma_start3A_175 : memref<64xi32, #tpu.memory_space<vmem>>) semaphore(%arg15 : memref<!tpu.dma_semaphore, #tpu.memory_space<semaphore_mem>>)
      } else {
      }
      %add3A_147 = arith.constant 3 : i32
      %add3A_148 = arith.addi %add3A_87, %add3A_147 : i32
      %lt3A_149 = arith.constant 40 : i32
      %lt3A_150 = arith.cmpi slt, %add3A_148, %lt3A_149 : i32
      %convert_element_type3A_151 = arith.extui %lt3A_150 : i1 to i32
      %cond3A_152 = arith.constant 0 : i32
      %cond3A_153 = arith.cmpi ne, %convert_element_type3A_151, %cond3A_152 : i32
      scf.if %cond3A_153 {
        %add3A_171 = arith.constant 3 : i32
        %add3A_172 = arith.addi %add3A_87, %add3A_171 : i32
        %dma_start3A_173 = arith.constant 0 : i32
        %dma_start3A_174 = tpu.memref_slice %arg7[%add3A_172, %dma_start3A_173] : memref<40x64xi32, #tpu.memory_space<vmem>> -> memref<1x64xi32, #tpu.memory_space<vmem>>
        %dma_start3A_175 = tpu.memref_squeeze %dma_start3A_174 : memref<1x64xi32, #tpu.memory_space<vmem>> -> memref<64xi32, #tpu.memory_space<vmem>>
        %dma_start3A_176 = arith.constant 0 : i32
        %dma_start3A_177 = arith.constant 0 : i32
        %dma_start3A_178 = tpu.memref_slice %arg6[%dma_start3A_176, %dma_start3A_177] : memref<10112x128xf32, #tpu.memory_space<vmem_shared>> -> memref<10112x128xf32, #tpu.memory_space<vmem_shared>>
        tpu.enqueue_indirect_dma source(%dma_start3A_178 : memref<10112x128xf32, #tpu.memory_space<vmem_shared>>) target(%arg10 : memref<64x128xf32, #tpu.memory_space<vmem>>) offsets(%dma_start3A_175 : memref<64xi32, #tpu.memory_space<vmem>>) semaphore(%arg14 : memref<!tpu.dma_semaphore, #tpu.memory_space<semaphore_mem>>)
      } else {
      }
      %add3A_154 = arith.constant 64 : i32
      %add3A_155 = arith.addi %add3A_90, %add3A_154 : i32
      %dma_start3A_156 = arith.constant 0 : i32
      %dma_start3A_157 = tpu.memref_slice %arg5[%add3A_155, %dma_start3A_156] : memref<163840x128xf32, #tpu.memory_space<hbm>> -> memref<64x128xf32, #tpu.memory_space<hbm>>
      %dma_start3A_158 = arith.constant 0 : i32
      %dma_start3A_159 = tpu.memref_slice %arg5[%add3A_155, %dma_start3A_158] : memref<163840x128xf32, #tpu.memory_space<hbm>> -> memref<64x128xf32, #tpu.memory_space<hbm>>
      tpu.enqueue_dma source(%arg12 : memref<64x128xf32, #tpu.memory_space<vmem>>) target(%dma_start3A_159 : memref<64x128xf32, #tpu.memory_space<hbm>>) target_semaphore(%arg18 : memref<!tpu.dma_semaphore, #tpu.memory_space<semaphore_mem>>)
      %dma_wait3A_160 = arith.constant 0 : i32
      %dma_wait3A_161 = tpu.memref_slice %arg5[%add3A_90, %dma_wait3A_160] : memref<163840x128xf32, #tpu.memory_space<hbm>> -> memref<64x128xf32, #tpu.memory_space<hbm>>
      %dma_wait3A_162 = arith.constant 0 : i32
      %dma_wait3A_163 = tpu.memref_slice %arg5[%add3A_90, %dma_wait3A_162] : memref<163840x128xf32, #tpu.memory_space<hbm>> -> memref<64x128xf32, #tpu.memory_space<hbm>>
      tpu.wait_dma2 semaphore(%arg18 : memref<!tpu.dma_semaphore, #tpu.memory_space<semaphore_mem>>) src(%arg12 : memref<64x128xf32, #tpu.memory_space<vmem>>) dst(%dma_wait3A_163 : memref<64x128xf32, #tpu.memory_space<hbm>>)
      %add3A_164 = arith.constant 3 : i32
      %add3A_165 = arith.addi %add3A_87, %add3A_164 : i32
      %lt3A_166 = arith.constant 40 : i32
      %lt3A_167 = arith.cmpi slt, %add3A_165, %lt3A_166 : i32
      %convert_element_type3A_168 = arith.extui %lt3A_167 : i1 to i32
      %cond3A_169 = arith.constant 0 : i32
      %cond3A_170 = arith.cmpi ne, %convert_element_type3A_168, %cond3A_169 : i32
      scf.if %cond3A_170 {
        %add3A_171 = arith.constant 3 : i32
        %add3A_172 = arith.addi %add3A_87, %add3A_171 : i32
        %dma_start3A_173 = arith.constant 0 : i32
        %dma_start3A_174 = tpu.memref_slice %arg8[%add3A_172, %dma_start3A_173] : memref<40x64xi32, #tpu.memory_space<vmem>> -> memref<1x64xi32, #tpu.memory_space<vmem>>
        %dma_start3A_175 = tpu.memref_squeeze %dma_start3A_174 : memref<1x64xi32, #tpu.memory_space<vmem>> -> memref<64xi32, #tpu.memory_space<vmem>>
        %dma_start3A_176 = arith.constant 0 : i32
        %dma_start3A_177 = arith.constant 0 : i32
        %dma_start3A_178 = tpu.memref_slice %arg6[%dma_start3A_176, %dma_start3A_177] : memref<10112x128xf32, #tpu.memory_space<vmem_shared>> -> memref<10112x128xf32, #tpu.memory_space<vmem_shared>>
        tpu.enqueue_indirect_dma source(%dma_start3A_178 : memref<10112x128xf32, #tpu.memory_space<vmem_shared>>) target(%arg12 : memref<64x128xf32, #tpu.memory_space<vmem>>) offsets(%dma_start3A_175 : memref<64xi32, #tpu.memory_space<vmem>>) semaphore(%arg16 : memref<!tpu.dma_semaphore, #tpu.memory_space<semaphore_mem>>)
      } else {
      }
    }
    %scan3A_82 = arith.constant 20 : i32
    return
  }
}

#map = affine_map<(d0, d1) -> (0, 0)>
#map1 = affine_map<(d0, d1) -> (0, 0, 0)>
module attributes {stable_mosaic.version = 14 : i64} {
  func.func @_seg_adj_body(%arg0: i32, %arg1: i32, %arg2: memref<10112x128xf32, #tpu.memory_space<hbm>>, %arg3: memref<2560x128xi32, #tpu.memory_space<hbm>>, %arg4: memref<2560x128xi32, #tpu.memory_space<hbm>>, %arg5: memref<632x128xf32, #tpu.memory_space<hbm>>, %arg6: memref<2x10112x128xf32, #tpu.memory_space<hbm>>, %arg7: memref<10112x128xf32, #tpu.memory_space<vmem_shared>>, %arg8: memref<40x128xi32, #tpu.memory_space<vmem>>, %arg9: memref<40x128xi32, #tpu.memory_space<vmem>>, %arg10: memref<128x128xf32, #tpu.memory_space<vmem>>, %arg11: memref<128x128xf32, #tpu.memory_space<vmem>>, %arg12: memref<!tpu.dma_semaphore, #tpu.memory_space<semaphore_mem>>, %arg13: memref<!tpu.dma_semaphore, #tpu.memory_space<semaphore_mem>>, %arg14: memref<!tpu.dma_semaphore, #tpu.memory_space<semaphore_mem>>, %arg15: memref<!tpu.dma_semaphore, #tpu.memory_space<semaphore_mem>>) attributes {dimension_semantics = [#tpu.dimension_semantics<core_parallel>, #tpu.dimension_semantics<subcore_parallel>], iteration_bounds = array<i64: 2, 16>, scalar_prefetch = 0 : i64, scratch_operands = 9 : i64, tpu.core_type = #tpu.core_type<sc_vector_subcore>, window_params = [{transform_indices = #map}, {transform_indices = #map}, {transform_indices = #map}, {transform_indices = #map}, {transform_indices = #map1}]} {
    %mul3A = arith.constant 16 : i32
    %mul3A_0 = arith.muli %arg0, %mul3A : i32
    %add3A = arith.addi %mul3A_0, %arg1 : i32
    %mul3A_1 = arith.constant 632 : i32
    %mul3A_2 = arith.muli %arg1, %mul3A_1 : i32
    "tpu.region"() ({
      %run_scoped3A = tpu.sem_alloc : memref<!tpu.dma_semaphore, #tpu.memory_space<semaphore_mem>>
      %dma_start3A_48 = arith.constant 0 : i32
      %dma_start3A_49 = tpu.memref_slice %arg7[%mul3A_2, %dma_start3A_48] : memref<10112x128xf32, #tpu.memory_space<vmem_shared>> -> memref<632x128xf32, #tpu.memory_space<vmem_shared>>
      tpu.enqueue_dma source(%arg5 : memref<632x128xf32, #tpu.memory_space<hbm>>) target(%dma_start3A_49 : memref<632x128xf32, #tpu.memory_space<vmem_shared>>) target_semaphore(%run_scoped3A : memref<!tpu.dma_semaphore, #tpu.memory_space<semaphore_mem>>)
      %dma_wait3A = arith.constant 0 : i32
      %dma_wait3A_50 = tpu.memref_slice %arg7[%mul3A_2, %dma_wait3A] : memref<10112x128xf32, #tpu.memory_space<vmem_shared>> -> memref<632x128xf32, #tpu.memory_space<vmem_shared>>
      tpu.wait_dma2 semaphore(%run_scoped3A : memref<!tpu.dma_semaphore, #tpu.memory_space<semaphore_mem>>) src(%arg5 : memref<632x128xf32, #tpu.memory_space<hbm>>) dst(%dma_wait3A_50 : memref<632x128xf32, #tpu.memory_space<vmem_shared>>)
      tpu.yield
    }) : () -> ()
    %mul3A_3 = arith.constant 80 : i32
    %mul3A_4 = arith.muli %add3A, %mul3A_3 : i32
    "tpu.region"() ({
      %run_scoped3A = tpu.sem_alloc : memref<!tpu.dma_semaphore, #tpu.memory_space<semaphore_mem>>
      %dma_start3A_48 = arith.constant 0 : i32
      %dma_start3A_49 = tpu.memref_slice %arg4[%mul3A_4, %dma_start3A_48] : memref<2560x128xi32, #tpu.memory_space<hbm>> -> memref<40x128xi32, #tpu.memory_space<hbm>>
      %dma_start3A_50 = arith.constant 0 : i32
      %dma_start3A_51 = tpu.memref_slice %arg4[%mul3A_4, %dma_start3A_50] : memref<2560x128xi32, #tpu.memory_space<hbm>> -> memref<40x128xi32, #tpu.memory_space<hbm>>
      tpu.enqueue_dma source(%dma_start3A_51 : memref<40x128xi32, #tpu.memory_space<hbm>>) target(%arg9 : memref<40x128xi32, #tpu.memory_space<vmem>>) target_semaphore(%run_scoped3A : memref<!tpu.dma_semaphore, #tpu.memory_space<semaphore_mem>>)
      %dma_wait3A = arith.constant 0 : i32
      %dma_wait3A_52 = tpu.memref_slice %arg4[%mul3A_4, %dma_wait3A] : memref<2560x128xi32, #tpu.memory_space<hbm>> -> memref<40x128xi32, #tpu.memory_space<hbm>>
      %dma_wait3A_53 = arith.constant 0 : i32
      %dma_wait3A_54 = tpu.memref_slice %arg4[%mul3A_4, %dma_wait3A_53] : memref<2560x128xi32, #tpu.memory_space<hbm>> -> memref<40x128xi32, #tpu.memory_space<hbm>>
      tpu.wait_dma2 semaphore(%run_scoped3A : memref<!tpu.dma_semaphore, #tpu.memory_space<semaphore_mem>>) src(%dma_wait3A_54 : memref<40x128xi32, #tpu.memory_space<hbm>>) dst(%arg9 : memref<40x128xi32, #tpu.memory_space<vmem>>)
      tpu.yield
    }) : () -> ()
    "tpu.region"() ({
      %run_scoped3A = tpu.sem_alloc : memref<!tpu.dma_semaphore, #tpu.memory_space<semaphore_mem>>
      %dma_start3A_48 = arith.constant 0 : i32
      %dma_start3A_49 = tpu.memref_slice %arg3[%mul3A_4, %dma_start3A_48] : memref<2560x128xi32, #tpu.memory_space<hbm>> -> memref<40x128xi32, #tpu.memory_space<hbm>>
      %dma_start3A_50 = arith.constant 0 : i32
      %dma_start3A_51 = tpu.memref_slice %arg3[%mul3A_4, %dma_start3A_50] : memref<2560x128xi32, #tpu.memory_space<hbm>> -> memref<40x128xi32, #tpu.memory_space<hbm>>
      tpu.enqueue_dma source(%dma_start3A_51 : memref<40x128xi32, #tpu.memory_space<hbm>>) target(%arg8 : memref<40x128xi32, #tpu.memory_space<vmem>>) target_semaphore(%run_scoped3A : memref<!tpu.dma_semaphore, #tpu.memory_space<semaphore_mem>>)
      %dma_wait3A = arith.constant 0 : i32
      %dma_wait3A_52 = tpu.memref_slice %arg3[%mul3A_4, %dma_wait3A] : memref<2560x128xi32, #tpu.memory_space<hbm>> -> memref<40x128xi32, #tpu.memory_space<hbm>>
      %dma_wait3A_53 = arith.constant 0 : i32
      %dma_wait3A_54 = tpu.memref_slice %arg3[%mul3A_4, %dma_wait3A_53] : memref<2560x128xi32, #tpu.memory_space<hbm>> -> memref<40x128xi32, #tpu.memory_space<hbm>>
      tpu.wait_dma2 semaphore(%run_scoped3A : memref<!tpu.dma_semaphore, #tpu.memory_space<semaphore_mem>>) src(%dma_wait3A_54 : memref<40x128xi32, #tpu.memory_space<hbm>>) dst(%arg8 : memref<40x128xi32, #tpu.memory_space<vmem>>)
      tpu.yield
    }) : () -> ()
    %barrier3A = arith.constant 0 : index
    tpu.barrier barrier_id(%barrier3A)
    %dma_start3A = arith.constant 0 : i32
    %dma_start3A_5 = arith.constant 0 : i32
    %dma_start3A_6 = tpu.memref_slice %arg9[%dma_start3A, %dma_start3A_5] : memref<40x128xi32, #tpu.memory_space<vmem>> -> memref<1x128xi32, #tpu.memory_space<vmem>>
    %dma_start3A_7 = tpu.memref_squeeze %dma_start3A_6 : memref<1x128xi32, #tpu.memory_space<vmem>> -> memref<128xi32, #tpu.memory_space<vmem>>
    %dma_start3A_8 = arith.constant 0 : i32
    %dma_start3A_9 = arith.constant 0 : i32
    %dma_start3A_10 = tpu.memref_slice %arg2[%dma_start3A_8, %dma_start3A_9] : memref<10112x128xf32, #tpu.memory_space<hbm>> -> memref<10112x128xf32, #tpu.memory_space<hbm>>
    tpu.enqueue_indirect_dma source(%dma_start3A_10 : memref<10112x128xf32, #tpu.memory_space<hbm>>) target(%arg10 : memref<128x128xf32, #tpu.memory_space<vmem>>) offsets(%dma_start3A_7 : memref<128xi32, #tpu.memory_space<vmem>>) semaphore(%arg12 : memref<!tpu.dma_semaphore, #tpu.memory_space<semaphore_mem>>)
    %dma_start3A_11 = arith.constant 1 : i32
    %dma_start3A_12 = arith.constant 0 : i32
    %dma_start3A_13 = tpu.memref_slice %arg9[%dma_start3A_11, %dma_start3A_12] : memref<40x128xi32, #tpu.memory_space<vmem>> -> memref<1x128xi32, #tpu.memory_space<vmem>>
    %dma_start3A_14 = tpu.memref_squeeze %dma_start3A_13 : memref<1x128xi32, #tpu.memory_space<vmem>> -> memref<128xi32, #tpu.memory_space<vmem>>
    %dma_start3A_15 = arith.constant 0 : i32
    %dma_start3A_16 = arith.constant 0 : i32
    %dma_start3A_17 = tpu.memref_slice %arg2[%dma_start3A_15, %dma_start3A_16] : memref<10112x128xf32, #tpu.memory_space<hbm>> -> memref<10112x128xf32, #tpu.memory_space<hbm>>
    tpu.enqueue_indirect_dma source(%dma_start3A_17 : memref<10112x128xf32, #tpu.memory_space<hbm>>) target(%arg11 : memref<128x128xf32, #tpu.memory_space<vmem>>) offsets(%dma_start3A_14 : memref<128xi32, #tpu.memory_space<vmem>>) semaphore(%arg13 : memref<!tpu.dma_semaphore, #tpu.memory_space<semaphore_mem>>)
    %scan3A = arith.constant 0 : i32
    %scan3A_18 = arith.constant 20 : i32
    %scan3A_19 = arith.addi %scan3A, %scan3A_18 : i32
    %scan3A_20 = arith.constant 1 : i32
    scf.for %scan3A_48 = %scan3A to %scan3A_19 step %scan3A_20  : i32 {
      %mul3A_49 = arith.constant 2 : i32
      %mul3A_50 = arith.muli %scan3A_48, %mul3A_49 : i32
      %add3A_51 = arith.constant 0 : i32
      %add3A_52 = arith.addi %add3A_51, %mul3A_50 : i32
      %dma_wait3A = arith.constant 0 : i32
      %dma_wait3A_53 = arith.constant 0 : i32
      %dma_wait3A_54 = tpu.memref_slice %arg9[%dma_wait3A, %dma_wait3A_53] : memref<40x128xi32, #tpu.memory_space<vmem>> -> memref<1x128xi32, #tpu.memory_space<vmem>>
      %dma_wait3A_55 = tpu.memref_squeeze %dma_wait3A_54 : memref<1x128xi32, #tpu.memory_space<vmem>> -> memref<128xi32, #tpu.memory_space<vmem>>
      %dma_wait3A_56 = arith.constant 0 : i32
      %dma_wait3A_57 = arith.constant 0 : i32
      %dma_wait3A_58 = tpu.memref_slice %arg2[%dma_wait3A_56, %dma_wait3A_57] : memref<10112x128xf32, #tpu.memory_space<hbm>> -> memref<10112x128xf32, #tpu.memory_space<hbm>>
      tpu.wait_indirect_dma semaphore(%arg12 : memref<!tpu.dma_semaphore, #tpu.memory_space<semaphore_mem>>) src(%dma_wait3A_58 : memref<10112x128xf32, #tpu.memory_space<hbm>>) dst(%arg10 : memref<128x128xf32, #tpu.memory_space<vmem>>)
      %dma_start3A_59 = arith.constant 0 : i32
      %dma_start3A_60 = tpu.memref_slice %arg8[%add3A_52, %dma_start3A_59] : memref<40x128xi32, #tpu.memory_space<vmem>> -> memref<1x128xi32, #tpu.memory_space<vmem>>
      %dma_start3A_61 = tpu.memref_squeeze %dma_start3A_60 : memref<1x128xi32, #tpu.memory_space<vmem>> -> memref<128xi32, #tpu.memory_space<vmem>>
      %dma_start3A_62 = arith.constant 0 : i32
      %dma_start3A_63 = arith.constant 0 : i32
      %dma_start3A_64 = tpu.memref_slice %arg7[%dma_start3A_62, %dma_start3A_63] : memref<10112x128xf32, #tpu.memory_space<vmem_shared>> -> memref<10112x128xf32, #tpu.memory_space<vmem_shared>>
      tpu.enqueue_indirect_dma source(%arg10 : memref<128x128xf32, #tpu.memory_space<vmem>>) target(%dma_start3A_64 : memref<10112x128xf32, #tpu.memory_space<vmem_shared>>) offsets(%dma_start3A_61 : memref<128xi32, #tpu.memory_space<vmem>>) semaphore(%arg14 : memref<!tpu.dma_semaphore, #tpu.memory_space<semaphore_mem>>) {add = true}
      %dma_wait3A_65 = arith.constant 0 : i32
      %dma_wait3A_66 = arith.constant 0 : i32
      %dma_wait3A_67 = tpu.memref_slice %arg9[%dma_wait3A_65, %dma_wait3A_66] : memref<40x128xi32, #tpu.memory_space<vmem>> -> memref<1x128xi32, #tpu.memory_space<vmem>>
      %dma_wait3A_68 = tpu.memref_squeeze %dma_wait3A_67 : memref<1x128xi32, #tpu.memory_space<vmem>> -> memref<128xi32, #tpu.memory_space<vmem>>
      %dma_wait3A_69 = arith.constant 0 : i32
      %dma_wait3A_70 = arith.constant 0 : i32
      %dma_wait3A_71 = tpu.memref_slice %arg2[%dma_wait3A_69, %dma_wait3A_70] : memref<10112x128xf32, #tpu.memory_space<hbm>> -> memref<10112x128xf32, #tpu.memory_space<hbm>>
      tpu.wait_indirect_dma semaphore(%arg13 : memref<!tpu.dma_semaphore, #tpu.memory_space<semaphore_mem>>) src(%dma_wait3A_71 : memref<10112x128xf32, #tpu.memory_space<hbm>>) dst(%arg11 : memref<128x128xf32, #tpu.memory_space<vmem>>)
      %dma_wait3A_72 = arith.constant 0 : i32
      %dma_wait3A_73 = tpu.memref_slice %arg8[%add3A_52, %dma_wait3A_72] : memref<40x128xi32, #tpu.memory_space<vmem>> -> memref<1x128xi32, #tpu.memory_space<vmem>>
      %dma_wait3A_74 = tpu.memref_squeeze %dma_wait3A_73 : memref<1x128xi32, #tpu.memory_space<vmem>> -> memref<128xi32, #tpu.memory_space<vmem>>
      %dma_wait3A_75 = arith.constant 0 : i32
      %dma_wait3A_76 = arith.constant 0 : i32
      %dma_wait3A_77 = tpu.memref_slice %arg7[%dma_wait3A_75, %dma_wait3A_76] : memref<10112x128xf32, #tpu.memory_space<vmem_shared>> -> memref<10112x128xf32, #tpu.memory_space<vmem_shared>>
      tpu.wait_indirect_dma semaphore(%arg14 : memref<!tpu.dma_semaphore, #tpu.memory_space<semaphore_mem>>) src(%arg10 : memref<128x128xf32, #tpu.memory_space<vmem>>) dst(%dma_wait3A_77 : memref<10112x128xf32, #tpu.memory_space<vmem_shared>>)
      %add3A_78 = arith.constant 2 : i32
      %add3A_79 = arith.addi %add3A_52, %add3A_78 : i32
      %lt3A = arith.constant 40 : i32
      %lt3A_80 = arith.cmpi slt, %add3A_79, %lt3A : i32
      %convert_element_type3A = arith.extui %lt3A_80 : i1 to i32
      %cond3A = arith.constant 0 : i32
      %cond3A_81 = arith.cmpi ne, %convert_element_type3A, %cond3A : i32
      scf.if %cond3A_81 {
        %add3A_103 = arith.constant 2 : i32
        %add3A_104 = arith.addi %add3A_52, %add3A_103 : i32
        %dma_start3A_105 = arith.constant 0 : i32
        %dma_start3A_106 = tpu.memref_slice %arg9[%add3A_104, %dma_start3A_105] : memref<40x128xi32, #tpu.memory_space<vmem>> -> memref<1x128xi32, #tpu.memory_space<vmem>>
        %dma_start3A_107 = tpu.memref_squeeze %dma_start3A_106 : memref<1x128xi32, #tpu.memory_space<vmem>> -> memref<128xi32, #tpu.memory_space<vmem>>
        %dma_start3A_108 = arith.constant 0 : i32
        %dma_start3A_109 = arith.constant 0 : i32
        %dma_start3A_110 = tpu.memref_slice %arg2[%dma_start3A_108, %dma_start3A_109] : memref<10112x128xf32, #tpu.memory_space<hbm>> -> memref<10112x128xf32, #tpu.memory_space<hbm>>
        tpu.enqueue_indirect_dma source(%dma_start3A_110 : memref<10112x128xf32, #tpu.memory_space<hbm>>) target(%arg10 : memref<128x128xf32, #tpu.memory_space<vmem>>) offsets(%dma_start3A_107 : memref<128xi32, #tpu.memory_space<vmem>>) semaphore(%arg12 : memref<!tpu.dma_semaphore, #tpu.memory_space<semaphore_mem>>)
      } else {
      }
      %add3A_82 = arith.constant 1 : i32
      %add3A_83 = arith.addi %add3A_52, %add3A_82 : i32
      %dma_start3A_84 = arith.constant 0 : i32
      %dma_start3A_85 = tpu.memref_slice %arg8[%add3A_83, %dma_start3A_84] : memref<40x128xi32, #tpu.memory_space<vmem>> -> memref<1x128xi32, #tpu.memory_space<vmem>>
      %dma_start3A_86 = tpu.memref_squeeze %dma_start3A_85 : memref<1x128xi32, #tpu.memory_space<vmem>> -> memref<128xi32, #tpu.memory_space<vmem>>
      %dma_start3A_87 = arith.constant 0 : i32
      %dma_start3A_88 = arith.constant 0 : i32
      %dma_start3A_89 = tpu.memref_slice %arg7[%dma_start3A_87, %dma_start3A_88] : memref<10112x128xf32, #tpu.memory_space<vmem_shared>> -> memref<10112x128xf32, #tpu.memory_space<vmem_shared>>
      tpu.enqueue_indirect_dma source(%arg11 : memref<128x128xf32, #tpu.memory_space<vmem>>) target(%dma_start3A_89 : memref<10112x128xf32, #tpu.memory_space<vmem_shared>>) offsets(%dma_start3A_86 : memref<128xi32, #tpu.memory_space<vmem>>) semaphore(%arg15 : memref<!tpu.dma_semaphore, #tpu.memory_space<semaphore_mem>>) {add = true}
      %dma_wait3A_90 = arith.constant 0 : i32
      %dma_wait3A_91 = tpu.memref_slice %arg8[%add3A_52, %dma_wait3A_90] : memref<40x128xi32, #tpu.memory_space<vmem>> -> memref<1x128xi32, #tpu.memory_space<vmem>>
      %dma_wait3A_92 = tpu.memref_squeeze %dma_wait3A_91 : memref<1x128xi32, #tpu.memory_space<vmem>> -> memref<128xi32, #tpu.memory_space<vmem>>
      %dma_wait3A_93 = arith.constant 0 : i32
      %dma_wait3A_94 = arith.constant 0 : i32
      %dma_wait3A_95 = tpu.memref_slice %arg7[%dma_wait3A_93, %dma_wait3A_94] : memref<10112x128xf32, #tpu.memory_space<vmem_shared>> -> memref<10112x128xf32, #tpu.memory_space<vmem_shared>>
      tpu.wait_indirect_dma semaphore(%arg15 : memref<!tpu.dma_semaphore, #tpu.memory_space<semaphore_mem>>) src(%arg11 : memref<128x128xf32, #tpu.memory_space<vmem>>) dst(%dma_wait3A_95 : memref<10112x128xf32, #tpu.memory_space<vmem_shared>>)
      %add3A_96 = arith.constant 3 : i32
      %add3A_97 = arith.addi %add3A_52, %add3A_96 : i32
      %lt3A_98 = arith.constant 40 : i32
      %lt3A_99 = arith.cmpi slt, %add3A_97, %lt3A_98 : i32
      %convert_element_type3A_100 = arith.extui %lt3A_99 : i1 to i32
      %cond3A_101 = arith.constant 0 : i32
      %cond3A_102 = arith.cmpi ne, %convert_element_type3A_100, %cond3A_101 : i32
      scf.if %cond3A_102 {
        %add3A_103 = arith.constant 3 : i32
        %add3A_104 = arith.addi %add3A_52, %add3A_103 : i32
        %dma_start3A_105 = arith.constant 0 : i32
        %dma_start3A_106 = tpu.memref_slice %arg9[%add3A_104, %dma_start3A_105] : memref<40x128xi32, #tpu.memory_space<vmem>> -> memref<1x128xi32, #tpu.memory_space<vmem>>
        %dma_start3A_107 = tpu.memref_squeeze %dma_start3A_106 : memref<1x128xi32, #tpu.memory_space<vmem>> -> memref<128xi32, #tpu.memory_space<vmem>>
        %dma_start3A_108 = arith.constant 0 : i32
        %dma_start3A_109 = arith.constant 0 : i32
        %dma_start3A_110 = tpu.memref_slice %arg2[%dma_start3A_108, %dma_start3A_109] : memref<10112x128xf32, #tpu.memory_space<hbm>> -> memref<10112x128xf32, #tpu.memory_space<hbm>>
        tpu.enqueue_indirect_dma source(%dma_start3A_110 : memref<10112x128xf32, #tpu.memory_space<hbm>>) target(%arg11 : memref<128x128xf32, #tpu.memory_space<vmem>>) offsets(%dma_start3A_107 : memref<128xi32, #tpu.memory_space<vmem>>) semaphore(%arg13 : memref<!tpu.dma_semaphore, #tpu.memory_space<semaphore_mem>>)
      } else {
      }
    }
    %scan3A_21 = arith.constant 20 : i32
    %add3A_22 = arith.constant 40 : i32
    %add3A_23 = arith.addi %mul3A_4, %add3A_22 : i32
    "tpu.region"() ({
      %run_scoped3A = tpu.sem_alloc : memref<!tpu.dma_semaphore, #tpu.memory_space<semaphore_mem>>
      %dma_start3A_48 = arith.constant 0 : i32
      %dma_start3A_49 = tpu.memref_slice %arg4[%add3A_23, %dma_start3A_48] : memref<2560x128xi32, #tpu.memory_space<hbm>> -> memref<40x128xi32, #tpu.memory_space<hbm>>
      %dma_start3A_50 = arith.constant 0 : i32
      %dma_start3A_51 = tpu.memref_slice %arg4[%add3A_23, %dma_start3A_50] : memref<2560x128xi32, #tpu.memory_space<hbm>> -> memref<40x128xi32, #tpu.memory_space<hbm>>
      tpu.enqueue_dma source(%dma_start3A_51 : memref<40x128xi32, #tpu.memory_space<hbm>>) target(%arg9 : memref<40x128xi32, #tpu.memory_space<vmem>>) target_semaphore(%run_scoped3A : memref<!tpu.dma_semaphore, #tpu.memory_space<semaphore_mem>>)
      %dma_wait3A = arith.constant 0 : i32
      %dma_wait3A_52 = tpu.memref_slice %arg4[%add3A_23, %dma_wait3A] : memref<2560x128xi32, #tpu.memory_space<hbm>> -> memref<40x128xi32, #tpu.memory_space<hbm>>
      %dma_wait3A_53 = arith.constant 0 : i32
      %dma_wait3A_54 = tpu.memref_slice %arg4[%add3A_23, %dma_wait3A_53] : memref<2560x128xi32, #tpu.memory_space<hbm>> -> memref<40x128xi32, #tpu.memory_space<hbm>>
      tpu.wait_dma2 semaphore(%run_scoped3A : memref<!tpu.dma_semaphore, #tpu.memory_space<semaphore_mem>>) src(%dma_wait3A_54 : memref<40x128xi32, #tpu.memory_space<hbm>>) dst(%arg9 : memref<40x128xi32, #tpu.memory_space<vmem>>)
      tpu.yield
    }) : () -> ()
    %add3A_24 = arith.constant 40 : i32
    %add3A_25 = arith.addi %mul3A_4, %add3A_24 : i32
    "tpu.region"() ({
      %run_scoped3A = tpu.sem_alloc : memref<!tpu.dma_semaphore, #tpu.memory_space<semaphore_mem>>
      %dma_start3A_48 = arith.constant 0 : i32
      %dma_start3A_49 = tpu.memref_slice %arg3[%add3A_25, %dma_start3A_48] : memref<2560x128xi32, #tpu.memory_space<hbm>> -> memref<40x128xi32, #tpu.memory_space<hbm>>
      %dma_start3A_50 = arith.constant 0 : i32
      %dma_start3A_51 = tpu.memref_slice %arg3[%add3A_25, %dma_start3A_50] : memref<2560x128xi32, #tpu.memory_space<hbm>> -> memref<40x128xi32, #tpu.memory_space<hbm>>
      tpu.enqueue_dma source(%dma_start3A_51 : memref<40x128xi32, #tpu.memory_space<hbm>>) target(%arg8 : memref<40x128xi32, #tpu.memory_space<vmem>>) target_semaphore(%run_scoped3A : memref<!tpu.dma_semaphore, #tpu.memory_space<semaphore_mem>>)
      %dma_wait3A = arith.constant 0 : i32
      %dma_wait3A_52 = tpu.memref_slice %arg3[%add3A_25, %dma_wait3A] : memref<2560x128xi32, #tpu.memory_space<hbm>> -> memref<40x128xi32, #tpu.memory_space<hbm>>
      %dma_wait3A_53 = arith.constant 0 : i32
      %dma_wait3A_54 = tpu.memref_slice %arg3[%add3A_25, %dma_wait3A_53] : memref<2560x128xi32, #tpu.memory_space<hbm>> -> memref<40x128xi32, #tpu.memory_space<hbm>>
      tpu.wait_dma2 semaphore(%run_scoped3A : memref<!tpu.dma_semaphore, #tpu.memory_space<semaphore_mem>>) src(%dma_wait3A_54 : memref<40x128xi32, #tpu.memory_space<hbm>>) dst(%arg8 : memref<40x128xi32, #tpu.memory_space<vmem>>)
      tpu.yield
    }) : () -> ()
    %dma_start3A_26 = arith.constant 0 : i32
    %dma_start3A_27 = arith.constant 0 : i32
    %dma_start3A_28 = tpu.memref_slice %arg9[%dma_start3A_26, %dma_start3A_27] : memref<40x128xi32, #tpu.memory_space<vmem>> -> memref<1x128xi32, #tpu.memory_space<vmem>>
    %dma_start3A_29 = tpu.memref_squeeze %dma_start3A_28 : memref<1x128xi32, #tpu.memory_space<vmem>> -> memref<128xi32, #tpu.memory_space<vmem>>
    %dma_start3A_30 = arith.constant 0 : i32
    %dma_start3A_31 = arith.constant 0 : i32
    %dma_start3A_32 = tpu.memref_slice %arg2[%dma_start3A_30, %dma_start3A_31] : memref<10112x128xf32, #tpu.memory_space<hbm>> -> memref<10112x128xf32, #tpu.memory_space<hbm>>
    tpu.enqueue_indirect_dma source(%dma_start3A_32 : memref<10112x128xf32, #tpu.memory_space<hbm>>) target(%arg10 : memref<128x128xf32, #tpu.memory_space<vmem>>) offsets(%dma_start3A_29 : memref<128xi32, #tpu.memory_space<vmem>>) semaphore(%arg12 : memref<!tpu.dma_semaphore, #tpu.memory_space<semaphore_mem>>)
    %dma_start3A_33 = arith.constant 1 : i32
    %dma_start3A_34 = arith.constant 0 : i32
    %dma_start3A_35 = tpu.memref_slice %arg9[%dma_start3A_33, %dma_start3A_34] : memref<40x128xi32, #tpu.memory_space<vmem>> -> memref<1x128xi32, #tpu.memory_space<vmem>>
    %dma_start3A_36 = tpu.memref_squeeze %dma_start3A_35 : memref<1x128xi32, #tpu.memory_space<vmem>> -> memref<128xi32, #tpu.memory_space<vmem>>
    %dma_start3A_37 = arith.constant 0 : i32
    %dma_start3A_38 = arith.constant 0 : i32
    %dma_start3A_39 = tpu.memref_slice %arg2[%dma_start3A_37, %dma_start3A_38] : memref<10112x128xf32, #tpu.memory_space<hbm>> -> memref<10112x128xf32, #tpu.memory_space<hbm>>
    tpu.enqueue_indirect_dma source(%dma_start3A_39 : memref<10112x128xf32, #tpu.memory_space<hbm>>) target(%arg11 : memref<128x128xf32, #tpu.memory_space<vmem>>) offsets(%dma_start3A_36 : memref<128xi32, #tpu.memory_space<vmem>>) semaphore(%arg13 : memref<!tpu.dma_semaphore, #tpu.memory_space<semaphore_mem>>)
    %scan3A_40 = arith.constant 0 : i32
    %scan3A_41 = arith.constant 20 : i32
    %scan3A_42 = arith.addi %scan3A_40, %scan3A_41 : i32
    %scan3A_43 = arith.constant 1 : i32
    scf.for %scan3A_48 = %scan3A_40 to %scan3A_42 step %scan3A_43  : i32 {
      %mul3A_49 = arith.constant 2 : i32
      %mul3A_50 = arith.muli %scan3A_48, %mul3A_49 : i32
      %add3A_51 = arith.constant 0 : i32
      %add3A_52 = arith.addi %add3A_51, %mul3A_50 : i32
      %dma_wait3A = arith.constant 0 : i32
      %dma_wait3A_53 = arith.constant 0 : i32
      %dma_wait3A_54 = tpu.memref_slice %arg9[%dma_wait3A, %dma_wait3A_53] : memref<40x128xi32, #tpu.memory_space<vmem>> -> memref<1x128xi32, #tpu.memory_space<vmem>>
      %dma_wait3A_55 = tpu.memref_squeeze %dma_wait3A_54 : memref<1x128xi32, #tpu.memory_space<vmem>> -> memref<128xi32, #tpu.memory_space<vmem>>
      %dma_wait3A_56 = arith.constant 0 : i32
      %dma_wait3A_57 = arith.constant 0 : i32
      %dma_wait3A_58 = tpu.memref_slice %arg2[%dma_wait3A_56, %dma_wait3A_57] : memref<10112x128xf32, #tpu.memory_space<hbm>> -> memref<10112x128xf32, #tpu.memory_space<hbm>>
      tpu.wait_indirect_dma semaphore(%arg12 : memref<!tpu.dma_semaphore, #tpu.memory_space<semaphore_mem>>) src(%dma_wait3A_58 : memref<10112x128xf32, #tpu.memory_space<hbm>>) dst(%arg10 : memref<128x128xf32, #tpu.memory_space<vmem>>)
      %dma_start3A_59 = arith.constant 0 : i32
      %dma_start3A_60 = tpu.memref_slice %arg8[%add3A_52, %dma_start3A_59] : memref<40x128xi32, #tpu.memory_space<vmem>> -> memref<1x128xi32, #tpu.memory_space<vmem>>
      %dma_start3A_61 = tpu.memref_squeeze %dma_start3A_60 : memref<1x128xi32, #tpu.memory_space<vmem>> -> memref<128xi32, #tpu.memory_space<vmem>>
      %dma_start3A_62 = arith.constant 0 : i32
      %dma_start3A_63 = arith.constant 0 : i32
      %dma_start3A_64 = tpu.memref_slice %arg7[%dma_start3A_62, %dma_start3A_63] : memref<10112x128xf32, #tpu.memory_space<vmem_shared>> -> memref<10112x128xf32, #tpu.memory_space<vmem_shared>>
      tpu.enqueue_indirect_dma source(%arg10 : memref<128x128xf32, #tpu.memory_space<vmem>>) target(%dma_start3A_64 : memref<10112x128xf32, #tpu.memory_space<vmem_shared>>) offsets(%dma_start3A_61 : memref<128xi32, #tpu.memory_space<vmem>>) semaphore(%arg14 : memref<!tpu.dma_semaphore, #tpu.memory_space<semaphore_mem>>) {add = true}
      %dma_wait3A_65 = arith.constant 0 : i32
      %dma_wait3A_66 = arith.constant 0 : i32
      %dma_wait3A_67 = tpu.memref_slice %arg9[%dma_wait3A_65, %dma_wait3A_66] : memref<40x128xi32, #tpu.memory_space<vmem>> -> memref<1x128xi32, #tpu.memory_space<vmem>>
      %dma_wait3A_68 = tpu.memref_squeeze %dma_wait3A_67 : memref<1x128xi32, #tpu.memory_space<vmem>> -> memref<128xi32, #tpu.memory_space<vmem>>
      %dma_wait3A_69 = arith.constant 0 : i32
      %dma_wait3A_70 = arith.constant 0 : i32
      %dma_wait3A_71 = tpu.memref_slice %arg2[%dma_wait3A_69, %dma_wait3A_70] : memref<10112x128xf32, #tpu.memory_space<hbm>> -> memref<10112x128xf32, #tpu.memory_space<hbm>>
      tpu.wait_indirect_dma semaphore(%arg13 : memref<!tpu.dma_semaphore, #tpu.memory_space<semaphore_mem>>) src(%dma_wait3A_71 : memref<10112x128xf32, #tpu.memory_space<hbm>>) dst(%arg11 : memref<128x128xf32, #tpu.memory_space<vmem>>)
      %dma_wait3A_72 = arith.constant 0 : i32
      %dma_wait3A_73 = tpu.memref_slice %arg8[%add3A_52, %dma_wait3A_72] : memref<40x128xi32, #tpu.memory_space<vmem>> -> memref<1x128xi32, #tpu.memory_space<vmem>>
      %dma_wait3A_74 = tpu.memref_squeeze %dma_wait3A_73 : memref<1x128xi32, #tpu.memory_space<vmem>> -> memref<128xi32, #tpu.memory_space<vmem>>
      %dma_wait3A_75 = arith.constant 0 : i32
      %dma_wait3A_76 = arith.constant 0 : i32
      %dma_wait3A_77 = tpu.memref_slice %arg7[%dma_wait3A_75, %dma_wait3A_76] : memref<10112x128xf32, #tpu.memory_space<vmem_shared>> -> memref<10112x128xf32, #tpu.memory_space<vmem_shared>>
      tpu.wait_indirect_dma semaphore(%arg14 : memref<!tpu.dma_semaphore, #tpu.memory_space<semaphore_mem>>) src(%arg10 : memref<128x128xf32, #tpu.memory_space<vmem>>) dst(%dma_wait3A_77 : memref<10112x128xf32, #tpu.memory_space<vmem_shared>>)
      %add3A_78 = arith.constant 2 : i32
      %add3A_79 = arith.addi %add3A_52, %add3A_78 : i32
      %lt3A = arith.constant 40 : i32
      %lt3A_80 = arith.cmpi slt, %add3A_79, %lt3A : i32
      %convert_element_type3A = arith.extui %lt3A_80 : i1 to i32
      %cond3A = arith.constant 0 : i32
      %cond3A_81 = arith.cmpi ne, %convert_element_type3A, %cond3A : i32
      scf.if %cond3A_81 {
        %add3A_103 = arith.constant 2 : i32
        %add3A_104 = arith.addi %add3A_52, %add3A_103 : i32
        %dma_start3A_105 = arith.constant 0 : i32
        %dma_start3A_106 = tpu.memref_slice %arg9[%add3A_104, %dma_start3A_105] : memref<40x128xi32, #tpu.memory_space<vmem>> -> memref<1x128xi32, #tpu.memory_space<vmem>>
        %dma_start3A_107 = tpu.memref_squeeze %dma_start3A_106 : memref<1x128xi32, #tpu.memory_space<vmem>> -> memref<128xi32, #tpu.memory_space<vmem>>
        %dma_start3A_108 = arith.constant 0 : i32
        %dma_start3A_109 = arith.constant 0 : i32
        %dma_start3A_110 = tpu.memref_slice %arg2[%dma_start3A_108, %dma_start3A_109] : memref<10112x128xf32, #tpu.memory_space<hbm>> -> memref<10112x128xf32, #tpu.memory_space<hbm>>
        tpu.enqueue_indirect_dma source(%dma_start3A_110 : memref<10112x128xf32, #tpu.memory_space<hbm>>) target(%arg10 : memref<128x128xf32, #tpu.memory_space<vmem>>) offsets(%dma_start3A_107 : memref<128xi32, #tpu.memory_space<vmem>>) semaphore(%arg12 : memref<!tpu.dma_semaphore, #tpu.memory_space<semaphore_mem>>)
      } else {
      }
      %add3A_82 = arith.constant 1 : i32
      %add3A_83 = arith.addi %add3A_52, %add3A_82 : i32
      %dma_start3A_84 = arith.constant 0 : i32
      %dma_start3A_85 = tpu.memref_slice %arg8[%add3A_83, %dma_start3A_84] : memref<40x128xi32, #tpu.memory_space<vmem>> -> memref<1x128xi32, #tpu.memory_space<vmem>>
      %dma_start3A_86 = tpu.memref_squeeze %dma_start3A_85 : memref<1x128xi32, #tpu.memory_space<vmem>> -> memref<128xi32, #tpu.memory_space<vmem>>
      %dma_start3A_87 = arith.constant 0 : i32
      %dma_start3A_88 = arith.constant 0 : i32
      %dma_start3A_89 = tpu.memref_slice %arg7[%dma_start3A_87, %dma_start3A_88] : memref<10112x128xf32, #tpu.memory_space<vmem_shared>> -> memref<10112x128xf32, #tpu.memory_space<vmem_shared>>
      tpu.enqueue_indirect_dma source(%arg11 : memref<128x128xf32, #tpu.memory_space<vmem>>) target(%dma_start3A_89 : memref<10112x128xf32, #tpu.memory_space<vmem_shared>>) offsets(%dma_start3A_86 : memref<128xi32, #tpu.memory_space<vmem>>) semaphore(%arg15 : memref<!tpu.dma_semaphore, #tpu.memory_space<semaphore_mem>>) {add = true}
      %dma_wait3A_90 = arith.constant 0 : i32
      %dma_wait3A_91 = tpu.memref_slice %arg8[%add3A_52, %dma_wait3A_90] : memref<40x128xi32, #tpu.memory_space<vmem>> -> memref<1x128xi32, #tpu.memory_space<vmem>>
      %dma_wait3A_92 = tpu.memref_squeeze %dma_wait3A_91 : memref<1x128xi32, #tpu.memory_space<vmem>> -> memref<128xi32, #tpu.memory_space<vmem>>
      %dma_wait3A_93 = arith.constant 0 : i32
      %dma_wait3A_94 = arith.constant 0 : i32
      %dma_wait3A_95 = tpu.memref_slice %arg7[%dma_wait3A_93, %dma_wait3A_94] : memref<10112x128xf32, #tpu.memory_space<vmem_shared>> -> memref<10112x128xf32, #tpu.memory_space<vmem_shared>>
      tpu.wait_indirect_dma semaphore(%arg15 : memref<!tpu.dma_semaphore, #tpu.memory_space<semaphore_mem>>) src(%arg11 : memref<128x128xf32, #tpu.memory_space<vmem>>) dst(%dma_wait3A_95 : memref<10112x128xf32, #tpu.memory_space<vmem_shared>>)
      %add3A_96 = arith.constant 3 : i32
      %add3A_97 = arith.addi %add3A_52, %add3A_96 : i32
      %lt3A_98 = arith.constant 40 : i32
      %lt3A_99 = arith.cmpi slt, %add3A_97, %lt3A_98 : i32
      %convert_element_type3A_100 = arith.extui %lt3A_99 : i1 to i32
      %cond3A_101 = arith.constant 0 : i32
      %cond3A_102 = arith.cmpi ne, %convert_element_type3A_100, %cond3A_101 : i32
      scf.if %cond3A_102 {
        %add3A_103 = arith.constant 3 : i32
        %add3A_104 = arith.addi %add3A_52, %add3A_103 : i32
        %dma_start3A_105 = arith.constant 0 : i32
        %dma_start3A_106 = tpu.memref_slice %arg9[%add3A_104, %dma_start3A_105] : memref<40x128xi32, #tpu.memory_space<vmem>> -> memref<1x128xi32, #tpu.memory_space<vmem>>
        %dma_start3A_107 = tpu.memref_squeeze %dma_start3A_106 : memref<1x128xi32, #tpu.memory_space<vmem>> -> memref<128xi32, #tpu.memory_space<vmem>>
        %dma_start3A_108 = arith.constant 0 : i32
        %dma_start3A_109 = arith.constant 0 : i32
        %dma_start3A_110 = tpu.memref_slice %arg2[%dma_start3A_108, %dma_start3A_109] : memref<10112x128xf32, #tpu.memory_space<hbm>> -> memref<10112x128xf32, #tpu.memory_space<hbm>>
        tpu.enqueue_indirect_dma source(%dma_start3A_110 : memref<10112x128xf32, #tpu.memory_space<hbm>>) target(%arg11 : memref<128x128xf32, #tpu.memory_space<vmem>>) offsets(%dma_start3A_107 : memref<128xi32, #tpu.memory_space<vmem>>) semaphore(%arg13 : memref<!tpu.dma_semaphore, #tpu.memory_space<semaphore_mem>>)
      } else {
      }
    }
    %scan3A_44 = arith.constant 20 : i32
    %barrier3A_45 = arith.constant 0 : index
    tpu.barrier barrier_id(%barrier3A_45)
    %mul3A_46 = arith.constant 632 : i32
    %mul3A_47 = arith.muli %arg1, %mul3A_46 : i32
    "tpu.region"() ({
      %run_scoped3A = tpu.sem_alloc : memref<!tpu.dma_semaphore, #tpu.memory_space<semaphore_mem>>
      %dma_start3A_48 = arith.constant 0 : i32
      %dma_start3A_49 = tpu.memref_slice %arg6[%arg0, %mul3A_47, %dma_start3A_48] : memref<2x10112x128xf32, #tpu.memory_space<hbm>> -> memref<1x632x128xf32, #tpu.memory_space<hbm>>
      %dma_start3A_50 = tpu.memref_squeeze %dma_start3A_49 : memref<1x632x128xf32, #tpu.memory_space<hbm>> -> memref<632x128xf32, #tpu.memory_space<hbm>>
      %dma_start3A_51 = arith.constant 0 : i32
      %dma_start3A_52 = tpu.memref_slice %arg7[%mul3A_47, %dma_start3A_51] : memref<10112x128xf32, #tpu.memory_space<vmem_shared>> -> memref<632x128xf32, #tpu.memory_space<vmem_shared>>
      tpu.enqueue_dma source(%dma_start3A_52 : memref<632x128xf32, #tpu.memory_space<vmem_shared>>) target(%dma_start3A_50 : memref<632x128xf32, #tpu.memory_space<hbm>>) target_semaphore(%run_scoped3A : memref<!tpu.dma_semaphore, #tpu.memory_space<semaphore_mem>>)
      %dma_wait3A = arith.constant 0 : i32
      %dma_wait3A_53 = tpu.memref_slice %arg6[%arg0, %mul3A_47, %dma_wait3A] : memref<2x10112x128xf32, #tpu.memory_space<hbm>> -> memref<1x632x128xf32, #tpu.memory_space<hbm>>
      %dma_wait3A_54 = tpu.memref_squeeze %dma_wait3A_53 : memref<1x632x128xf32, #tpu.memory_space<hbm>> -> memref<632x128xf32, #tpu.memory_space<hbm>>
      %dma_wait3A_55 = arith.constant 0 : i32
      %dma_wait3A_56 = tpu.memref_slice %arg7[%mul3A_47, %dma_wait3A_55] : memref<10112x128xf32, #tpu.memory_space<vmem_shared>> -> memref<632x128xf32, #tpu.memory_space<vmem_shared>>
      tpu.wait_dma2 semaphore(%run_scoped3A : memref<!tpu.dma_semaphore, #tpu.memory_space<semaphore_mem>>) src(%dma_wait3A_56 : memref<632x128xf32, #tpu.memory_space<vmem_shared>>) dst(%dma_wait3A_54 : memref<632x128xf32, #tpu.memory_space<hbm>>)
      tpu.yield
    }) : () -> ()
    return
  }
}

#map = affine_map<(d0, d1) -> (0, 0)>
#map1 = affine_map<(d0, d1) -> (0, 0, 0)>
module attributes {stable_mosaic.version = 14 : i64} {
  func.func @_final_agg_body(%arg0: i32, %arg1: i32, %arg2: memref<10112x128xf32, #tpu.memory_space<hbm>>, %arg3: memref<163840x128xf32, #tpu.memory_space<hbm>>, %arg4: memref<2560x128xi32, #tpu.memory_space<hbm>>, %arg5: memref<2560x128xi32, #tpu.memory_space<hbm>>, %arg6: memref<1280x128xi32, #tpu.memory_space<hbm>>, %arg7: memref<1280x128xi32, #tpu.memory_space<hbm>>, %arg8: memref<632x128xf32, #tpu.memory_space<hbm>>, %arg9: memref<2x10112x128xf32, #tpu.memory_space<hbm>>, %arg10: memref<10112x128xf32, #tpu.memory_space<vmem_shared>>, %arg11: memref<40x128xi32, #tpu.memory_space<vmem>>, %arg12: memref<40x128xi32, #tpu.memory_space<vmem>>, %arg13: memref<128x128xf32, #tpu.memory_space<vmem>>, %arg14: memref<128x128xf32, #tpu.memory_space<vmem>>, %arg15: memref<!tpu.dma_semaphore, #tpu.memory_space<semaphore_mem>>, %arg16: memref<!tpu.dma_semaphore, #tpu.memory_space<semaphore_mem>>, %arg17: memref<!tpu.dma_semaphore, #tpu.memory_space<semaphore_mem>>, %arg18: memref<!tpu.dma_semaphore, #tpu.memory_space<semaphore_mem>>) attributes {dimension_semantics = [#tpu.dimension_semantics<core_parallel>, #tpu.dimension_semantics<subcore_parallel>], iteration_bounds = array<i64: 2, 16>, scalar_prefetch = 0 : i64, scratch_operands = 9 : i64, tpu.core_type = #tpu.core_type<sc_vector_subcore>, window_params = [{transform_indices = #map}, {transform_indices = #map}, {transform_indices = #map}, {transform_indices = #map}, {transform_indices = #map}, {transform_indices = #map}, {transform_indices = #map}, {transform_indices = #map1}]} {
    %mul3A = arith.constant 16 : i32
    %mul3A_0 = arith.muli %arg0, %mul3A : i32
    %add3A = arith.addi %mul3A_0, %arg1 : i32
    %mul3A_1 = arith.constant 632 : i32
    %mul3A_2 = arith.muli %arg1, %mul3A_1 : i32
    "tpu.region"() ({
      %run_scoped3A = tpu.sem_alloc : memref<!tpu.dma_semaphore, #tpu.memory_space<semaphore_mem>>
      %dma_start3A_69 = arith.constant 0 : i32
      %dma_start3A_70 = tpu.memref_slice %arg10[%mul3A_2, %dma_start3A_69] : memref<10112x128xf32, #tpu.memory_space<vmem_shared>> -> memref<632x128xf32, #tpu.memory_space<vmem_shared>>
      tpu.enqueue_dma source(%arg8 : memref<632x128xf32, #tpu.memory_space<hbm>>) target(%dma_start3A_70 : memref<632x128xf32, #tpu.memory_space<vmem_shared>>) target_semaphore(%run_scoped3A : memref<!tpu.dma_semaphore, #tpu.memory_space<semaphore_mem>>)
      %dma_wait3A = arith.constant 0 : i32
      %dma_wait3A_71 = tpu.memref_slice %arg10[%mul3A_2, %dma_wait3A] : memref<10112x128xf32, #tpu.memory_space<vmem_shared>> -> memref<632x128xf32, #tpu.memory_space<vmem_shared>>
      tpu.wait_dma2 semaphore(%run_scoped3A : memref<!tpu.dma_semaphore, #tpu.memory_space<semaphore_mem>>) src(%arg8 : memref<632x128xf32, #tpu.memory_space<hbm>>) dst(%dma_wait3A_71 : memref<632x128xf32, #tpu.memory_space<vmem_shared>>)
      tpu.yield
    }) : () -> ()
    %mul3A_3 = arith.constant 80 : i32
    %mul3A_4 = arith.muli %add3A, %mul3A_3 : i32
    "tpu.region"() ({
      %run_scoped3A = tpu.sem_alloc : memref<!tpu.dma_semaphore, #tpu.memory_space<semaphore_mem>>
      %dma_start3A_69 = arith.constant 0 : i32
      %dma_start3A_70 = tpu.memref_slice %arg5[%mul3A_4, %dma_start3A_69] : memref<2560x128xi32, #tpu.memory_space<hbm>> -> memref<40x128xi32, #tpu.memory_space<hbm>>
      %dma_start3A_71 = arith.constant 0 : i32
      %dma_start3A_72 = tpu.memref_slice %arg5[%mul3A_4, %dma_start3A_71] : memref<2560x128xi32, #tpu.memory_space<hbm>> -> memref<40x128xi32, #tpu.memory_space<hbm>>
      tpu.enqueue_dma source(%dma_start3A_72 : memref<40x128xi32, #tpu.memory_space<hbm>>) target(%arg12 : memref<40x128xi32, #tpu.memory_space<vmem>>) target_semaphore(%run_scoped3A : memref<!tpu.dma_semaphore, #tpu.memory_space<semaphore_mem>>)
      %dma_wait3A = arith.constant 0 : i32
      %dma_wait3A_73 = tpu.memref_slice %arg5[%mul3A_4, %dma_wait3A] : memref<2560x128xi32, #tpu.memory_space<hbm>> -> memref<40x128xi32, #tpu.memory_space<hbm>>
      %dma_wait3A_74 = arith.constant 0 : i32
      %dma_wait3A_75 = tpu.memref_slice %arg5[%mul3A_4, %dma_wait3A_74] : memref<2560x128xi32, #tpu.memory_space<hbm>> -> memref<40x128xi32, #tpu.memory_space<hbm>>
      tpu.wait_dma2 semaphore(%run_scoped3A : memref<!tpu.dma_semaphore, #tpu.memory_space<semaphore_mem>>) src(%dma_wait3A_75 : memref<40x128xi32, #tpu.memory_space<hbm>>) dst(%arg12 : memref<40x128xi32, #tpu.memory_space<vmem>>)
      tpu.yield
    }) : () -> ()
    "tpu.region"() ({
      %run_scoped3A = tpu.sem_alloc : memref<!tpu.dma_semaphore, #tpu.memory_space<semaphore_mem>>
      %dma_start3A_69 = arith.constant 0 : i32
      %dma_start3A_70 = tpu.memref_slice %arg4[%mul3A_4, %dma_start3A_69] : memref<2560x128xi32, #tpu.memory_space<hbm>> -> memref<40x128xi32, #tpu.memory_space<hbm>>
      %dma_start3A_71 = arith.constant 0 : i32
      %dma_start3A_72 = tpu.memref_slice %arg4[%mul3A_4, %dma_start3A_71] : memref<2560x128xi32, #tpu.memory_space<hbm>> -> memref<40x128xi32, #tpu.memory_space<hbm>>
      tpu.enqueue_dma source(%dma_start3A_72 : memref<40x128xi32, #tpu.memory_space<hbm>>) target(%arg11 : memref<40x128xi32, #tpu.memory_space<vmem>>) target_semaphore(%run_scoped3A : memref<!tpu.dma_semaphore, #tpu.memory_space<semaphore_mem>>)
      %dma_wait3A = arith.constant 0 : i32
      %dma_wait3A_73 = tpu.memref_slice %arg4[%mul3A_4, %dma_wait3A] : memref<2560x128xi32, #tpu.memory_space<hbm>> -> memref<40x128xi32, #tpu.memory_space<hbm>>
      %dma_wait3A_74 = arith.constant 0 : i32
      %dma_wait3A_75 = tpu.memref_slice %arg4[%mul3A_4, %dma_wait3A_74] : memref<2560x128xi32, #tpu.memory_space<hbm>> -> memref<40x128xi32, #tpu.memory_space<hbm>>
      tpu.wait_dma2 semaphore(%run_scoped3A : memref<!tpu.dma_semaphore, #tpu.memory_space<semaphore_mem>>) src(%dma_wait3A_75 : memref<40x128xi32, #tpu.memory_space<hbm>>) dst(%arg11 : memref<40x128xi32, #tpu.memory_space<vmem>>)
      tpu.yield
    }) : () -> ()
    %barrier3A = arith.constant 0 : index
    tpu.barrier barrier_id(%barrier3A)
    %dma_start3A = arith.constant 0 : i32
    %dma_start3A_5 = arith.constant 0 : i32
    %dma_start3A_6 = tpu.memref_slice %arg12[%dma_start3A, %dma_start3A_5] : memref<40x128xi32, #tpu.memory_space<vmem>> -> memref<1x128xi32, #tpu.memory_space<vmem>>
    %dma_start3A_7 = tpu.memref_squeeze %dma_start3A_6 : memref<1x128xi32, #tpu.memory_space<vmem>> -> memref<128xi32, #tpu.memory_space<vmem>>
    %dma_start3A_8 = arith.constant 0 : i32
    %dma_start3A_9 = arith.constant 0 : i32
    %dma_start3A_10 = tpu.memref_slice %arg2[%dma_start3A_8, %dma_start3A_9] : memref<10112x128xf32, #tpu.memory_space<hbm>> -> memref<10112x128xf32, #tpu.memory_space<hbm>>
    tpu.enqueue_indirect_dma source(%dma_start3A_10 : memref<10112x128xf32, #tpu.memory_space<hbm>>) target(%arg13 : memref<128x128xf32, #tpu.memory_space<vmem>>) offsets(%dma_start3A_7 : memref<128xi32, #tpu.memory_space<vmem>>) semaphore(%arg15 : memref<!tpu.dma_semaphore, #tpu.memory_space<semaphore_mem>>)
    %dma_start3A_11 = arith.constant 1 : i32
    %dma_start3A_12 = arith.constant 0 : i32
    %dma_start3A_13 = tpu.memref_slice %arg12[%dma_start3A_11, %dma_start3A_12] : memref<40x128xi32, #tpu.memory_space<vmem>> -> memref<1x128xi32, #tpu.memory_space<vmem>>
    %dma_start3A_14 = tpu.memref_squeeze %dma_start3A_13 : memref<1x128xi32, #tpu.memory_space<vmem>> -> memref<128xi32, #tpu.memory_space<vmem>>
    %dma_start3A_15 = arith.constant 0 : i32
    %dma_start3A_16 = arith.constant 0 : i32
    %dma_start3A_17 = tpu.memref_slice %arg2[%dma_start3A_15, %dma_start3A_16] : memref<10112x128xf32, #tpu.memory_space<hbm>> -> memref<10112x128xf32, #tpu.memory_space<hbm>>
    tpu.enqueue_indirect_dma source(%dma_start3A_17 : memref<10112x128xf32, #tpu.memory_space<hbm>>) target(%arg14 : memref<128x128xf32, #tpu.memory_space<vmem>>) offsets(%dma_start3A_14 : memref<128xi32, #tpu.memory_space<vmem>>) semaphore(%arg16 : memref<!tpu.dma_semaphore, #tpu.memory_space<semaphore_mem>>)
    %scan3A = arith.constant 0 : i32
    %scan3A_18 = arith.constant 20 : i32
    %scan3A_19 = arith.addi %scan3A, %scan3A_18 : i32
    %scan3A_20 = arith.constant 1 : i32
    scf.for %scan3A_69 = %scan3A to %scan3A_19 step %scan3A_20  : i32 {
      %mul3A_70 = arith.constant 2 : i32
      %mul3A_71 = arith.muli %scan3A_69, %mul3A_70 : i32
      %add3A_72 = arith.constant 0 : i32
      %add3A_73 = arith.addi %add3A_72, %mul3A_71 : i32
      %dma_wait3A = arith.constant 0 : i32
      %dma_wait3A_74 = arith.constant 0 : i32
      %dma_wait3A_75 = tpu.memref_slice %arg12[%dma_wait3A, %dma_wait3A_74] : memref<40x128xi32, #tpu.memory_space<vmem>> -> memref<1x128xi32, #tpu.memory_space<vmem>>
      %dma_wait3A_76 = tpu.memref_squeeze %dma_wait3A_75 : memref<1x128xi32, #tpu.memory_space<vmem>> -> memref<128xi32, #tpu.memory_space<vmem>>
      %dma_wait3A_77 = arith.constant 0 : i32
      %dma_wait3A_78 = arith.constant 0 : i32
      %dma_wait3A_79 = tpu.memref_slice %arg2[%dma_wait3A_77, %dma_wait3A_78] : memref<10112x128xf32, #tpu.memory_space<hbm>> -> memref<10112x128xf32, #tpu.memory_space<hbm>>
      tpu.wait_indirect_dma semaphore(%arg15 : memref<!tpu.dma_semaphore, #tpu.memory_space<semaphore_mem>>) src(%dma_wait3A_79 : memref<10112x128xf32, #tpu.memory_space<hbm>>) dst(%arg13 : memref<128x128xf32, #tpu.memory_space<vmem>>)
      %dma_start3A_80 = arith.constant 0 : i32
      %dma_start3A_81 = tpu.memref_slice %arg11[%add3A_73, %dma_start3A_80] : memref<40x128xi32, #tpu.memory_space<vmem>> -> memref<1x128xi32, #tpu.memory_space<vmem>>
      %dma_start3A_82 = tpu.memref_squeeze %dma_start3A_81 : memref<1x128xi32, #tpu.memory_space<vmem>> -> memref<128xi32, #tpu.memory_space<vmem>>
      %dma_start3A_83 = arith.constant 0 : i32
      %dma_start3A_84 = arith.constant 0 : i32
      %dma_start3A_85 = tpu.memref_slice %arg10[%dma_start3A_83, %dma_start3A_84] : memref<10112x128xf32, #tpu.memory_space<vmem_shared>> -> memref<10112x128xf32, #tpu.memory_space<vmem_shared>>
      tpu.enqueue_indirect_dma source(%arg13 : memref<128x128xf32, #tpu.memory_space<vmem>>) target(%dma_start3A_85 : memref<10112x128xf32, #tpu.memory_space<vmem_shared>>) offsets(%dma_start3A_82 : memref<128xi32, #tpu.memory_space<vmem>>) semaphore(%arg17 : memref<!tpu.dma_semaphore, #tpu.memory_space<semaphore_mem>>) {add = true}
      %dma_wait3A_86 = arith.constant 0 : i32
      %dma_wait3A_87 = arith.constant 0 : i32
      %dma_wait3A_88 = tpu.memref_slice %arg12[%dma_wait3A_86, %dma_wait3A_87] : memref<40x128xi32, #tpu.memory_space<vmem>> -> memref<1x128xi32, #tpu.memory_space<vmem>>
      %dma_wait3A_89 = tpu.memref_squeeze %dma_wait3A_88 : memref<1x128xi32, #tpu.memory_space<vmem>> -> memref<128xi32, #tpu.memory_space<vmem>>
      %dma_wait3A_90 = arith.constant 0 : i32
      %dma_wait3A_91 = arith.constant 0 : i32
      %dma_wait3A_92 = tpu.memref_slice %arg2[%dma_wait3A_90, %dma_wait3A_91] : memref<10112x128xf32, #tpu.memory_space<hbm>> -> memref<10112x128xf32, #tpu.memory_space<hbm>>
      tpu.wait_indirect_dma semaphore(%arg16 : memref<!tpu.dma_semaphore, #tpu.memory_space<semaphore_mem>>) src(%dma_wait3A_92 : memref<10112x128xf32, #tpu.memory_space<hbm>>) dst(%arg14 : memref<128x128xf32, #tpu.memory_space<vmem>>)
      %dma_wait3A_93 = arith.constant 0 : i32
      %dma_wait3A_94 = tpu.memref_slice %arg11[%add3A_73, %dma_wait3A_93] : memref<40x128xi32, #tpu.memory_space<vmem>> -> memref<1x128xi32, #tpu.memory_space<vmem>>
      %dma_wait3A_95 = tpu.memref_squeeze %dma_wait3A_94 : memref<1x128xi32, #tpu.memory_space<vmem>> -> memref<128xi32, #tpu.memory_space<vmem>>
      %dma_wait3A_96 = arith.constant 0 : i32
      %dma_wait3A_97 = arith.constant 0 : i32
      %dma_wait3A_98 = tpu.memref_slice %arg10[%dma_wait3A_96, %dma_wait3A_97] : memref<10112x128xf32, #tpu.memory_space<vmem_shared>> -> memref<10112x128xf32, #tpu.memory_space<vmem_shared>>
      tpu.wait_indirect_dma semaphore(%arg17 : memref<!tpu.dma_semaphore, #tpu.memory_space<semaphore_mem>>) src(%arg13 : memref<128x128xf32, #tpu.memory_space<vmem>>) dst(%dma_wait3A_98 : memref<10112x128xf32, #tpu.memory_space<vmem_shared>>)
      %add3A_99 = arith.constant 2 : i32
      %add3A_100 = arith.addi %add3A_73, %add3A_99 : i32
      %lt3A = arith.constant 40 : i32
      %lt3A_101 = arith.cmpi slt, %add3A_100, %lt3A : i32
      %convert_element_type3A = arith.extui %lt3A_101 : i1 to i32
      %cond3A = arith.constant 0 : i32
      %cond3A_102 = arith.cmpi ne, %convert_element_type3A, %cond3A : i32
      scf.if %cond3A_102 {
        %add3A_124 = arith.constant 2 : i32
        %add3A_125 = arith.addi %add3A_73, %add3A_124 : i32
        %dma_start3A_126 = arith.constant 0 : i32
        %dma_start3A_127 = tpu.memref_slice %arg12[%add3A_125, %dma_start3A_126] : memref<40x128xi32, #tpu.memory_space<vmem>> -> memref<1x128xi32, #tpu.memory_space<vmem>>
        %dma_start3A_128 = tpu.memref_squeeze %dma_start3A_127 : memref<1x128xi32, #tpu.memory_space<vmem>> -> memref<128xi32, #tpu.memory_space<vmem>>
        %dma_start3A_129 = arith.constant 0 : i32
        %dma_start3A_130 = arith.constant 0 : i32
        %dma_start3A_131 = tpu.memref_slice %arg2[%dma_start3A_129, %dma_start3A_130] : memref<10112x128xf32, #tpu.memory_space<hbm>> -> memref<10112x128xf32, #tpu.memory_space<hbm>>
        tpu.enqueue_indirect_dma source(%dma_start3A_131 : memref<10112x128xf32, #tpu.memory_space<hbm>>) target(%arg13 : memref<128x128xf32, #tpu.memory_space<vmem>>) offsets(%dma_start3A_128 : memref<128xi32, #tpu.memory_space<vmem>>) semaphore(%arg15 : memref<!tpu.dma_semaphore, #tpu.memory_space<semaphore_mem>>)
      } else {
      }
      %add3A_103 = arith.constant 1 : i32
      %add3A_104 = arith.addi %add3A_73, %add3A_103 : i32
      %dma_start3A_105 = arith.constant 0 : i32
      %dma_start3A_106 = tpu.memref_slice %arg11[%add3A_104, %dma_start3A_105] : memref<40x128xi32, #tpu.memory_space<vmem>> -> memref<1x128xi32, #tpu.memory_space<vmem>>
      %dma_start3A_107 = tpu.memref_squeeze %dma_start3A_106 : memref<1x128xi32, #tpu.memory_space<vmem>> -> memref<128xi32, #tpu.memory_space<vmem>>
      %dma_start3A_108 = arith.constant 0 : i32
      %dma_start3A_109 = arith.constant 0 : i32
      %dma_start3A_110 = tpu.memref_slice %arg10[%dma_start3A_108, %dma_start3A_109] : memref<10112x128xf32, #tpu.memory_space<vmem_shared>> -> memref<10112x128xf32, #tpu.memory_space<vmem_shared>>
      tpu.enqueue_indirect_dma source(%arg14 : memref<128x128xf32, #tpu.memory_space<vmem>>) target(%dma_start3A_110 : memref<10112x128xf32, #tpu.memory_space<vmem_shared>>) offsets(%dma_start3A_107 : memref<128xi32, #tpu.memory_space<vmem>>) semaphore(%arg18 : memref<!tpu.dma_semaphore, #tpu.memory_space<semaphore_mem>>) {add = true}
      %dma_wait3A_111 = arith.constant 0 : i32
      %dma_wait3A_112 = tpu.memref_slice %arg11[%add3A_73, %dma_wait3A_111] : memref<40x128xi32, #tpu.memory_space<vmem>> -> memref<1x128xi32, #tpu.memory_space<vmem>>
      %dma_wait3A_113 = tpu.memref_squeeze %dma_wait3A_112 : memref<1x128xi32, #tpu.memory_space<vmem>> -> memref<128xi32, #tpu.memory_space<vmem>>
      %dma_wait3A_114 = arith.constant 0 : i32
      %dma_wait3A_115 = arith.constant 0 : i32
      %dma_wait3A_116 = tpu.memref_slice %arg10[%dma_wait3A_114, %dma_wait3A_115] : memref<10112x128xf32, #tpu.memory_space<vmem_shared>> -> memref<10112x128xf32, #tpu.memory_space<vmem_shared>>
      tpu.wait_indirect_dma semaphore(%arg18 : memref<!tpu.dma_semaphore, #tpu.memory_space<semaphore_mem>>) src(%arg14 : memref<128x128xf32, #tpu.memory_space<vmem>>) dst(%dma_wait3A_116 : memref<10112x128xf32, #tpu.memory_space<vmem_shared>>)
      %add3A_117 = arith.constant 3 : i32
      %add3A_118 = arith.addi %add3A_73, %add3A_117 : i32
      %lt3A_119 = arith.constant 40 : i32
      %lt3A_120 = arith.cmpi slt, %add3A_118, %lt3A_119 : i32
      %convert_element_type3A_121 = arith.extui %lt3A_120 : i1 to i32
      %cond3A_122 = arith.constant 0 : i32
      %cond3A_123 = arith.cmpi ne, %convert_element_type3A_121, %cond3A_122 : i32
      scf.if %cond3A_123 {
        %add3A_124 = arith.constant 3 : i32
        %add3A_125 = arith.addi %add3A_73, %add3A_124 : i32
        %dma_start3A_126 = arith.constant 0 : i32
        %dma_start3A_127 = tpu.memref_slice %arg12[%add3A_125, %dma_start3A_126] : memref<40x128xi32, #tpu.memory_space<vmem>> -> memref<1x128xi32, #tpu.memory_space<vmem>>
        %dma_start3A_128 = tpu.memref_squeeze %dma_start3A_127 : memref<1x128xi32, #tpu.memory_space<vmem>> -> memref<128xi32, #tpu.memory_space<vmem>>
        %dma_start3A_129 = arith.constant 0 : i32
        %dma_start3A_130 = arith.constant 0 : i32
        %dma_start3A_131 = tpu.memref_slice %arg2[%dma_start3A_129, %dma_start3A_130] : memref<10112x128xf32, #tpu.memory_space<hbm>> -> memref<10112x128xf32, #tpu.memory_space<hbm>>
        tpu.enqueue_indirect_dma source(%dma_start3A_131 : memref<10112x128xf32, #tpu.memory_space<hbm>>) target(%arg14 : memref<128x128xf32, #tpu.memory_space<vmem>>) offsets(%dma_start3A_128 : memref<128xi32, #tpu.memory_space<vmem>>) semaphore(%arg16 : memref<!tpu.dma_semaphore, #tpu.memory_space<semaphore_mem>>)
      } else {
      }
    }
    %scan3A_21 = arith.constant 20 : i32
    %add3A_22 = arith.constant 40 : i32
    %add3A_23 = arith.addi %mul3A_4, %add3A_22 : i32
    "tpu.region"() ({
      %run_scoped3A = tpu.sem_alloc : memref<!tpu.dma_semaphore, #tpu.memory_space<semaphore_mem>>
      %dma_start3A_69 = arith.constant 0 : i32
      %dma_start3A_70 = tpu.memref_slice %arg5[%add3A_23, %dma_start3A_69] : memref<2560x128xi32, #tpu.memory_space<hbm>> -> memref<40x128xi32, #tpu.memory_space<hbm>>
      %dma_start3A_71 = arith.constant 0 : i32
      %dma_start3A_72 = tpu.memref_slice %arg5[%add3A_23, %dma_start3A_71] : memref<2560x128xi32, #tpu.memory_space<hbm>> -> memref<40x128xi32, #tpu.memory_space<hbm>>
      tpu.enqueue_dma source(%dma_start3A_72 : memref<40x128xi32, #tpu.memory_space<hbm>>) target(%arg12 : memref<40x128xi32, #tpu.memory_space<vmem>>) target_semaphore(%run_scoped3A : memref<!tpu.dma_semaphore, #tpu.memory_space<semaphore_mem>>)
      %dma_wait3A = arith.constant 0 : i32
      %dma_wait3A_73 = tpu.memref_slice %arg5[%add3A_23, %dma_wait3A] : memref<2560x128xi32, #tpu.memory_space<hbm>> -> memref<40x128xi32, #tpu.memory_space<hbm>>
      %dma_wait3A_74 = arith.constant 0 : i32
      %dma_wait3A_75 = tpu.memref_slice %arg5[%add3A_23, %dma_wait3A_74] : memref<2560x128xi32, #tpu.memory_space<hbm>> -> memref<40x128xi32, #tpu.memory_space<hbm>>
      tpu.wait_dma2 semaphore(%run_scoped3A : memref<!tpu.dma_semaphore, #tpu.memory_space<semaphore_mem>>) src(%dma_wait3A_75 : memref<40x128xi32, #tpu.memory_space<hbm>>) dst(%arg12 : memref<40x128xi32, #tpu.memory_space<vmem>>)
      tpu.yield
    }) : () -> ()
    %add3A_24 = arith.constant 40 : i32
    %add3A_25 = arith.addi %mul3A_4, %add3A_24 : i32
    "tpu.region"() ({
      %run_scoped3A = tpu.sem_alloc : memref<!tpu.dma_semaphore, #tpu.memory_space<semaphore_mem>>
      %dma_start3A_69 = arith.constant 0 : i32
      %dma_start3A_70 = tpu.memref_slice %arg4[%add3A_25, %dma_start3A_69] : memref<2560x128xi32, #tpu.memory_space<hbm>> -> memref<40x128xi32, #tpu.memory_space<hbm>>
      %dma_start3A_71 = arith.constant 0 : i32
      %dma_start3A_72 = tpu.memref_slice %arg4[%add3A_25, %dma_start3A_71] : memref<2560x128xi32, #tpu.memory_space<hbm>> -> memref<40x128xi32, #tpu.memory_space<hbm>>
      tpu.enqueue_dma source(%dma_start3A_72 : memref<40x128xi32, #tpu.memory_space<hbm>>) target(%arg11 : memref<40x128xi32, #tpu.memory_space<vmem>>) target_semaphore(%run_scoped3A : memref<!tpu.dma_semaphore, #tpu.memory_space<semaphore_mem>>)
      %dma_wait3A = arith.constant 0 : i32
      %dma_wait3A_73 = tpu.memref_slice %arg4[%add3A_25, %dma_wait3A] : memref<2560x128xi32, #tpu.memory_space<hbm>> -> memref<40x128xi32, #tpu.memory_space<hbm>>
      %dma_wait3A_74 = arith.constant 0 : i32
      %dma_wait3A_75 = tpu.memref_slice %arg4[%add3A_25, %dma_wait3A_74] : memref<2560x128xi32, #tpu.memory_space<hbm>> -> memref<40x128xi32, #tpu.memory_space<hbm>>
      tpu.wait_dma2 semaphore(%run_scoped3A : memref<!tpu.dma_semaphore, #tpu.memory_space<semaphore_mem>>) src(%dma_wait3A_75 : memref<40x128xi32, #tpu.memory_space<hbm>>) dst(%arg11 : memref<40x128xi32, #tpu.memory_space<vmem>>)
      tpu.yield
    }) : () -> ()
    %dma_start3A_26 = arith.constant 0 : i32
    %dma_start3A_27 = arith.constant 0 : i32
    %dma_start3A_28 = tpu.memref_slice %arg12[%dma_start3A_26, %dma_start3A_27] : memref<40x128xi32, #tpu.memory_space<vmem>> -> memref<1x128xi32, #tpu.memory_space<vmem>>
    %dma_start3A_29 = tpu.memref_squeeze %dma_start3A_28 : memref<1x128xi32, #tpu.memory_space<vmem>> -> memref<128xi32, #tpu.memory_space<vmem>>
    %dma_start3A_30 = arith.constant 0 : i32
    %dma_start3A_31 = arith.constant 0 : i32
    %dma_start3A_32 = tpu.memref_slice %arg2[%dma_start3A_30, %dma_start3A_31] : memref<10112x128xf32, #tpu.memory_space<hbm>> -> memref<10112x128xf32, #tpu.memory_space<hbm>>
    tpu.enqueue_indirect_dma source(%dma_start3A_32 : memref<10112x128xf32, #tpu.memory_space<hbm>>) target(%arg13 : memref<128x128xf32, #tpu.memory_space<vmem>>) offsets(%dma_start3A_29 : memref<128xi32, #tpu.memory_space<vmem>>) semaphore(%arg15 : memref<!tpu.dma_semaphore, #tpu.memory_space<semaphore_mem>>)
    %dma_start3A_33 = arith.constant 1 : i32
    %dma_start3A_34 = arith.constant 0 : i32
    %dma_start3A_35 = tpu.memref_slice %arg12[%dma_start3A_33, %dma_start3A_34] : memref<40x128xi32, #tpu.memory_space<vmem>> -> memref<1x128xi32, #tpu.memory_space<vmem>>
    %dma_start3A_36 = tpu.memref_squeeze %dma_start3A_35 : memref<1x128xi32, #tpu.memory_space<vmem>> -> memref<128xi32, #tpu.memory_space<vmem>>
    %dma_start3A_37 = arith.constant 0 : i32
    %dma_start3A_38 = arith.constant 0 : i32
    %dma_start3A_39 = tpu.memref_slice %arg2[%dma_start3A_37, %dma_start3A_38] : memref<10112x128xf32, #tpu.memory_space<hbm>> -> memref<10112x128xf32, #tpu.memory_space<hbm>>
    tpu.enqueue_indirect_dma source(%dma_start3A_39 : memref<10112x128xf32, #tpu.memory_space<hbm>>) target(%arg14 : memref<128x128xf32, #tpu.memory_space<vmem>>) offsets(%dma_start3A_36 : memref<128xi32, #tpu.memory_space<vmem>>) semaphore(%arg16 : memref<!tpu.dma_semaphore, #tpu.memory_space<semaphore_mem>>)
    %scan3A_40 = arith.constant 0 : i32
    %scan3A_41 = arith.constant 20 : i32
    %scan3A_42 = arith.addi %scan3A_40, %scan3A_41 : i32
    %scan3A_43 = arith.constant 1 : i32
    scf.for %scan3A_69 = %scan3A_40 to %scan3A_42 step %scan3A_43  : i32 {
      %mul3A_70 = arith.constant 2 : i32
      %mul3A_71 = arith.muli %scan3A_69, %mul3A_70 : i32
      %add3A_72 = arith.constant 0 : i32
      %add3A_73 = arith.addi %add3A_72, %mul3A_71 : i32
      %dma_wait3A = arith.constant 0 : i32
      %dma_wait3A_74 = arith.constant 0 : i32
      %dma_wait3A_75 = tpu.memref_slice %arg12[%dma_wait3A, %dma_wait3A_74] : memref<40x128xi32, #tpu.memory_space<vmem>> -> memref<1x128xi32, #tpu.memory_space<vmem>>
      %dma_wait3A_76 = tpu.memref_squeeze %dma_wait3A_75 : memref<1x128xi32, #tpu.memory_space<vmem>> -> memref<128xi32, #tpu.memory_space<vmem>>
      %dma_wait3A_77 = arith.constant 0 : i32
      %dma_wait3A_78 = arith.constant 0 : i32
      %dma_wait3A_79 = tpu.memref_slice %arg2[%dma_wait3A_77, %dma_wait3A_78] : memref<10112x128xf32, #tpu.memory_space<hbm>> -> memref<10112x128xf32, #tpu.memory_space<hbm>>
      tpu.wait_indirect_dma semaphore(%arg15 : memref<!tpu.dma_semaphore, #tpu.memory_space<semaphore_mem>>) src(%dma_wait3A_79 : memref<10112x128xf32, #tpu.memory_space<hbm>>) dst(%arg13 : memref<128x128xf32, #tpu.memory_space<vmem>>)
      %dma_start3A_80 = arith.constant 0 : i32
      %dma_start3A_81 = tpu.memref_slice %arg11[%add3A_73, %dma_start3A_80] : memref<40x128xi32, #tpu.memory_space<vmem>> -> memref<1x128xi32, #tpu.memory_space<vmem>>
      %dma_start3A_82 = tpu.memref_squeeze %dma_start3A_81 : memref<1x128xi32, #tpu.memory_space<vmem>> -> memref<128xi32, #tpu.memory_space<vmem>>
      %dma_start3A_83 = arith.constant 0 : i32
      %dma_start3A_84 = arith.constant 0 : i32
      %dma_start3A_85 = tpu.memref_slice %arg10[%dma_start3A_83, %dma_start3A_84] : memref<10112x128xf32, #tpu.memory_space<vmem_shared>> -> memref<10112x128xf32, #tpu.memory_space<vmem_shared>>
      tpu.enqueue_indirect_dma source(%arg13 : memref<128x128xf32, #tpu.memory_space<vmem>>) target(%dma_start3A_85 : memref<10112x128xf32, #tpu.memory_space<vmem_shared>>) offsets(%dma_start3A_82 : memref<128xi32, #tpu.memory_space<vmem>>) semaphore(%arg17 : memref<!tpu.dma_semaphore, #tpu.memory_space<semaphore_mem>>) {add = true}
      %dma_wait3A_86 = arith.constant 0 : i32
      %dma_wait3A_87 = arith.constant 0 : i32
      %dma_wait3A_88 = tpu.memref_slice %arg12[%dma_wait3A_86, %dma_wait3A_87] : memref<40x128xi32, #tpu.memory_space<vmem>> -> memref<1x128xi32, #tpu.memory_space<vmem>>
      %dma_wait3A_89 = tpu.memref_squeeze %dma_wait3A_88 : memref<1x128xi32, #tpu.memory_space<vmem>> -> memref<128xi32, #tpu.memory_space<vmem>>
      %dma_wait3A_90 = arith.constant 0 : i32
      %dma_wait3A_91 = arith.constant 0 : i32
      %dma_wait3A_92 = tpu.memref_slice %arg2[%dma_wait3A_90, %dma_wait3A_91] : memref<10112x128xf32, #tpu.memory_space<hbm>> -> memref<10112x128xf32, #tpu.memory_space<hbm>>
      tpu.wait_indirect_dma semaphore(%arg16 : memref<!tpu.dma_semaphore, #tpu.memory_space<semaphore_mem>>) src(%dma_wait3A_92 : memref<10112x128xf32, #tpu.memory_space<hbm>>) dst(%arg14 : memref<128x128xf32, #tpu.memory_space<vmem>>)
      %dma_wait3A_93 = arith.constant 0 : i32
      %dma_wait3A_94 = tpu.memref_slice %arg11[%add3A_73, %dma_wait3A_93] : memref<40x128xi32, #tpu.memory_space<vmem>> -> memref<1x128xi32, #tpu.memory_space<vmem>>
      %dma_wait3A_95 = tpu.memref_squeeze %dma_wait3A_94 : memref<1x128xi32, #tpu.memory_space<vmem>> -> memref<128xi32, #tpu.memory_space<vmem>>
      %dma_wait3A_96 = arith.constant 0 : i32
      %dma_wait3A_97 = arith.constant 0 : i32
      %dma_wait3A_98 = tpu.memref_slice %arg10[%dma_wait3A_96, %dma_wait3A_97] : memref<10112x128xf32, #tpu.memory_space<vmem_shared>> -> memref<10112x128xf32, #tpu.memory_space<vmem_shared>>
      tpu.wait_indirect_dma semaphore(%arg17 : memref<!tpu.dma_semaphore, #tpu.memory_space<semaphore_mem>>) src(%arg13 : memref<128x128xf32, #tpu.memory_space<vmem>>) dst(%dma_wait3A_98 : memref<10112x128xf32, #tpu.memory_space<vmem_shared>>)
      %add3A_99 = arith.constant 2 : i32
      %add3A_100 = arith.addi %add3A_73, %add3A_99 : i32
      %lt3A = arith.constant 40 : i32
      %lt3A_101 = arith.cmpi slt, %add3A_100, %lt3A : i32
      %convert_element_type3A = arith.extui %lt3A_101 : i1 to i32
      %cond3A = arith.constant 0 : i32
      %cond3A_102 = arith.cmpi ne, %convert_element_type3A, %cond3A : i32
      scf.if %cond3A_102 {
        %add3A_124 = arith.constant 2 : i32
        %add3A_125 = arith.addi %add3A_73, %add3A_124 : i32
        %dma_start3A_126 = arith.constant 0 : i32
        %dma_start3A_127 = tpu.memref_slice %arg12[%add3A_125, %dma_start3A_126] : memref<40x128xi32, #tpu.memory_space<vmem>> -> memref<1x128xi32, #tpu.memory_space<vmem>>
        %dma_start3A_128 = tpu.memref_squeeze %dma_start3A_127 : memref<1x128xi32, #tpu.memory_space<vmem>> -> memref<128xi32, #tpu.memory_space<vmem>>
        %dma_start3A_129 = arith.constant 0 : i32
        %dma_start3A_130 = arith.constant 0 : i32
        %dma_start3A_131 = tpu.memref_slice %arg2[%dma_start3A_129, %dma_start3A_130] : memref<10112x128xf32, #tpu.memory_space<hbm>> -> memref<10112x128xf32, #tpu.memory_space<hbm>>
        tpu.enqueue_indirect_dma source(%dma_start3A_131 : memref<10112x128xf32, #tpu.memory_space<hbm>>) target(%arg13 : memref<128x128xf32, #tpu.memory_space<vmem>>) offsets(%dma_start3A_128 : memref<128xi32, #tpu.memory_space<vmem>>) semaphore(%arg15 : memref<!tpu.dma_semaphore, #tpu.memory_space<semaphore_mem>>)
      } else {
      }
      %add3A_103 = arith.constant 1 : i32
      %add3A_104 = arith.addi %add3A_73, %add3A_103 : i32
      %dma_start3A_105 = arith.constant 0 : i32
      %dma_start3A_106 = tpu.memref_slice %arg11[%add3A_104, %dma_start3A_105] : memref<40x128xi32, #tpu.memory_space<vmem>> -> memref<1x128xi32, #tpu.memory_space<vmem>>
      %dma_start3A_107 = tpu.memref_squeeze %dma_start3A_106 : memref<1x128xi32, #tpu.memory_space<vmem>> -> memref<128xi32, #tpu.memory_space<vmem>>
      %dma_start3A_108 = arith.constant 0 : i32
      %dma_start3A_109 = arith.constant 0 : i32
      %dma_start3A_110 = tpu.memref_slice %arg10[%dma_start3A_108, %dma_start3A_109] : memref<10112x128xf32, #tpu.memory_space<vmem_shared>> -> memref<10112x128xf32, #tpu.memory_space<vmem_shared>>
      tpu.enqueue_indirect_dma source(%arg14 : memref<128x128xf32, #tpu.memory_space<vmem>>) target(%dma_start3A_110 : memref<10112x128xf32, #tpu.memory_space<vmem_shared>>) offsets(%dma_start3A_107 : memref<128xi32, #tpu.memory_space<vmem>>) semaphore(%arg18 : memref<!tpu.dma_semaphore, #tpu.memory_space<semaphore_mem>>) {add = true}
      %dma_wait3A_111 = arith.constant 0 : i32
      %dma_wait3A_112 = tpu.memref_slice %arg11[%add3A_73, %dma_wait3A_111] : memref<40x128xi32, #tpu.memory_space<vmem>> -> memref<1x128xi32, #tpu.memory_space<vmem>>
      %dma_wait3A_113 = tpu.memref_squeeze %dma_wait3A_112 : memref<1x128xi32, #tpu.memory_space<vmem>> -> memref<128xi32, #tpu.memory_space<vmem>>
      %dma_wait3A_114 = arith.constant 0 : i32
      %dma_wait3A_115 = arith.constant 0 : i32
      %dma_wait3A_116 = tpu.memref_slice %arg10[%dma_wait3A_114, %dma_wait3A_115] : memref<10112x128xf32, #tpu.memory_space<vmem_shared>> -> memref<10112x128xf32, #tpu.memory_space<vmem_shared>>
      tpu.wait_indirect_dma semaphore(%arg18 : memref<!tpu.dma_semaphore, #tpu.memory_space<semaphore_mem>>) src(%arg14 : memref<128x128xf32, #tpu.memory_space<vmem>>) dst(%dma_wait3A_116 : memref<10112x128xf32, #tpu.memory_space<vmem_shared>>)
      %add3A_117 = arith.constant 3 : i32
      %add3A_118 = arith.addi %add3A_73, %add3A_117 : i32
      %lt3A_119 = arith.constant 40 : i32
      %lt3A_120 = arith.cmpi slt, %add3A_118, %lt3A_119 : i32
      %convert_element_type3A_121 = arith.extui %lt3A_120 : i1 to i32
      %cond3A_122 = arith.constant 0 : i32
      %cond3A_123 = arith.cmpi ne, %convert_element_type3A_121, %cond3A_122 : i32
      scf.if %cond3A_123 {
        %add3A_124 = arith.constant 3 : i32
        %add3A_125 = arith.addi %add3A_73, %add3A_124 : i32
        %dma_start3A_126 = arith.constant 0 : i32
        %dma_start3A_127 = tpu.memref_slice %arg12[%add3A_125, %dma_start3A_126] : memref<40x128xi32, #tpu.memory_space<vmem>> -> memref<1x128xi32, #tpu.memory_space<vmem>>
        %dma_start3A_128 = tpu.memref_squeeze %dma_start3A_127 : memref<1x128xi32, #tpu.memory_space<vmem>> -> memref<128xi32, #tpu.memory_space<vmem>>
        %dma_start3A_129 = arith.constant 0 : i32
        %dma_start3A_130 = arith.constant 0 : i32
        %dma_start3A_131 = tpu.memref_slice %arg2[%dma_start3A_129, %dma_start3A_130] : memref<10112x128xf32, #tpu.memory_space<hbm>> -> memref<10112x128xf32, #tpu.memory_space<hbm>>
        tpu.enqueue_indirect_dma source(%dma_start3A_131 : memref<10112x128xf32, #tpu.memory_space<hbm>>) target(%arg14 : memref<128x128xf32, #tpu.memory_space<vmem>>) offsets(%dma_start3A_128 : memref<128xi32, #tpu.memory_space<vmem>>) semaphore(%arg16 : memref<!tpu.dma_semaphore, #tpu.memory_space<semaphore_mem>>)
      } else {
      }
    }
    %scan3A_44 = arith.constant 20 : i32
    %mul3A_45 = arith.constant 40 : i32
    %mul3A_46 = arith.muli %add3A, %mul3A_45 : i32
    "tpu.region"() ({
      %run_scoped3A = tpu.sem_alloc : memref<!tpu.dma_semaphore, #tpu.memory_space<semaphore_mem>>
      %dma_start3A_69 = arith.constant 0 : i32
      %dma_start3A_70 = tpu.memref_slice %arg6[%mul3A_46, %dma_start3A_69] : memref<1280x128xi32, #tpu.memory_space<hbm>> -> memref<40x128xi32, #tpu.memory_space<hbm>>
      %dma_start3A_71 = arith.constant 0 : i32
      %dma_start3A_72 = tpu.memref_slice %arg6[%mul3A_46, %dma_start3A_71] : memref<1280x128xi32, #tpu.memory_space<hbm>> -> memref<40x128xi32, #tpu.memory_space<hbm>>
      tpu.enqueue_dma source(%dma_start3A_72 : memref<40x128xi32, #tpu.memory_space<hbm>>) target(%arg11 : memref<40x128xi32, #tpu.memory_space<vmem>>) target_semaphore(%run_scoped3A : memref<!tpu.dma_semaphore, #tpu.memory_space<semaphore_mem>>)
      %dma_wait3A = arith.constant 0 : i32
      %dma_wait3A_73 = tpu.memref_slice %arg6[%mul3A_46, %dma_wait3A] : memref<1280x128xi32, #tpu.memory_space<hbm>> -> memref<40x128xi32, #tpu.memory_space<hbm>>
      %dma_wait3A_74 = arith.constant 0 : i32
      %dma_wait3A_75 = tpu.memref_slice %arg6[%mul3A_46, %dma_wait3A_74] : memref<1280x128xi32, #tpu.memory_space<hbm>> -> memref<40x128xi32, #tpu.memory_space<hbm>>
      tpu.wait_dma2 semaphore(%run_scoped3A : memref<!tpu.dma_semaphore, #tpu.memory_space<semaphore_mem>>) src(%dma_wait3A_75 : memref<40x128xi32, #tpu.memory_space<hbm>>) dst(%arg11 : memref<40x128xi32, #tpu.memory_space<vmem>>)
      tpu.yield
    }) : () -> ()
    "tpu.region"() ({
      %run_scoped3A = tpu.sem_alloc : memref<!tpu.dma_semaphore, #tpu.memory_space<semaphore_mem>>
      %dma_start3A_69 = arith.constant 0 : i32
      %dma_start3A_70 = tpu.memref_slice %arg7[%mul3A_46, %dma_start3A_69] : memref<1280x128xi32, #tpu.memory_space<hbm>> -> memref<40x128xi32, #tpu.memory_space<hbm>>
      %dma_start3A_71 = arith.constant 0 : i32
      %dma_start3A_72 = tpu.memref_slice %arg7[%mul3A_46, %dma_start3A_71] : memref<1280x128xi32, #tpu.memory_space<hbm>> -> memref<40x128xi32, #tpu.memory_space<hbm>>
      tpu.enqueue_dma source(%dma_start3A_72 : memref<40x128xi32, #tpu.memory_space<hbm>>) target(%arg12 : memref<40x128xi32, #tpu.memory_space<vmem>>) target_semaphore(%run_scoped3A : memref<!tpu.dma_semaphore, #tpu.memory_space<semaphore_mem>>)
      %dma_wait3A = arith.constant 0 : i32
      %dma_wait3A_73 = tpu.memref_slice %arg7[%mul3A_46, %dma_wait3A] : memref<1280x128xi32, #tpu.memory_space<hbm>> -> memref<40x128xi32, #tpu.memory_space<hbm>>
      %dma_wait3A_74 = arith.constant 0 : i32
      %dma_wait3A_75 = tpu.memref_slice %arg7[%mul3A_46, %dma_wait3A_74] : memref<1280x128xi32, #tpu.memory_space<hbm>> -> memref<40x128xi32, #tpu.memory_space<hbm>>
      tpu.wait_dma2 semaphore(%run_scoped3A : memref<!tpu.dma_semaphore, #tpu.memory_space<semaphore_mem>>) src(%dma_wait3A_75 : memref<40x128xi32, #tpu.memory_space<hbm>>) dst(%arg12 : memref<40x128xi32, #tpu.memory_space<vmem>>)
      tpu.yield
    }) : () -> ()
    %mul3A_47 = arith.constant 40 : i32
    %mul3A_48 = arith.muli %add3A, %mul3A_47 : i32
    %mul3A_49 = arith.constant 128 : i32
    %mul3A_50 = arith.muli %mul3A_48, %mul3A_49 : i32
    %dma_start3A_51 = arith.constant 0 : i32
    %dma_start3A_52 = tpu.memref_slice %arg3[%mul3A_50, %dma_start3A_51] : memref<163840x128xf32, #tpu.memory_space<hbm>> -> memref<128x128xf32, #tpu.memory_space<hbm>>
    %dma_start3A_53 = arith.constant 0 : i32
    %dma_start3A_54 = tpu.memref_slice %arg3[%mul3A_50, %dma_start3A_53] : memref<163840x128xf32, #tpu.memory_space<hbm>> -> memref<128x128xf32, #tpu.memory_space<hbm>>
    tpu.enqueue_dma source(%dma_start3A_54 : memref<128x128xf32, #tpu.memory_space<hbm>>) target(%arg13 : memref<128x128xf32, #tpu.memory_space<vmem>>) target_semaphore(%arg15 : memref<!tpu.dma_semaphore, #tpu.memory_space<semaphore_mem>>)
    %add3A_55 = arith.constant 128 : i32
    %add3A_56 = arith.addi %mul3A_50, %add3A_55 : i32
    %dma_start3A_57 = arith.constant 0 : i32
    %dma_start3A_58 = tpu.memref_slice %arg3[%add3A_56, %dma_start3A_57] : memref<163840x128xf32, #tpu.memory_space<hbm>> -> memref<128x128xf32, #tpu.memory_space<hbm>>
    %dma_start3A_59 = arith.constant 0 : i32
    %dma_start3A_60 = tpu.memref_slice %arg3[%add3A_56, %dma_start3A_59] : memref<163840x128xf32, #tpu.memory_space<hbm>> -> memref<128x128xf32, #tpu.memory_space<hbm>>
    tpu.enqueue_dma source(%dma_start3A_60 : memref<128x128xf32, #tpu.memory_space<hbm>>) target(%arg14 : memref<128x128xf32, #tpu.memory_space<vmem>>) target_semaphore(%arg16 : memref<!tpu.dma_semaphore, #tpu.memory_space<semaphore_mem>>)
    %scan3A_61 = arith.constant 0 : i32
    %scan3A_62 = arith.constant 20 : i32
    %scan3A_63 = arith.addi %scan3A_61, %scan3A_62 : i32
    %scan3A_64 = arith.constant 1 : i32
    scf.for %scan3A_69 = %scan3A_61 to %scan3A_63 step %scan3A_64  : i32 {
      %mul3A_70 = arith.constant 2 : i32
      %mul3A_71 = arith.muli %scan3A_69, %mul3A_70 : i32
      %add3A_72 = arith.constant 0 : i32
      %add3A_73 = arith.addi %add3A_72, %mul3A_71 : i32
      %mul3A_74 = arith.constant 128 : i32
      %mul3A_75 = arith.muli %add3A_73, %mul3A_74 : i32
      %add3A_76 = arith.addi %mul3A_50, %mul3A_75 : i32
      %dma_wait3A = arith.constant 0 : i32
      %dma_wait3A_77 = tpu.memref_slice %arg3[%mul3A_50, %dma_wait3A] : memref<163840x128xf32, #tpu.memory_space<hbm>> -> memref<128x128xf32, #tpu.memory_space<hbm>>
      %dma_wait3A_78 = arith.constant 0 : i32
      %dma_wait3A_79 = tpu.memref_slice %arg3[%mul3A_50, %dma_wait3A_78] : memref<163840x128xf32, #tpu.memory_space<hbm>> -> memref<128x128xf32, #tpu.memory_space<hbm>>
      tpu.wait_dma2 semaphore(%arg15 : memref<!tpu.dma_semaphore, #tpu.memory_space<semaphore_mem>>) src(%dma_wait3A_79 : memref<128x128xf32, #tpu.memory_space<hbm>>) dst(%arg13 : memref<128x128xf32, #tpu.memory_space<vmem>>)
      %dma_start3A_80 = arith.constant 0 : i32
      %dma_start3A_81 = tpu.memref_slice %arg12[%add3A_73, %dma_start3A_80] : memref<40x128xi32, #tpu.memory_space<vmem>> -> memref<1x128xi32, #tpu.memory_space<vmem>>
      %dma_start3A_82 = tpu.memref_squeeze %dma_start3A_81 : memref<1x128xi32, #tpu.memory_space<vmem>> -> memref<128xi32, #tpu.memory_space<vmem>>
      %dma_start3A_83 = arith.constant 0 : i32
      %dma_start3A_84 = arith.constant 0 : i32
      %dma_start3A_85 = tpu.memref_slice %arg10[%dma_start3A_83, %dma_start3A_84] : memref<10112x128xf32, #tpu.memory_space<vmem_shared>> -> memref<10112x128xf32, #tpu.memory_space<vmem_shared>>
      tpu.enqueue_indirect_dma source(%arg13 : memref<128x128xf32, #tpu.memory_space<vmem>>) target(%dma_start3A_85 : memref<10112x128xf32, #tpu.memory_space<vmem_shared>>) offsets(%dma_start3A_82 : memref<128xi32, #tpu.memory_space<vmem>>) semaphore(%arg17 : memref<!tpu.dma_semaphore, #tpu.memory_space<semaphore_mem>>) {add = true}
      %dma_wait3A_86 = arith.constant 0 : i32
      %dma_wait3A_87 = tpu.memref_slice %arg12[%add3A_73, %dma_wait3A_86] : memref<40x128xi32, #tpu.memory_space<vmem>> -> memref<1x128xi32, #tpu.memory_space<vmem>>
      %dma_wait3A_88 = tpu.memref_squeeze %dma_wait3A_87 : memref<1x128xi32, #tpu.memory_space<vmem>> -> memref<128xi32, #tpu.memory_space<vmem>>
      %dma_wait3A_89 = arith.constant 0 : i32
      %dma_wait3A_90 = arith.constant 0 : i32
      %dma_wait3A_91 = tpu.memref_slice %arg10[%dma_wait3A_89, %dma_wait3A_90] : memref<10112x128xf32, #tpu.memory_space<vmem_shared>> -> memref<10112x128xf32, #tpu.memory_space<vmem_shared>>
      tpu.wait_indirect_dma semaphore(%arg17 : memref<!tpu.dma_semaphore, #tpu.memory_space<semaphore_mem>>) src(%arg13 : memref<128x128xf32, #tpu.memory_space<vmem>>) dst(%dma_wait3A_91 : memref<10112x128xf32, #tpu.memory_space<vmem_shared>>)
      %scan3A_92 = arith.constant 0 : i32
      %scan3A_93 = arith.constant 128 : i32
      %scan3A_94 = arith.addi %scan3A_92, %scan3A_93 : i32
      %scan3A_95 = arith.constant 1 : i32
      scf.for %scan3A_157 = %scan3A_92 to %scan3A_94 step %scan3A_95  : i32 {
        %mul3A_158 = arith.constant 1 : i32
        %mul3A_159 = arith.muli %scan3A_157, %mul3A_158 : i32
        %add3A_160 = arith.constant 0 : i32
        %add3A_161 = arith.addi %add3A_160, %mul3A_159 : i32
        %get3A = arith.index_cast %add3A_161 : i32 to index
        %get3A_162 = arith.constant 0 : index
        %get3A_163 = tpu.vector_load %arg13[%get3A, %get3A_162] {strides = array<i32>} : memref<128x128xf32, #tpu.memory_space<vmem>>, vector<1x16xf32>,
        %get3A_164 = vector.shape_cast %get3A_163 : vector<1x16xf32> to vector<16xf32>
        %neg3A = arith.constant 0.000000e+00 : f32
        %neg3A_165 = vector.broadcast %neg3A : f32 to vector<16xf32>
        %neg3A_166 = arith.subf %neg3A_165, %get3A_164 : vector<16xf32>
        %swap3A = arith.index_cast %add3A_161 : i32 to index
        %swap3A_167 = arith.constant 0 : index
        %swap3A_168 = tpu.vector_load %arg13[%swap3A, %swap3A_167] {strides = array<i32>} : memref<128x128xf32, #tpu.memory_space<vmem>>, vector<1x16xf32>,
        %swap3A_169 = vector.shape_cast %swap3A_168 : vector<1x16xf32> to vector<16xf32>
        %swap3A_170 = vector.shape_cast %neg3A_166 : vector<16xf32> to vector<1x16xf32>
        tpu.vector_store %arg13[%swap3A, %swap3A_167], %swap3A_170 {strides = array<i32>} : memref<128x128xf32, #tpu.memory_space<vmem>>, vector<1x16xf32>,
        %get3A_171 = arith.index_cast %add3A_161 : i32 to index
        %get3A_172 = arith.constant 16 : index
        %get3A_173 = tpu.vector_load %arg13[%get3A_171, %get3A_172] {strides = array<i32>} : memref<128x128xf32, #tpu.memory_space<vmem>>, vector<1x16xf32>,
        %get3A_174 = vector.shape_cast %get3A_173 : vector<1x16xf32> to vector<16xf32>
        %neg3A_175 = arith.constant 0.000000e+00 : f32
        %neg3A_176 = vector.broadcast %neg3A_175 : f32 to vector<16xf32>
        %neg3A_177 = arith.subf %neg3A_176, %get3A_174 : vector<16xf32>
        %swap3A_178 = arith.index_cast %add3A_161 : i32 to index
        %swap3A_179 = arith.constant 16 : index
        %swap3A_180 = tpu.vector_load %arg13[%swap3A_178, %swap3A_179] {strides = array<i32>} : memref<128x128xf32, #tpu.memory_space<vmem>>, vector<1x16xf32>,
        %swap3A_181 = vector.shape_cast %swap3A_180 : vector<1x16xf32> to vector<16xf32>
        %swap3A_182 = vector.shape_cast %neg3A_177 : vector<16xf32> to vector<1x16xf32>
        tpu.vector_store %arg13[%swap3A_178, %swap3A_179], %swap3A_182 {strides = array<i32>} : memref<128x128xf32, #tpu.memory_space<vmem>>, vector<1x16xf32>,
        %get3A_183 = arith.index_cast %add3A_161 : i32 to index
        %get3A_184 = arith.constant 32 : index
        %get3A_185 = tpu.vector_load %arg13[%get3A_183, %get3A_184] {strides = array<i32>} : memref<128x128xf32, #tpu.memory_space<vmem>>, vector<1x16xf32>,
        %get3A_186 = vector.shape_cast %get3A_185 : vector<1x16xf32> to vector<16xf32>
        %neg3A_187 = arith.constant 0.000000e+00 : f32
        %neg3A_188 = vector.broadcast %neg3A_187 : f32 to vector<16xf32>
        %neg3A_189 = arith.subf %neg3A_188, %get3A_186 : vector<16xf32>
        %swap3A_190 = arith.index_cast %add3A_161 : i32 to index
        %swap3A_191 = arith.constant 32 : index
        %swap3A_192 = tpu.vector_load %arg13[%swap3A_190, %swap3A_191] {strides = array<i32>} : memref<128x128xf32, #tpu.memory_space<vmem>>, vector<1x16xf32>,
        %swap3A_193 = vector.shape_cast %swap3A_192 : vector<1x16xf32> to vector<16xf32>
        %swap3A_194 = vector.shape_cast %neg3A_189 : vector<16xf32> to vector<1x16xf32>
        tpu.vector_store %arg13[%swap3A_190, %swap3A_191], %swap3A_194 {strides = array<i32>} : memref<128x128xf32, #tpu.memory_space<vmem>>, vector<1x16xf32>,
        %get3A_195 = arith.index_cast %add3A_161 : i32 to index
        %get3A_196 = arith.constant 48 : index
        %get3A_197 = tpu.vector_load %arg13[%get3A_195, %get3A_196] {strides = array<i32>} : memref<128x128xf32, #tpu.memory_space<vmem>>, vector<1x16xf32>,
        %get3A_198 = vector.shape_cast %get3A_197 : vector<1x16xf32> to vector<16xf32>
        %neg3A_199 = arith.constant 0.000000e+00 : f32
        %neg3A_200 = vector.broadcast %neg3A_199 : f32 to vector<16xf32>
        %neg3A_201 = arith.subf %neg3A_200, %get3A_198 : vector<16xf32>
        %swap3A_202 = arith.index_cast %add3A_161 : i32 to index
        %swap3A_203 = arith.constant 48 : index
        %swap3A_204 = tpu.vector_load %arg13[%swap3A_202, %swap3A_203] {strides = array<i32>} : memref<128x128xf32, #tpu.memory_space<vmem>>, vector<1x16xf32>,
        %swap3A_205 = vector.shape_cast %swap3A_204 : vector<1x16xf32> to vector<16xf32>
        %swap3A_206 = vector.shape_cast %neg3A_201 : vector<16xf32> to vector<1x16xf32>
        tpu.vector_store %arg13[%swap3A_202, %swap3A_203], %swap3A_206 {strides = array<i32>} : memref<128x128xf32, #tpu.memory_space<vmem>>, vector<1x16xf32>,
        %get3A_207 = arith.index_cast %add3A_161 : i32 to index
        %get3A_208 = arith.constant 64 : index
        %get3A_209 = tpu.vector_load %arg13[%get3A_207, %get3A_208] {strides = array<i32>} : memref<128x128xf32, #tpu.memory_space<vmem>>, vector<1x16xf32>,
        %get3A_210 = vector.shape_cast %get3A_209 : vector<1x16xf32> to vector<16xf32>
        %neg3A_211 = arith.constant 0.000000e+00 : f32
        %neg3A_212 = vector.broadcast %neg3A_211 : f32 to vector<16xf32>
        %neg3A_213 = arith.subf %neg3A_212, %get3A_210 : vector<16xf32>
        %swap3A_214 = arith.index_cast %add3A_161 : i32 to index
        %swap3A_215 = arith.constant 64 : index
        %swap3A_216 = tpu.vector_load %arg13[%swap3A_214, %swap3A_215] {strides = array<i32>} : memref<128x128xf32, #tpu.memory_space<vmem>>, vector<1x16xf32>,
        %swap3A_217 = vector.shape_cast %swap3A_216 : vector<1x16xf32> to vector<16xf32>
        %swap3A_218 = vector.shape_cast %neg3A_213 : vector<16xf32> to vector<1x16xf32>
        tpu.vector_store %arg13[%swap3A_214, %swap3A_215], %swap3A_218 {strides = array<i32>} : memref<128x128xf32, #tpu.memory_space<vmem>>, vector<1x16xf32>,
        %get3A_219 = arith.index_cast %add3A_161 : i32 to index
        %get3A_220 = arith.constant 80 : index
        %get3A_221 = tpu.vector_load %arg13[%get3A_219, %get3A_220] {strides = array<i32>} : memref<128x128xf32, #tpu.memory_space<vmem>>, vector<1x16xf32>,
        %get3A_222 = vector.shape_cast %get3A_221 : vector<1x16xf32> to vector<16xf32>
        %neg3A_223 = arith.constant 0.000000e+00 : f32
        %neg3A_224 = vector.broadcast %neg3A_223 : f32 to vector<16xf32>
        %neg3A_225 = arith.subf %neg3A_224, %get3A_222 : vector<16xf32>
        %swap3A_226 = arith.index_cast %add3A_161 : i32 to index
        %swap3A_227 = arith.constant 80 : index
        %swap3A_228 = tpu.vector_load %arg13[%swap3A_226, %swap3A_227] {strides = array<i32>} : memref<128x128xf32, #tpu.memory_space<vmem>>, vector<1x16xf32>,
        %swap3A_229 = vector.shape_cast %swap3A_228 : vector<1x16xf32> to vector<16xf32>
        %swap3A_230 = vector.shape_cast %neg3A_225 : vector<16xf32> to vector<1x16xf32>
        tpu.vector_store %arg13[%swap3A_226, %swap3A_227], %swap3A_230 {strides = array<i32>} : memref<128x128xf32, #tpu.memory_space<vmem>>, vector<1x16xf32>,
        %get3A_231 = arith.index_cast %add3A_161 : i32 to index
        %get3A_232 = arith.constant 96 : index
        %get3A_233 = tpu.vector_load %arg13[%get3A_231, %get3A_232] {strides = array<i32>} : memref<128x128xf32, #tpu.memory_space<vmem>>, vector<1x16xf32>,
        %get3A_234 = vector.shape_cast %get3A_233 : vector<1x16xf32> to vector<16xf32>
        %neg3A_235 = arith.constant 0.000000e+00 : f32
        %neg3A_236 = vector.broadcast %neg3A_235 : f32 to vector<16xf32>
        %neg3A_237 = arith.subf %neg3A_236, %get3A_234 : vector<16xf32>
        %swap3A_238 = arith.index_cast %add3A_161 : i32 to index
        %swap3A_239 = arith.constant 96 : index
        %swap3A_240 = tpu.vector_load %arg13[%swap3A_238, %swap3A_239] {strides = array<i32>} : memref<128x128xf32, #tpu.memory_space<vmem>>, vector<1x16xf32>,
        %swap3A_241 = vector.shape_cast %swap3A_240 : vector<1x16xf32> to vector<16xf32>
        %swap3A_242 = vector.shape_cast %neg3A_237 : vector<16xf32> to vector<1x16xf32>
        tpu.vector_store %arg13[%swap3A_238, %swap3A_239], %swap3A_242 {strides = array<i32>} : memref<128x128xf32, #tpu.memory_space<vmem>>, vector<1x16xf32>,
        %get3A_243 = arith.index_cast %add3A_161 : i32 to index
        %get3A_244 = arith.constant 112 : index
        %get3A_245 = tpu.vector_load %arg13[%get3A_243, %get3A_244] {strides = array<i32>} : memref<128x128xf32, #tpu.memory_space<vmem>>, vector<1x16xf32>,
        %get3A_246 = vector.shape_cast %get3A_245 : vector<1x16xf32> to vector<16xf32>
        %neg3A_247 = arith.constant 0.000000e+00 : f32
        %neg3A_248 = vector.broadcast %neg3A_247 : f32 to vector<16xf32>
        %neg3A_249 = arith.subf %neg3A_248, %get3A_246 : vector<16xf32>
        %swap3A_250 = arith.index_cast %add3A_161 : i32 to index
        %swap3A_251 = arith.constant 112 : index
        %swap3A_252 = tpu.vector_load %arg13[%swap3A_250, %swap3A_251] {strides = array<i32>} : memref<128x128xf32, #tpu.memory_space<vmem>>, vector<1x16xf32>,
        %swap3A_253 = vector.shape_cast %swap3A_252 : vector<1x16xf32> to vector<16xf32>
        %swap3A_254 = vector.shape_cast %neg3A_249 : vector<16xf32> to vector<1x16xf32>
        tpu.vector_store %arg13[%swap3A_250, %swap3A_251], %swap3A_254 {strides = array<i32>} : memref<128x128xf32, #tpu.memory_space<vmem>>, vector<1x16xf32>,
      }
      %scan3A_96 = arith.constant 128 : i32
      %dma_start3A_97 = arith.constant 0 : i32
      %dma_start3A_98 = tpu.memref_slice %arg11[%add3A_73, %dma_start3A_97] : memref<40x128xi32, #tpu.memory_space<vmem>> -> memref<1x128xi32, #tpu.memory_space<vmem>>
      %dma_start3A_99 = tpu.memref_squeeze %dma_start3A_98 : memref<1x128xi32, #tpu.memory_space<vmem>> -> memref<128xi32, #tpu.memory_space<vmem>>
      %dma_start3A_100 = arith.constant 0 : i32
      %dma_start3A_101 = arith.constant 0 : i32
      %dma_start3A_102 = tpu.memref_slice %arg10[%dma_start3A_100, %dma_start3A_101] : memref<10112x128xf32, #tpu.memory_space<vmem_shared>> -> memref<10112x128xf32, #tpu.memory_space<vmem_shared>>
      tpu.enqueue_indirect_dma source(%arg13 : memref<128x128xf32, #tpu.memory_space<vmem>>) target(%dma_start3A_102 : memref<10112x128xf32, #tpu.memory_space<vmem_shared>>) offsets(%dma_start3A_99 : memref<128xi32, #tpu.memory_space<vmem>>) semaphore(%arg17 : memref<!tpu.dma_semaphore, #tpu.memory_space<semaphore_mem>>) {add = true}
      %dma_wait3A_103 = arith.constant 0 : i32
      %dma_wait3A_104 = tpu.memref_slice %arg11[%add3A_73, %dma_wait3A_103] : memref<40x128xi32, #tpu.memory_space<vmem>> -> memref<1x128xi32, #tpu.memory_space<vmem>>
      %dma_wait3A_105 = tpu.memref_squeeze %dma_wait3A_104 : memref<1x128xi32, #tpu.memory_space<vmem>> -> memref<128xi32, #tpu.memory_space<vmem>>
      %dma_wait3A_106 = arith.constant 0 : i32
      %dma_wait3A_107 = arith.constant 0 : i32
      %dma_wait3A_108 = tpu.memref_slice %arg10[%dma_wait3A_106, %dma_wait3A_107] : memref<10112x128xf32, #tpu.memory_space<vmem_shared>> -> memref<10112x128xf32, #tpu.memory_space<vmem_shared>>
      tpu.wait_indirect_dma semaphore(%arg17 : memref<!tpu.dma_semaphore, #tpu.memory_space<semaphore_mem>>) src(%arg13 : memref<128x128xf32, #tpu.memory_space<vmem>>) dst(%dma_wait3A_108 : memref<10112x128xf32, #tpu.memory_space<vmem_shared>>)
      %add3A_109 = arith.constant 2 : i32
      %add3A_110 = arith.addi %add3A_73, %add3A_109 : i32
      %lt3A = arith.constant 40 : i32
      %lt3A_111 = arith.cmpi slt, %add3A_110, %lt3A : i32
      %convert_element_type3A = arith.extui %lt3A_111 : i1 to i32
      %cond3A = arith.constant 0 : i32
      %cond3A_112 = arith.cmpi ne, %convert_element_type3A, %cond3A : i32
      scf.if %cond3A_112 {
        %add3A_157 = arith.constant 256 : i32
        %add3A_158 = arith.addi %add3A_76, %add3A_157 : i32
        %dma_start3A_159 = arith.constant 0 : i32
        %dma_start3A_160 = tpu.memref_slice %arg3[%add3A_158, %dma_start3A_159] : memref<163840x128xf32, #tpu.memory_space<hbm>> -> memref<128x128xf32, #tpu.memory_space<hbm>>
        %dma_start3A_161 = arith.constant 0 : i32
        %dma_start3A_162 = tpu.memref_slice %arg3[%add3A_158, %dma_start3A_161] : memref<163840x128xf32, #tpu.memory_space<hbm>> -> memref<128x128xf32, #tpu.memory_space<hbm>>
        tpu.enqueue_dma source(%dma_start3A_162 : memref<128x128xf32, #tpu.memory_space<hbm>>) target(%arg13 : memref<128x128xf32, #tpu.memory_space<vmem>>) target_semaphore(%arg15 : memref<!tpu.dma_semaphore, #tpu.memory_space<semaphore_mem>>)
      } else {
      }
      %dma_wait3A_113 = arith.constant 0 : i32
      %dma_wait3A_114 = tpu.memref_slice %arg3[%mul3A_50, %dma_wait3A_113] : memref<163840x128xf32, #tpu.memory_space<hbm>> -> memref<128x128xf32, #tpu.memory_space<hbm>>
      %dma_wait3A_115 = arith.constant 0 : i32
      %dma_wait3A_116 = tpu.memref_slice %arg3[%mul3A_50, %dma_wait3A_115] : memref<163840x128xf32, #tpu.memory_space<hbm>> -> memref<128x128xf32, #tpu.memory_space<hbm>>
      tpu.wait_dma2 semaphore(%arg16 : memref<!tpu.dma_semaphore, #tpu.memory_space<semaphore_mem>>) src(%dma_wait3A_116 : memref<128x128xf32, #tpu.memory_space<hbm>>) dst(%arg14 : memref<128x128xf32, #tpu.memory_space<vmem>>)
      %add3A_117 = arith.constant 1 : i32
      %add3A_118 = arith.addi %add3A_73, %add3A_117 : i32
      %dma_start3A_119 = arith.constant 0 : i32
      %dma_start3A_120 = tpu.memref_slice %arg12[%add3A_118, %dma_start3A_119] : memref<40x128xi32, #tpu.memory_space<vmem>> -> memref<1x128xi32, #tpu.memory_space<vmem>>
      %dma_start3A_121 = tpu.memref_squeeze %dma_start3A_120 : memref<1x128xi32, #tpu.memory_space<vmem>> -> memref<128xi32, #tpu.memory_space<vmem>>
      %dma_start3A_122 = arith.constant 0 : i32
      %dma_start3A_123 = arith.constant 0 : i32
      %dma_start3A_124 = tpu.memref_slice %arg10[%dma_start3A_122, %dma_start3A_123] : memref<10112x128xf32, #tpu.memory_space<vmem_shared>> -> memref<10112x128xf32, #tpu.memory_space<vmem_shared>>
      tpu.enqueue_indirect_dma source(%arg14 : memref<128x128xf32, #tpu.memory_space<vmem>>) target(%dma_start3A_124 : memref<10112x128xf32, #tpu.memory_space<vmem_shared>>) offsets(%dma_start3A_121 : memref<128xi32, #tpu.memory_space<vmem>>) semaphore(%arg18 : memref<!tpu.dma_semaphore, #tpu.memory_space<semaphore_mem>>) {add = true}
      %dma_wait3A_125 = arith.constant 0 : i32
      %dma_wait3A_126 = tpu.memref_slice %arg12[%add3A_73, %dma_wait3A_125] : memref<40x128xi32, #tpu.memory_space<vmem>> -> memref<1x128xi32, #tpu.memory_space<vmem>>
      %dma_wait3A_127 = tpu.memref_squeeze %dma_wait3A_126 : memref<1x128xi32, #tpu.memory_space<vmem>> -> memref<128xi32, #tpu.memory_space<vmem>>
      %dma_wait3A_128 = arith.constant 0 : i32
      %dma_wait3A_129 = arith.constant 0 : i32
      %dma_wait3A_130 = tpu.memref_slice %arg10[%dma_wait3A_128, %dma_wait3A_129] : memref<10112x128xf32, #tpu.memory_space<vmem_shared>> -> memref<10112x128xf32, #tpu.memory_space<vmem_shared>>
      tpu.wait_indirect_dma semaphore(%arg18 : memref<!tpu.dma_semaphore, #tpu.memory_space<semaphore_mem>>) src(%arg14 : memref<128x128xf32, #tpu.memory_space<vmem>>) dst(%dma_wait3A_130 : memref<10112x128xf32, #tpu.memory_space<vmem_shared>>)
      %scan3A_131 = arith.constant 0 : i32
      %scan3A_132 = arith.constant 128 : i32
      %scan3A_133 = arith.addi %scan3A_131, %scan3A_132 : i32
      %scan3A_134 = arith.constant 1 : i32
      scf.for %scan3A_157 = %scan3A_131 to %scan3A_133 step %scan3A_134  : i32 {
        %mul3A_158 = arith.constant 1 : i32
        %mul3A_159 = arith.muli %scan3A_157, %mul3A_158 : i32
        %add3A_160 = arith.constant 0 : i32
        %add3A_161 = arith.addi %add3A_160, %mul3A_159 : i32
        %get3A = arith.index_cast %add3A_161 : i32 to index
        %get3A_162 = arith.constant 0 : index
        %get3A_163 = tpu.vector_load %arg14[%get3A, %get3A_162] {strides = array<i32>} : memref<128x128xf32, #tpu.memory_space<vmem>>, vector<1x16xf32>,
        %get3A_164 = vector.shape_cast %get3A_163 : vector<1x16xf32> to vector<16xf32>
        %neg3A = arith.constant 0.000000e+00 : f32
        %neg3A_165 = vector.broadcast %neg3A : f32 to vector<16xf32>
        %neg3A_166 = arith.subf %neg3A_165, %get3A_164 : vector<16xf32>
        %swap3A = arith.index_cast %add3A_161 : i32 to index
        %swap3A_167 = arith.constant 0 : index
        %swap3A_168 = tpu.vector_load %arg14[%swap3A, %swap3A_167] {strides = array<i32>} : memref<128x128xf32, #tpu.memory_space<vmem>>, vector<1x16xf32>,
        %swap3A_169 = vector.shape_cast %swap3A_168 : vector<1x16xf32> to vector<16xf32>
        %swap3A_170 = vector.shape_cast %neg3A_166 : vector<16xf32> to vector<1x16xf32>
        tpu.vector_store %arg14[%swap3A, %swap3A_167], %swap3A_170 {strides = array<i32>} : memref<128x128xf32, #tpu.memory_space<vmem>>, vector<1x16xf32>,
        %get3A_171 = arith.index_cast %add3A_161 : i32 to index
        %get3A_172 = arith.constant 16 : index
        %get3A_173 = tpu.vector_load %arg14[%get3A_171, %get3A_172] {strides = array<i32>} : memref<128x128xf32, #tpu.memory_space<vmem>>, vector<1x16xf32>,
        %get3A_174 = vector.shape_cast %get3A_173 : vector<1x16xf32> to vector<16xf32>
        %neg3A_175 = arith.constant 0.000000e+00 : f32
        %neg3A_176 = vector.broadcast %neg3A_175 : f32 to vector<16xf32>
        %neg3A_177 = arith.subf %neg3A_176, %get3A_174 : vector<16xf32>
        %swap3A_178 = arith.index_cast %add3A_161 : i32 to index
        %swap3A_179 = arith.constant 16 : index
        %swap3A_180 = tpu.vector_load %arg14[%swap3A_178, %swap3A_179] {strides = array<i32>} : memref<128x128xf32, #tpu.memory_space<vmem>>, vector<1x16xf32>,
        %swap3A_181 = vector.shape_cast %swap3A_180 : vector<1x16xf32> to vector<16xf32>
        %swap3A_182 = vector.shape_cast %neg3A_177 : vector<16xf32> to vector<1x16xf32>
        tpu.vector_store %arg14[%swap3A_178, %swap3A_179], %swap3A_182 {strides = array<i32>} : memref<128x128xf32, #tpu.memory_space<vmem>>, vector<1x16xf32>,
        %get3A_183 = arith.index_cast %add3A_161 : i32 to index
        %get3A_184 = arith.constant 32 : index
        %get3A_185 = tpu.vector_load %arg14[%get3A_183, %get3A_184] {strides = array<i32>} : memref<128x128xf32, #tpu.memory_space<vmem>>, vector<1x16xf32>,
        %get3A_186 = vector.shape_cast %get3A_185 : vector<1x16xf32> to vector<16xf32>
        %neg3A_187 = arith.constant 0.000000e+00 : f32
        %neg3A_188 = vector.broadcast %neg3A_187 : f32 to vector<16xf32>
        %neg3A_189 = arith.subf %neg3A_188, %get3A_186 : vector<16xf32>
        %swap3A_190 = arith.index_cast %add3A_161 : i32 to index
        %swap3A_191 = arith.constant 32 : index
        %swap3A_192 = tpu.vector_load %arg14[%swap3A_190, %swap3A_191] {strides = array<i32>} : memref<128x128xf32, #tpu.memory_space<vmem>>, vector<1x16xf32>,
        %swap3A_193 = vector.shape_cast %swap3A_192 : vector<1x16xf32> to vector<16xf32>
        %swap3A_194 = vector.shape_cast %neg3A_189 : vector<16xf32> to vector<1x16xf32>
        tpu.vector_store %arg14[%swap3A_190, %swap3A_191], %swap3A_194 {strides = array<i32>} : memref<128x128xf32, #tpu.memory_space<vmem>>, vector<1x16xf32>,
        %get3A_195 = arith.index_cast %add3A_161 : i32 to index
        %get3A_196 = arith.constant 48 : index
        %get3A_197 = tpu.vector_load %arg14[%get3A_195, %get3A_196] {strides = array<i32>} : memref<128x128xf32, #tpu.memory_space<vmem>>, vector<1x16xf32>,
        %get3A_198 = vector.shape_cast %get3A_197 : vector<1x16xf32> to vector<16xf32>
        %neg3A_199 = arith.constant 0.000000e+00 : f32
        %neg3A_200 = vector.broadcast %neg3A_199 : f32 to vector<16xf32>
        %neg3A_201 = arith.subf %neg3A_200, %get3A_198 : vector<16xf32>
        %swap3A_202 = arith.index_cast %add3A_161 : i32 to index
        %swap3A_203 = arith.constant 48 : index
        %swap3A_204 = tpu.vector_load %arg14[%swap3A_202, %swap3A_203] {strides = array<i32>} : memref<128x128xf32, #tpu.memory_space<vmem>>, vector<1x16xf32>,
        %swap3A_205 = vector.shape_cast %swap3A_204 : vector<1x16xf32> to vector<16xf32>
        %swap3A_206 = vector.shape_cast %neg3A_201 : vector<16xf32> to vector<1x16xf32>
        tpu.vector_store %arg14[%swap3A_202, %swap3A_203], %swap3A_206 {strides = array<i32>} : memref<128x128xf32, #tpu.memory_space<vmem>>, vector<1x16xf32>,
        %get3A_207 = arith.index_cast %add3A_161 : i32 to index
        %get3A_208 = arith.constant 64 : index
        %get3A_209 = tpu.vector_load %arg14[%get3A_207, %get3A_208] {strides = array<i32>} : memref<128x128xf32, #tpu.memory_space<vmem>>, vector<1x16xf32>,
        %get3A_210 = vector.shape_cast %get3A_209 : vector<1x16xf32> to vector<16xf32>
        %neg3A_211 = arith.constant 0.000000e+00 : f32
        %neg3A_212 = vector.broadcast %neg3A_211 : f32 to vector<16xf32>
        %neg3A_213 = arith.subf %neg3A_212, %get3A_210 : vector<16xf32>
        %swap3A_214 = arith.index_cast %add3A_161 : i32 to index
        %swap3A_215 = arith.constant 64 : index
        %swap3A_216 = tpu.vector_load %arg14[%swap3A_214, %swap3A_215] {strides = array<i32>} : memref<128x128xf32, #tpu.memory_space<vmem>>, vector<1x16xf32>,
        %swap3A_217 = vector.shape_cast %swap3A_216 : vector<1x16xf32> to vector<16xf32>
        %swap3A_218 = vector.shape_cast %neg3A_213 : vector<16xf32> to vector<1x16xf32>
        tpu.vector_store %arg14[%swap3A_214, %swap3A_215], %swap3A_218 {strides = array<i32>} : memref<128x128xf32, #tpu.memory_space<vmem>>, vector<1x16xf32>,
        %get3A_219 = arith.index_cast %add3A_161 : i32 to index
        %get3A_220 = arith.constant 80 : index
        %get3A_221 = tpu.vector_load %arg14[%get3A_219, %get3A_220] {strides = array<i32>} : memref<128x128xf32, #tpu.memory_space<vmem>>, vector<1x16xf32>,
        %get3A_222 = vector.shape_cast %get3A_221 : vector<1x16xf32> to vector<16xf32>
        %neg3A_223 = arith.constant 0.000000e+00 : f32
        %neg3A_224 = vector.broadcast %neg3A_223 : f32 to vector<16xf32>
        %neg3A_225 = arith.subf %neg3A_224, %get3A_222 : vector<16xf32>
        %swap3A_226 = arith.index_cast %add3A_161 : i32 to index
        %swap3A_227 = arith.constant 80 : index
        %swap3A_228 = tpu.vector_load %arg14[%swap3A_226, %swap3A_227] {strides = array<i32>} : memref<128x128xf32, #tpu.memory_space<vmem>>, vector<1x16xf32>,
        %swap3A_229 = vector.shape_cast %swap3A_228 : vector<1x16xf32> to vector<16xf32>
        %swap3A_230 = vector.shape_cast %neg3A_225 : vector<16xf32> to vector<1x16xf32>
        tpu.vector_store %arg14[%swap3A_226, %swap3A_227], %swap3A_230 {strides = array<i32>} : memref<128x128xf32, #tpu.memory_space<vmem>>, vector<1x16xf32>,
        %get3A_231 = arith.index_cast %add3A_161 : i32 to index
        %get3A_232 = arith.constant 96 : index
        %get3A_233 = tpu.vector_load %arg14[%get3A_231, %get3A_232] {strides = array<i32>} : memref<128x128xf32, #tpu.memory_space<vmem>>, vector<1x16xf32>,
        %get3A_234 = vector.shape_cast %get3A_233 : vector<1x16xf32> to vector<16xf32>
        %neg3A_235 = arith.constant 0.000000e+00 : f32
        %neg3A_236 = vector.broadcast %neg3A_235 : f32 to vector<16xf32>
        %neg3A_237 = arith.subf %neg3A_236, %get3A_234 : vector<16xf32>
        %swap3A_238 = arith.index_cast %add3A_161 : i32 to index
        %swap3A_239 = arith.constant 96 : index
        %swap3A_240 = tpu.vector_load %arg14[%swap3A_238, %swap3A_239] {strides = array<i32>} : memref<128x128xf32, #tpu.memory_space<vmem>>, vector<1x16xf32>,
        %swap3A_241 = vector.shape_cast %swap3A_240 : vector<1x16xf32> to vector<16xf32>
        %swap3A_242 = vector.shape_cast %neg3A_237 : vector<16xf32> to vector<1x16xf32>
        tpu.vector_store %arg14[%swap3A_238, %swap3A_239], %swap3A_242 {strides = array<i32>} : memref<128x128xf32, #tpu.memory_space<vmem>>, vector<1x16xf32>,
        %get3A_243 = arith.index_cast %add3A_161 : i32 to index
        %get3A_244 = arith.constant 112 : index
        %get3A_245 = tpu.vector_load %arg14[%get3A_243, %get3A_244] {strides = array<i32>} : memref<128x128xf32, #tpu.memory_space<vmem>>, vector<1x16xf32>,
        %get3A_246 = vector.shape_cast %get3A_245 : vector<1x16xf32> to vector<16xf32>
        %neg3A_247 = arith.constant 0.000000e+00 : f32
        %neg3A_248 = vector.broadcast %neg3A_247 : f32 to vector<16xf32>
        %neg3A_249 = arith.subf %neg3A_248, %get3A_246 : vector<16xf32>
        %swap3A_250 = arith.index_cast %add3A_161 : i32 to index
        %swap3A_251 = arith.constant 112 : index
        %swap3A_252 = tpu.vector_load %arg14[%swap3A_250, %swap3A_251] {strides = array<i32>} : memref<128x128xf32, #tpu.memory_space<vmem>>, vector<1x16xf32>,
        %swap3A_253 = vector.shape_cast %swap3A_252 : vector<1x16xf32> to vector<16xf32>
        %swap3A_254 = vector.shape_cast %neg3A_249 : vector<16xf32> to vector<1x16xf32>
        tpu.vector_store %arg14[%swap3A_250, %swap3A_251], %swap3A_254 {strides = array<i32>} : memref<128x128xf32, #tpu.memory_space<vmem>>, vector<1x16xf32>,
      }
      %scan3A_135 = arith.constant 128 : i32
      %add3A_136 = arith.constant 1 : i32
      %add3A_137 = arith.addi %add3A_73, %add3A_136 : i32
      %dma_start3A_138 = arith.constant 0 : i32
      %dma_start3A_139 = tpu.memref_slice %arg11[%add3A_137, %dma_start3A_138] : memref<40x128xi32, #tpu.memory_space<vmem>> -> memref<1x128xi32, #tpu.memory_space<vmem>>
      %dma_start3A_140 = tpu.memref_squeeze %dma_start3A_139 : memref<1x128xi32, #tpu.memory_space<vmem>> -> memref<128xi32, #tpu.memory_space<vmem>>
      %dma_start3A_141 = arith.constant 0 : i32
      %dma_start3A_142 = arith.constant 0 : i32
      %dma_start3A_143 = tpu.memref_slice %arg10[%dma_start3A_141, %dma_start3A_142] : memref<10112x128xf32, #tpu.memory_space<vmem_shared>> -> memref<10112x128xf32, #tpu.memory_space<vmem_shared>>
      tpu.enqueue_indirect_dma source(%arg14 : memref<128x128xf32, #tpu.memory_space<vmem>>) target(%dma_start3A_143 : memref<10112x128xf32, #tpu.memory_space<vmem_shared>>) offsets(%dma_start3A_140 : memref<128xi32, #tpu.memory_space<vmem>>) semaphore(%arg18 : memref<!tpu.dma_semaphore, #tpu.memory_space<semaphore_mem>>) {add = true}
      %dma_wait3A_144 = arith.constant 0 : i32
      %dma_wait3A_145 = tpu.memref_slice %arg11[%add3A_73, %dma_wait3A_144] : memref<40x128xi32, #tpu.memory_space<vmem>> -> memref<1x128xi32, #tpu.memory_space<vmem>>
      %dma_wait3A_146 = tpu.memref_squeeze %dma_wait3A_145 : memref<1x128xi32, #tpu.memory_space<vmem>> -> memref<128xi32, #tpu.memory_space<vmem>>
      %dma_wait3A_147 = arith.constant 0 : i32
      %dma_wait3A_148 = arith.constant 0 : i32
      %dma_wait3A_149 = tpu.memref_slice %arg10[%dma_wait3A_147, %dma_wait3A_148] : memref<10112x128xf32, #tpu.memory_space<vmem_shared>> -> memref<10112x128xf32, #tpu.memory_space<vmem_shared>>
      tpu.wait_indirect_dma semaphore(%arg18 : memref<!tpu.dma_semaphore, #tpu.memory_space<semaphore_mem>>) src(%arg14 : memref<128x128xf32, #tpu.memory_space<vmem>>) dst(%dma_wait3A_149 : memref<10112x128xf32, #tpu.memory_space<vmem_shared>>)
      %add3A_150 = arith.constant 3 : i32
      %add3A_151 = arith.addi %add3A_73, %add3A_150 : i32
      %lt3A_152 = arith.constant 40 : i32
      %lt3A_153 = arith.cmpi slt, %add3A_151, %lt3A_152 : i32
      %convert_element_type3A_154 = arith.extui %lt3A_153 : i1 to i32
      %cond3A_155 = arith.constant 0 : i32
      %cond3A_156 = arith.cmpi ne, %convert_element_type3A_154, %cond3A_155 : i32
      scf.if %cond3A_156 {
        %add3A_157 = arith.constant 384 : i32
        %add3A_158 = arith.addi %add3A_76, %add3A_157 : i32
        %dma_start3A_159 = arith.constant 0 : i32
        %dma_start3A_160 = tpu.memref_slice %arg3[%add3A_158, %dma_start3A_159] : memref<163840x128xf32, #tpu.memory_space<hbm>> -> memref<128x128xf32, #tpu.memory_space<hbm>>
        %dma_start3A_161 = arith.constant 0 : i32
        %dma_start3A_162 = tpu.memref_slice %arg3[%add3A_158, %dma_start3A_161] : memref<163840x128xf32, #tpu.memory_space<hbm>> -> memref<128x128xf32, #tpu.memory_space<hbm>>
        tpu.enqueue_dma source(%dma_start3A_162 : memref<128x128xf32, #tpu.memory_space<hbm>>) target(%arg14 : memref<128x128xf32, #tpu.memory_space<vmem>>) target_semaphore(%arg16 : memref<!tpu.dma_semaphore, #tpu.memory_space<semaphore_mem>>)
      } else {
      }
    }
    %scan3A_65 = arith.constant 20 : i32
    %barrier3A_66 = arith.constant 0 : index
    tpu.barrier barrier_id(%barrier3A_66)
    %mul3A_67 = arith.constant 632 : i32
    %mul3A_68 = arith.muli %arg1, %mul3A_67 : i32
    "tpu.region"() ({
      %run_scoped3A = tpu.sem_alloc : memref<!tpu.dma_semaphore, #tpu.memory_space<semaphore_mem>>
      %dma_start3A_69 = arith.constant 0 : i32
      %dma_start3A_70 = tpu.memref_slice %arg9[%arg0, %mul3A_68, %dma_start3A_69] : memref<2x10112x128xf32, #tpu.memory_space<hbm>> -> memref<1x632x128xf32, #tpu.memory_space<hbm>>
      %dma_start3A_71 = tpu.memref_squeeze %dma_start3A_70 : memref<1x632x128xf32, #tpu.memory_space<hbm>> -> memref<632x128xf32, #tpu.memory_space<hbm>>
      %dma_start3A_72 = arith.constant 0 : i32
      %dma_start3A_73 = tpu.memref_slice %arg10[%mul3A_68, %dma_start3A_72] : memref<10112x128xf32, #tpu.memory_space<vmem_shared>> -> memref<632x128xf32, #tpu.memory_space<vmem_shared>>
      tpu.enqueue_dma source(%dma_start3A_73 : memref<632x128xf32, #tpu.memory_space<vmem_shared>>) target(%dma_start3A_71 : memref<632x128xf32, #tpu.memory_space<hbm>>) target_semaphore(%run_scoped3A : memref<!tpu.dma_semaphore, #tpu.memory_space<semaphore_mem>>)
      %dma_wait3A = arith.constant 0 : i32
      %dma_wait3A_74 = tpu.memref_slice %arg9[%arg0, %mul3A_68, %dma_wait3A] : memref<2x10112x128xf32, #tpu.memory_space<hbm>> -> memref<1x632x128xf32, #tpu.memory_space<hbm>>
      %dma_wait3A_75 = tpu.memref_squeeze %dma_wait3A_74 : memref<1x632x128xf32, #tpu.memory_space<hbm>> -> memref<632x128xf32, #tpu.memory_space<hbm>>
      %dma_wait3A_76 = arith.constant 0 : i32
      %dma_wait3A_77 = tpu.memref_slice %arg10[%mul3A_68, %dma_wait3A_76] : memref<10112x128xf32, #tpu.memory_space<vmem_shared>> -> memref<632x128xf32, #tpu.memory_space<vmem_shared>>
      tpu.wait_dma2 semaphore(%run_scoped3A : memref<!tpu.dma_semaphore, #tpu.memory_space<semaphore_mem>>) src(%dma_wait3A_77 : memref<632x128xf32, #tpu.memory_space<vmem_shared>>) dst(%dma_wait3A_75 : memref<632x128xf32, #tpu.memory_space<hbm>>)
      tpu.yield
    }) : () -> ()
    return
  }
}

module attributes {stable_mosaic.version = 14 : i64} {
  func.func @_mm2_body(%arg0: memref<10000x128xf32, #tpu.memory_space<vmem>>, %arg1: memref<128x128xf32, #tpu.memory_space<vmem>>, %arg2: memref<128x128xf32, #tpu.memory_space<vmem>>, %arg3: memref<10112x128xf32, #tpu.memory_space<vmem>>, %arg4: memref<10112x128xf32, #tpu.memory_space<vmem>>) attributes {dimension_semantics = [], scalar_prefetch = 0 : i64, scratch_operands = 0 : i64, tpu.core_type = #tpu.core_type<tc>} {
    %get3A = arith.constant 0 : index
    %get3A_0 = arith.constant 0 : index
    %get3A_1 = vector.load %arg0[%get3A, %get3A_0] : memref<10000x128xf32, #tpu.memory_space<vmem>>, vector<10000x128xf32>
    %get3A_2 = arith.constant 0 : index
    %get3A_3 = arith.constant 0 : index
    %get3A_4 = vector.load %arg1[%get3A_2, %get3A_3] : memref<128x128xf32, #tpu.memory_space<vmem>>, vector<128x128xf32>
    %dot_general3A = arith.constant dense<0.000000e+00> : vector<10000x128xf32>
    %dot_general3A_5 = tpu.matmul %get3A_1, %get3A_4, %dot_general3A {dimension_numbers = #tpu.dot_dimension_numbers<[1], [0], [0], [1], [0, 0, 1, 1], [], []>, transpose_lhs_hint = false} : vector<10000x128xf32>, vector<128x128xf32>, vector<10000x128xf32> -> vector<10000x128xf32>
    %jit3A = arith.constant 0 : i32
    %convert_element_type3A = arith.sitofp %jit3A : i32 to f32
    %pad3A = vector.broadcast %convert_element_type3A : f32 to vector<112x128xf32>
    %pad3A_6 = tpu.concatenate %dot_general3A_5, %pad3A in 0 : vector<10000x128xf32>, vector<112x128xf32> -> vector<10112x128xf32>
    %swap3A = arith.constant 0 : index
    %swap3A_7 = arith.constant 0 : index
    %swap3A_8 = vector.load %arg3[%swap3A, %swap3A_7] : memref<10112x128xf32, #tpu.memory_space<vmem>>, vector<10112x128xf32>
    tpu.vector_store %arg3[%swap3A, %swap3A_7], %pad3A_6 {strides = array<i32>} : memref<10112x128xf32, #tpu.memory_space<vmem>>, vector<10112x128xf32>,
    %get3A_9 = arith.constant 0 : index
    %get3A_10 = arith.constant 0 : index
    %get3A_11 = vector.load %arg2[%get3A_9, %get3A_10] : memref<128x128xf32, #tpu.memory_space<vmem>>, vector<128x128xf32>
    %dot_general3A_12 = arith.constant dense<0.000000e+00> : vector<10000x128xf32>
    %dot_general3A_13 = tpu.matmul %get3A_1, %get3A_11, %dot_general3A_12 {dimension_numbers = #tpu.dot_dimension_numbers<[1], [0], [0], [1], [0, 0, 1, 1], [], []>, transpose_lhs_hint = false} : vector<10000x128xf32>, vector<128x128xf32>, vector<10000x128xf32> -> vector<10000x128xf32>
    %jit3A_14 = arith.constant 0 : i32
    %convert_element_type3A_15 = arith.sitofp %jit3A_14 : i32 to f32
    %pad3A_16 = vector.broadcast %convert_element_type3A_15 : f32 to vector<112x128xf32>
    %pad3A_17 = tpu.concatenate %dot_general3A_13, %pad3A_16 in 0 : vector<10000x128xf32>, vector<112x128xf32> -> vector<10112x128xf32>
    %swap3A_18 = arith.constant 0 : index
    %swap3A_19 = arith.constant 0 : index
    %swap3A_20 = vector.load %arg4[%swap3A_18, %swap3A_19] : memref<10112x128xf32, #tpu.memory_space<vmem>>, vector<10112x128xf32>
    tpu.vector_store %arg4[%swap3A_18, %swap3A_19], %pad3A_17 {strides = array<i32>} : memref<10112x128xf32, #tpu.memory_space<vmem>>, vector<10112x128xf32>,
    return
  }
}

module attributes {stable_mosaic.version = 14 : i64} {
  func.func @_sig_mm_body(%arg0: i32, %arg1: memref<4096x128xf32, #tpu.memory_space<vmem>>, %arg2: memref<128x128xf32, #tpu.memory_space<vmem>>, %arg3: memref<4096x128xf32, #tpu.memory_space<vmem>>) attributes {dimension_semantics = [#tpu.dimension_semantics<arbitrary>], iteration_bounds = array<i64: 40>, scalar_prefetch = 0 : i64, scratch_operands = 0 : i64, tpu.core_type = #tpu.core_type<tc>, window_params = [{transform_indices = @transform_0, window_bounds = array<i64: 4096, 128>}, {pipeline_mode = #tpu.pipeline_mode<synchronous>, transform_indices = @transform_1, window_bounds = array<i64: 128, 128>}, {transform_indices = @transform_2, window_bounds = array<i64: 4096, 128>}]} {
    %get3A = arith.constant 0 : index
    %get3A_0 = arith.constant 0 : index
    %get3A_1 = vector.load %arg1[%get3A, %get3A_0] : memref<4096x128xf32, #tpu.memory_space<vmem>>, vector<4096x128xf32>
    %logistic3A = arith.negf %get3A_1 : vector<4096x128xf32>
    %logistic3A_2 = math.exp %logistic3A : vector<4096x128xf32>
    %logistic3A_3 = arith.constant 1.000000e+00 : f32
    %logistic3A_4 = vector.broadcast %logistic3A_3 : f32 to vector<4096x128xf32>
    %logistic3A_5 = arith.addf %logistic3A_4, %logistic3A_2 : vector<4096x128xf32>
    %logistic3A_6 = arith.divf %logistic3A_4, %logistic3A_5 : vector<4096x128xf32>
    %get3A_7 = arith.constant 0 : index
    %get3A_8 = arith.constant 0 : index
    %get3A_9 = vector.load %arg2[%get3A_7, %get3A_8] : memref<128x128xf32, #tpu.memory_space<vmem>>, vector<128x128xf32>
    %dot_general3A = arith.constant dense<0.000000e+00> : vector<4096x128xf32>
    %dot_general3A_10 = tpu.matmul %logistic3A_6, %get3A_9, %dot_general3A {dimension_numbers = #tpu.dot_dimension_numbers<[1], [0], [0], [1], [0, 0, 1, 1], [], []>, transpose_lhs_hint = false} : vector<4096x128xf32>, vector<128x128xf32>, vector<4096x128xf32> -> vector<4096x128xf32>
    %swap3A = arith.constant 0 : index
    %swap3A_11 = arith.constant 0 : index
    %swap3A_12 = vector.load %arg3[%swap3A, %swap3A_11] : memref<4096x128xf32, #tpu.memory_space<vmem>>, vector<4096x128xf32>
    tpu.vector_store %arg3[%swap3A, %swap3A_11], %dot_general3A_10 {strides = array<i32>} : memref<4096x128xf32, #tpu.memory_space<vmem>>, vector<4096x128xf32>,
    return
  }
  func.func @transform_0(%arg0: i32) -> (i32, i32) {
    %c0_i32 = arith.constant 0 : i32
    %c0_i32_0 = arith.constant 0 : i32
    return %arg0, %c0_i32 : i32, i32
  }
  func.func @transform_1(%arg0: i32) -> (i32, i32) {
    %c0_i32 = arith.constant 0 : i32
    %c0_i32_0 = arith.constant 0 : i32
    %c0_i32_1 = arith.constant 0 : i32
    return %c0_i32, %c0_i32_0 : i32, i32
  }
  func.func @transform_2(%arg0: i32) -> (i32, i32) {
    %c0_i32 = arith.constant 0 : i32
    %c0_i32_0 = arith.constant 0 : i32
    return %arg0, %c0_i32 : i32, i32
  }
}

module attributes {stable_mosaic.version = 14 : i64} {
  func.func @_sig_mm_pair_body(%arg0: memref<2x10112x128xf32, #tpu.memory_space<vmem>>, %arg1: memref<128x128xf32, #tpu.memory_space<vmem>>, %arg2: memref<10112x128xf32, #tpu.memory_space<vmem>>) attributes {dimension_semantics = [], scalar_prefetch = 0 : i64, scratch_operands = 0 : i64, tpu.core_type = #tpu.core_type<tc>} {
    %get3A = arith.constant 0 : index
    %get3A_0 = arith.constant 0 : index
    %get3A_1 = arith.constant 0 : index
    %get3A_2 = vector.load %arg0[%get3A, %get3A_0, %get3A_1] : memref<2x10112x128xf32, #tpu.memory_space<vmem>>, vector<1x10112x128xf32>
    %get3A_3 = vector.shape_cast %get3A_2 : vector<1x10112x128xf32> to vector<10112x128xf32>
    %get3A_4 = arith.constant 1 : index
    %get3A_5 = arith.constant 0 : index
    %get3A_6 = arith.constant 0 : index
    %get3A_7 = vector.load %arg0[%get3A_4, %get3A_5, %get3A_6] : memref<2x10112x128xf32, #tpu.memory_space<vmem>>, vector<1x10112x128xf32>
    %get3A_8 = vector.shape_cast %get3A_7 : vector<1x10112x128xf32> to vector<10112x128xf32>
    %add3A = arith.addf %get3A_3, %get3A_8 : vector<10112x128xf32>
    %logistic3A = arith.negf %add3A : vector<10112x128xf32>
    %logistic3A_9 = math.exp %logistic3A : vector<10112x128xf32>
    %logistic3A_10 = arith.constant 1.000000e+00 : f32
    %logistic3A_11 = vector.broadcast %logistic3A_10 : f32 to vector<10112x128xf32>
    %logistic3A_12 = arith.addf %logistic3A_11, %logistic3A_9 : vector<10112x128xf32>
    %logistic3A_13 = arith.divf %logistic3A_11, %logistic3A_12 : vector<10112x128xf32>
    %get3A_14 = arith.constant 0 : index
    %get3A_15 = arith.constant 0 : index
    %get3A_16 = vector.load %arg1[%get3A_14, %get3A_15] : memref<128x128xf32, #tpu.memory_space<vmem>>, vector<128x128xf32>
    %dot_general3A = arith.constant dense<0.000000e+00> : vector<10112x128xf32>
    %dot_general3A_17 = tpu.matmul %logistic3A_13, %get3A_16, %dot_general3A {dimension_numbers = #tpu.dot_dimension_numbers<[1], [0], [0], [1], [0, 0, 1, 1], [], []>, transpose_lhs_hint = false} : vector<10112x128xf32>, vector<128x128xf32>, vector<10112x128xf32> -> vector<10112x128xf32>
    %swap3A = arith.constant 0 : index
    %swap3A_18 = arith.constant 0 : index
    %swap3A_19 = vector.load %arg2[%swap3A, %swap3A_18] : memref<10112x128xf32, #tpu.memory_space<vmem>>, vector<10112x128xf32>
    tpu.vector_store %arg2[%swap3A, %swap3A_18], %dot_general3A_17 {strides = array<i32>} : memref<10112x128xf32, #tpu.memory_space<vmem>>, vector<10112x128xf32>,
    return
  }
}

module attributes {stable_mosaic.version = 14 : i64} {
  func.func @_sum2_body(%arg0: memref<2x10112x128xf32, #tpu.memory_space<vmem>>, %arg1: memref<10000x128xf32, #tpu.memory_space<vmem>>) attributes {dimension_semantics = [], scalar_prefetch = 0 : i64, scratch_operands = 0 : i64, tpu.core_type = #tpu.core_type<tc>} {
    %get3A = arith.constant 0 : index
    %get3A_0 = arith.constant 0 : index
    %get3A_1 = arith.constant 0 : index
    %get3A_2 = vector.load %arg0[%get3A, %get3A_0, %get3A_1] : memref<2x10112x128xf32, #tpu.memory_space<vmem>>, vector<1x10000x128xf32>
    %get3A_3 = vector.shape_cast %get3A_2 : vector<1x10000x128xf32> to vector<10000x128xf32>
    %get3A_4 = arith.constant 1 : index
    %get3A_5 = arith.constant 0 : index
    %get3A_6 = arith.constant 0 : index
    %get3A_7 = vector.load %arg0[%get3A_4, %get3A_5, %get3A_6] : memref<2x10112x128xf32, #tpu.memory_space<vmem>>, vector<1x10000x128xf32>
    %get3A_8 = vector.shape_cast %get3A_7 : vector<1x10000x128xf32> to vector<10000x128xf32>
    %add3A = arith.addf %get3A_3, %get3A_8 : vector<10000x128xf32>
    %swap3A = arith.constant 0 : index
    %swap3A_9 = arith.constant 0 : index
    %swap3A_10 = vector.load %arg1[%swap3A, %swap3A_9] : memref<10000x128xf32, #tpu.memory_space<vmem>>, vector<10000x128xf32>
    tpu.vector_store %arg1[%swap3A, %swap3A_9], %add3A {strides = array<i32>} : memref<10000x128xf32, #tpu.memory_space<vmem>>, vector<10000x128xf32>,
    return
  }
}

</mosaic_0001>

<sc_bundles>
// kernel: kernel.12.cloned.1.call-start
scs
__scs_entry_jumppad:
0x0: {  	(pc) =	sbr.rel $0x88, $3  }
0x1: {  	(tag) =	ssettag $0x0;
	lr =	simm.s32 $0x1  }
0x2: {  	[smem:$0x3F99] =	sst lr;
	_ =	strace $0xD0000000  }
0x3: {  	_ = 	snop  }
0x4: {  	_ = 	snop  }
0x5: {  	_ = 	snop  }
0x6: {  	_ = 	snop  }
0x7: {  	_ = 	snop  }
__scs_overlays_trampoline_lowered:
0x8: {  	[smem:$0x3FA8] =	sst s0  }
0x9: {  	[smem:$0x3FA9] =	sst s1  }
0xa: {  	[smem:$0x3FAA] =	sst s2  }
0xb: {  	[smem:$0x3FAB] =	sst s3  }
0xc: {  	[smem:$0x3FAC] =	sst s4  }
0xd: {  	[smem:$0x3FAD] =	sst s5  }
0xe: {  	[smem:$0x3FAE] =	sst s6  }
0xf: {  	[smem:$0x3FAF] =	sst s7  }
0x10: {  	[smem:$0x3FB0] =	sst s8  }
0x11: {  	[smem:$0x3FB1] =	sst s9;
	s0 =	simm.s32 @!p0 $0x0  }
0x12: {  	s1 =	sld [smem:$0x3F97];
	s0 =	simm.s32 @p0 $0x1  }
0x13: {  	[smem:$0x3FB2] =	sst s0;
	s0 =	simm.s32 @!p1 $0x0  }
0x14: {  	s2 =	sld [smem:$0x3F96];
	s0 =	simm.s32 @p1 $0x1  }
0x15: {  	[smem:$0x3FB3] =	sst s0;
	s0 =	simm.s32 @!p2 $0x0  }
0x16: {  	s3 =	sld [smem:$0x3FDB];
	s0 =	simm.s32 @p2 $0x1  }
0x17: {  	s4 =	simm.s32 $0x1BF5;
	[smem:$0x3FB5] =	sst s0  }
0x18: {  	s0 =	sld [smem:$0x3F98];
	_ =	swait.ge [sflag:s4], $0x0  }
0x19: {  	s7 =	sld [smem:$0x3F99]  }
0x1a: {  	s8 =	sadd.s32 $0xFFFFE003, lr  }
0x1b: {  	s9 =	sadd.s32 $0xFFFFFEF7, lr;
	s5 =	simm.s32 $0xFFFFFFFF;
	p2 =	slt.u32 s8, $0xFFFFF086  }
0x1c: {  	p1 =	slt.u32 s9, $0xF7A;
	s5 =	simm.s32 @!p2 $0x0  }
0x1d: {  	s5 =	simm.s32 @p1 $0x1;
	p0 =	seq.s32 s7, s2  }
0x1e: {  	s7 =	smul.u32 @!p0 $0xF7A, s2;
	p2 =	seq.s32 @!p0 s5, $0x0  }
0x1f: {  	s9 =	smul.u32 $0xF7A, s1;
	s8 =	simm.s32 @!p0 $0x1BF5;
	p2 =	por !p2, p0  }
0x20: {  	[sflag:s8] =	ssyncset.s32 @!p0 $0xFFFFF086;
	s6 =	sadd.s32 @!p0 s3, s7;
	s7 =	simm.s32 @!p0 $0x108  }
0x21: {  	s3 =	sadd.s32 s3, s9;
	s6 =	sadd.s32 @!p0 $0x88, s6;
	s7 =	simm.s32 @p2 $0x1082  }
0x22: {  	[simem:s7], [sflag:s8] =	dma.local @!p0 [hbm:s6], $0xF7A  }
0x23: {  	s9 =	sor.u32 $0xD0000000, s2;
	s6 =	simm.s32 $0x108;
	_ =	swait.ge @!p0 [sflag:s8], $0x0  }
0x24: {  	s3 =	sadd.s32 $0x88, s3;
	s6 =	simm.s32 @!p1 $0x1082;
	[sflag:s4] =	ssyncset.s32 $0xFFFFF086  }
0x25: {  	[simem:s6], [sflag:s4] =	dma.local [hbm:s3], $0xF7A  }
0x26: {  	[smem:$0x3F99] =	sst s1;
	(tag) =	ssettag s2;
	_ =	strace s9  }
0x27: {  	s1 =	sld [smem:$0x3FA9]  }
0x28: {  	s2 =	sld [smem:$0x3FAA]  }
0x29: {  	s4 =	sld [smem:$0x3FAC]  }
0x2a: {  	p0 =	seq.s32 s5, $0x0;
	s5 =	sld [smem:$0x3FAD]  }
0x2b: {  	s6 =	sld [smem:$0x3FAE]  }
0x2c: {  	s7 =	sld [smem:$0x3FAF]  }
0x2d: {  	s3 =	simm.s32 $0x108;
	s8 =	sld [smem:$0x3FB0]  }
0x2e: {  	s3 =	simm.s32 @!p0 $0x1082;
	s9 =	sld [smem:$0x3FB1]  }
0x2f: {  	lr =	sadd.s32 s0, s3;
	s0 =	sld [smem:$0x3FA8]  }
0x30: {  	s3 =	sld [smem:$0x3FAB]  }
0x31: {  	[smem:$0x3FB4] =	sst s10  }
0x32: {  	s10 =	sld [smem:$0x3FB2];
	_ =	sdelay $0x3  }
0x33: {  	p0 =	seq.s32 s10, $0x1;
	s10 =	sld [smem:$0x3FB4];
	_ =	sdelay $0x3  }
0x34: {  	[smem:$0x3FB4] =	sst s10  }
0x35: {  	s10 =	sld [smem:$0x3FB3];
	_ =	sdelay $0x3  }
0x36: {  	p1 =	seq.s32 s10, $0x1;
	s10 =	sld [smem:$0x3FB4];
	_ =	sdelay $0x3  }
0x37: {  	[smem:$0x3FB4] =	sst s10  }
0x38: {  	s10 =	sld [smem:$0x3FB5]  }
0x39: {  	_ = 	snop;
	(pc) =	sbr.ind lr, $3  }
0x3a: {  	_ = 	snop  }
0x3b: {  	_ = 	snop  }
0x3c: {  	p2 =	seq.s32 s10, $0x1;
	s10 =	sld [smem:$0x3FB4]  }
0x3d: {  	_ =	shalt  }
0x3e: {  	_ =	shalt  }
0x3f: {  	_ =	shalt  }
0x40: {  	_ =	shalt  }
0x41: {  	_ =	shalt  }
0x42: {  	_ =	shalt  }
0x43: {  	_ =	shalt  }
0x44: {  	_ =	shalt  }
0x45: {  	_ =	shalt  }
0x46: {  	_ =	shalt  }
0x47: {  	_ =	shalt  }
0x48: {  	_ =	shalt  }
0x49: {  	_ =	shalt  }
0x4a: {  	_ =	shalt  }
0x4b: {  	_ =	shalt  }
0x4c: {  	_ =	shalt  }
0x4d: {  	_ =	shalt  }
0x4e: {  	_ =	shalt  }
0x4f: {  	_ =	shalt  }
0x50: {  	_ =	shalt  }
0x51: {  	_ =	shalt  }
0x52: {  	_ =	shalt  }
0x53: {  	_ =	shalt  }
0x54: {  	_ =	shalt  }
0x55: {  	_ =	shalt  }
0x56: {  	_ =	shalt  }
0x57: {  	_ =	shalt  }
0x58: {  	_ =	shalt  }
0x59: {  	_ =	shalt  }
0x5a: {  	_ =	shalt  }
0x5b: {  	_ =	shalt  }
0x5c: {  	_ =	shalt  }
0x5d: {  	_ =	shalt  }
0x5e: {  	_ =	shalt  }
0x5f: {  	_ =	shalt  }
0x60: {  	_ =	shalt  }
0x61: {  	_ =	shalt  }
0x62: {  	_ =	shalt  }
0x63: {  	_ =	shalt  }
0x64: {  	_ =	shalt  }
0x65: {  	_ =	shalt  }
0x66: {  	_ =	shalt  }
0x67: {  	_ =	shalt  }
0x68: {  	_ =	shalt  }
0x69: {  	_ =	shalt  }
0x6a: {  	_ =	shalt  }
0x6b: {  	_ =	shalt  }
0x6c: {  	_ =	shalt  }
0x6d: {  	_ =	shalt  }
0x6e: {  	_ =	shalt  }
0x6f: {  	_ =	shalt  }
0x70: {  	_ =	shalt  }
0x71: {  	_ =	shalt  }
0x72: {  	_ =	shalt  }
0x73: {  	_ =	shalt  }
0x74: {  	_ =	shalt  }
0x75: {  	_ =	shalt  }
0x76: {  	_ =	shalt  }
0x77: {  	_ =	shalt  }
0x78: {  	_ =	shalt  }
0x79: {  	_ =	shalt  }
0x7a: {  	_ =	shalt  }
0x7b: {  	_ =	shalt  }
0x7c: {  	_ =	shalt  }
0x7d: {  	_ =	shalt  }
0x7e: {  	_ =	shalt  }
0x7f: {  	_ =	shalt  }
0x80: {  	_ =	shalt  }
0x81: {  	_ =	shalt  }
0x82: {  	_ =	shalt  }
0x83: {  	_ =	shalt  }
0x84: {  	_ =	shalt  }
0x85: {  	_ =	shalt  }
0x86: {  	_ =	shalt  }
0x87: {  	_ =	shalt  }
.Lfunc_end0:
.L_simem_size_0:
called_computation.1_lowered:
.L_overlay_start_0:
0x88: {  	s2 =	sld [smem:$0x3FD9]  }
0x89: {  	s3 =	sld [smem:$0x3FFE];
	_ =	sdelay $0x1  }
0x8a: {  	s1 =	srdreg.scid  }
0x8b: {  	s0 =	sand.u32 $0x1, s1  }
0x8c: {  	s16 =	sshll.u32 s0, $0xA;
	s2 =	sadd.s32 s3, s2  }
0x8d: {  	s2 =	sadd.s32 s2, s16  }
0x8e: {  	[smem:$0x3FC0] =	sst s2  }
0x8f: {  	_ = 	snop  }
0x90: {  	(tm) =	ssettm $0x1  }
0x91: {  	s17 =	sld [smem:$0x3FFB];
	_ =	sdelay $0x3  }
0x92: {  	_ =	strace s17  }
0x93: {  	s2 =	sld [smem:$0x3FFC];
	_ =	sdelay $0x3  }
0x94: {  	_ =	strace s2  }
0x95: {  	s2 =	sld [smem:$0x3FFD];
	_ =	sdelay $0x3  }
0x96: {  	_ =	strace s2  }
0x97: {  	_ =	strace $0x8FFFFFFF  }
0x98: {  	s18 =	sld [smem:$0x3FDB];
	_ =	sdelay $0x1  }
0x99: {  	s19 =	simm.s32 $_scs_section_size  }
0x9a: {  	s4 =	simm.s32 $_size__tile_overlayer_lowered;
	s5 =	simm.s32 $_tile_overlayer_lowered  }
0x9b: {  	s22 =	simm.s32 $0x1BFF;
	s21 =	sshll.u32 s5, $0x1;
	s2 =	sadd.s32 s19, s18  }
0x9c: {  	s6 =	simm.s32 $0x0;
	s20 =	sshll.u32 s4, $0x1;
	s4 =	sadd.s32 s21, s2  }
0x9d: {  	[timem:s6], [sflag:s22] =	dma.local [hbm:s4], s20  }
0x9e: {  	_ =	swait.ge [sflag:s22], s20  }
0x9f: {  	s3 =	ssub.s32 $0x0, s20;
	[sflag:s22] =	ssyncset.done $0x0  }
0xa0: {  	[sflag:s22] =	ssyncadd.s32 s3;
	_ =	sdelay $0x1  }
0xa1: {  	s23 =	simm.s32 $0x1B8B  }
0xa2: {  	_ =	swait.ge [sflag:s23], $0x1  }
0xa3: {  	[sflag:s23] =	ssyncset.done $0x0  }
0xa4: {  	s25 =	simm.s32 $0x1B8E;
	s24 =	sld [smem:$0x3FFE];
	[sflag:s23] =	ssyncadd.s32 $0xFFFFFFFF  }
0xa5: {  	s26 =	simm.s32 $execute0_lowered;
	[smem:$0x3FD2] =	sst s25  }
0xa6: {  	s4 =	sshll.u32 s26, $0x1;
	_ =	strace $0x80000046;
	[dreg:$0x1] =	wrdreg $0xFFFFFFFF  }
0xa7: {  	s28 =	simm.s32 $_size_execute0_lowered;
	s2 =	sadd.s32 s2, s4;
	[dreg:$0x0] =	wrdreg $0x0  }
0xa8: {  	s4 =	sshll.u32 s28, $0x1;
	[dreg:$0x2] =	wrdreg s2  }
0xa9: {  	[dreg:$0x3] =	wrdreg s4  }
0xaa: {  	[dreg:$0x4] =	wrdreg $0xC0  }
0xab: {  	_ =	task [dreg:s6], $0x5FFFF  }
0xac: {  	[dreg:$0x1] =	wrdreg $0xFFFFFFFF  }
0xad: {  	[dreg:$0x0] =	wrdreg $0x60  }
0xae: {  	[dreg:$0x2] =	wrdreg s24  }
0xaf: {  	[dreg:$0x3] =	wrdreg $0x0  }
0xb0: {  	[dreg:$0x4] =	wrdreg $0xA  }
0xb1: {  	_ =	task.clear_ibuf [dreg:s6], $0x5FFFF;
	_ =	strace $0x90000046  }
0xb2: {  	s29 =	simm.s32 $0xA;
	_ =	strace $0x80000048  }
0xb3: {  	_ =	swait.ge [sflag:s29], $0x1  }
0xb4: {  	[sflag:s29] =	ssyncadd.s32 $0xFFFFFFFF  }
0xb5: {  	_ =	strace $0x90000048  }
0xb6: {  	_ =	sfence  }
0xb7: {  	s30 =	sld [smem:$0x0];
	_ =	sdelay $0x2  }
0xb8: {  	s31 =	sshll.u32 s1, $0xD;
	s1 =	sshrl.u32 s1, $0x2  }
0xb9: {  	s3 =	sand.u32 $0x4000, s31;
	s1 =	sadd.s32 s1, s30  }
0xba: {  	s0 =	sor.u32 s3, s0;
	s1 =	sshll.u32 s1, $0x11  }
0xbb: {  	s0 =	sor.u32 s1, s0  }
0xbc: {  	s0 =	sadd.s32 $0x8F2B, s0  }
0xbd: {  	[sflag:s0] =	ssyncadd.remote.s32 $0x1  }
0xbe: {  	_ =	sfence.sel $0xFFFF  }
0xbf: {  	[dreg:$0x0] =	wrdreg $0xFFFFFFFF;
	(pc) =	sbr.abs _section_cstart, $3  }
0xc0: {  	[dreg:$0x1] =	wrdreg $0xFFFFFFFF  }
0xc1: {  	_ =	task.clear_ibuf [dreg:s6], $0x2FFFF;
	_ =	strace $0x9FFFFFFF  }
0xc2: {  	(tm) =	ssettm $0x7FFFFFFF  }
0xc3: {  	_ =	shalt  }
tec
execute0_lowered:
.L_overlay_start_1:
0x0: {  	(tag) =	ssettag $0x1  }
0x1: {  	s0 =	rddreg [dreg:$0x0]  }
0x2: {  	s2 =	rddreg [dreg:$0x1]  }
0x3: {  	s12 =	stileid.u32;
	s3 =	simm.s32 $0x0;
	s4 =	srdreg.scid  }
0x4: {  	s16 =	simm.s32 $0x7;
	s17 =	simm.s32 $0x13C00;
	s28 =	simm.s32 $0x3  }
0x5: {  	s29 =	simm.s32 $0x2;
	s30 =	simm.s32 $0x4;
	s31 =	simm.s32 $0x5  }
0x6: {  	s1 =	smul.u32 $0x2780, s12;
	[smem:$0x7FF] =	sst s3;
	s5 =	sadd.s32 $0x3000, s0  }
0x7: {  	s6 =	sadd.s32 $0xD000, s0;
	s4 =	sand.u32 $0x1, s4;
	s9 =	smul.u32 $0x4F000, s12  }
0x8: {  	s19 =	sshll.u32 s12, $0x6;
	_ =	strace $0x80000047;
	s7 =	ssub.s32 $0x2, s4  }
0x9: {  	s8 =	sshll.u32 s4, $0x4;
	s4 =	sadd.s32 $0x66000, s0;
	s21 =	sor.u32 $0x1C07, s19  }
0xa: {  	s19 =	simm.s32 $0x40;
	s1 =	sadd.s32 s1, s0;
	s10 =	sshrl.u32 s7, $0x1  }
0xb: {  	s8 =	sor.u32 s12, s8;
	s9 =	sshrl.u32 s9, $0x2;
	[dreg:$0x4] =	wrdreg s21  }
0xc: {  	s21 =	simm.s32 $0x1A400;
	s7 =	ssub.s32 s7, s10;
	s18 =	smul.u32 $0x50, s8  }
0xd: {  	s11 =	sadd.s32 s9, s2;
	s20 =	smul.u32 $0x500, s8;
	s1 =	sadd.s32 $0x17000, s1  }
0xe: {  	s9 =	smul.u32 $0x14000, s8;
	s10 =	sadd.s32 $0x66400, s0;
	s0 =	simm.s32 $0x6  }
0xf: {  	[dreg:$0x3] =	wrdreg s1;
	s14 =	smax.u32 s7, $0x1;
	s15 =	sshrl.u32 s11, $0x3  }
0x10: {  	s1 =	simm.s32 $0x0;
	s22 =	sadd.s32 $0x28, s18;
	s23 =	sadd.s32 s5, s20  }
.Ltmp0:
0x11: {  	s24 =	sadd.s32 s6, s20;
	[dreg:$0x5] =	wrdreg s23;
	(pc) =	sbr.rel .LBB2_1-.Ltmp0, $4  }
0x12: {  	s18 =	simm.s32 $0x15000;
	[dreg:$0x6] =	wrdreg s24;
	s25 =	sshll.u32 s22, $0x4  }
0x13: {  	s13 =	sshll.u32 s22, $0xA;
	s22 =	simm.s32 $0x13C80;
	s23 =	simm.s32 $0x18400  }
0x14: {  	s24 =	simm.s32 $0x15080;
	s26 =	sadd.s32 s5, s25;
	s12 =	sadd.s32 s6, s25  }
0x15: {  	s25 =	simm.s32 $0x1C400;
	[dreg:$0x7] =	wrdreg s26;
	s26 =	simm.s32 $0x1  }
.LBB2_15:
0x16: {  	s1 =	sadd.s32 $0x1, s1  }
0x17: {  	p0 =	sne.s32 s1, s14  }
.Ltmp1:
0x18: {  	_ = 	snop;
	(pc) =	sbr.rel @!p0 .LBB2_16-.Ltmp1, $4  }
0x19: {  	[hbm4b:s7+s3] =	stream.linear.scatter [tilespmem:s25], [sflag:$0x6], $0x2000, $0x38;
	[tilespmem:$0x1E400] =	vst v63  }
0x1a: {  	_ =	swait.ge [sflag:s0], $0x2000  }
0x1b: {  	[sflag:s0] =	ssyncset.done $0x0  }
0x1c: {  	[sflag:s0] =	ssyncadd.s32 $0xFFFFE000  }
.LBB2_1:
0x1d: {  	s5 =	rddreg [dreg:$0x3]  }
0x1e: {  	s6 =	rddreg [dreg:$0x4]  }
0x1f: {  	[spmem:s15], [sflag:s6] =	dma.local [hbm:s5], $0x2780  }
0x20: {  	_ =	swait.ge [sflag:s16], $0x2780  }
0x21: {  	[sflag:s16] =	ssyncset.done $0x0  }
0x22: {  	s8 =	rddreg [dreg:$0x5];
	[sflag:s16] =	ssyncadd.s32 $0xFFFFD880  }
0x23: {  	[tilespmem:s17], [sflag:$0x7] =	stream.linear.gather [hbm4b:s8+s3], $0x1400, $0x38;
	[tilespmem:$0x1E400] =	vst v63  }
0x24: {  	_ =	swait.ge [sflag:s16], $0x1400  }
0x25: {  	[sflag:s16] =	ssyncset.done $0x0  }
0x26: {  	s11 =	rddreg [dreg:$0x6];
	[sflag:s16] =	ssyncadd.s32 $0xFFFFEC00  }
0x27: {  	[tilespmem:s18], [sflag:$0x7] =	stream.linear.gather [hbm4b:s11+s3], $0x1400, $0x38;
	[tilespmem:$0x1E400] =	vst v63  }
0x28: {  	_ =	swait.ge [sflag:s16], $0x1400  }
0x29: {  	[sflag:s16] =	ssyncset.done $0x0  }
0x2a: {  	[sflag:s16] =	ssyncadd.s32 $0xFFFFEC00  }
0x2b: {  	s20 =	simm.s32 $0x16400;
	[bflag:$0x0] =	sbarrier.arrive $0xFFFF  }
0x2c: {  	[tilespmem:s20], [sflag:$0x1] =	stream.indirect.gather [spmem:s2], $0x80, s17, s19, $0xb8;
	[tilespmem:$0x1E400] =	vst v63  }
0x2d: {  	_ = 	snop  }
0x2e: {  	[tilespmem:s21], [sflag:$0x3] =	stream.indirect.gather [spmem:s2], $0x80, s18, s19, $0xb8;
	[tilespmem:$0x1E400] =	vst v63  }
0x2f: {  	_ = 	snop  }
0x30: {  	[tilespmem:s23], [sflag:$0x2] =	stream.indirect.gather [spmem:s2], $0x80, s22, s19, $0xb8;
	[tilespmem:$0x1E400] =	vst v63  }
0x31: {  	s5 =	simm.s32 $0x0  }
0x32: {  	[tilespmem:s25], [sflag:$0x4] =	stream.indirect.gather [spmem:s2], $0x80, s24, s19, $0xb8;
	[tilespmem:$0x1E400] =	vst v63  }
.LBB2_2:
0x33: {  	_ =	swait.ge [sflag:s26], $0x2000  }
0x34: {  	[sflag:s26] =	ssyncset.done $0x0  }
0x35: {  	[sflag:s26] =	ssyncadd.s32 $0xFFFFE000  }
0x36: {  	_ =	swait.ge [sflag:s28], $0x2000  }
0x37: {  	[sflag:s28] =	ssyncset.done $0x0  }
0x38: {  	s7 =	simm.s32 $0x0;
	[sflag:s28] =	ssyncadd.s32 $0xFFFFE000  }
0x39: {  	v6 =	vld [tilespmem:s7+$0x16400]  }
0x3a: {  	v11 =	vld [tilespmem:s7+$0x16410]  }
0x3b: {  	v5 =	vld [tilespmem:s7+$0x16420]  }
0x3c: {  	v4 =	vld [tilespmem:s7+$0x16430]  }
0x3d: {  	v3 =	vld [tilespmem:s7+$0x16440]  }
0x3e: {  	v2 =	vld [tilespmem:s7+$0x16450]  }
0x3f: {  	v1 =	vld [tilespmem:s7+$0x16460]  }
0x40: {  	v0 =	vld [tilespmem:s7+$0x16470]  }
0x41: {  	v12 =	vld [tilespmem:s7+$0x1A400]  }
0x42: {  	v13 =	vld [tilespmem:s7+$0x1A410]  }
0x43: {  	v10 =	vld [tilespmem:s7+$0x1A420]  }
0x44: {  	v9 =	vld [tilespmem:s7+$0x1A430]  }
0x45: {  	v8 =	vld [tilespmem:s7+$0x1A440]  }
0x46: {  	v7 =	vld [tilespmem:s7+$0x1A450];
	v12 =	vsub.f32 v12, v6  }
0x47: {  	s6 =	simm.s32 $0x200;
	v11 =	vsub.f32 v13, v11;
	v6 =	vld [tilespmem:s7+$0x1A460]  }
.LBB2_3:
0x48: {  	s8 =	sshra.s32 s6, $0x2;
	p0 =	sne.s32 s6, $0x7E00;
	[tilespmem:s7+$0x1A400] =	vst v12;
	v5 =	vsub.f32 v10, v5;
	v10 =	vld [tilespmem:s7+$0x1A470]  }
0x49: {  	v12 =	vld [tilespmem:s8+$0x16400];
	[tilespmem:s7+$0x1A410] =	vst v11;
	v4 =	vsub.f32 v9, v4  }
0x4a: {  	v11 =	vld [tilespmem:s8+$0x16410];
	[tilespmem:s7+$0x1A420] =	vst v5;
	v3 =	vsub.f32 v8, v3  }
0x4b: {  	v5 =	vld [tilespmem:s8+$0x16420];
	[tilespmem:s7+$0x1A430] =	vst v4;
	v2 =	vsub.f32 v7, v2  }
0x4c: {  	v4 =	vld [tilespmem:s8+$0x16430];
	[tilespmem:s7+$0x1A440] =	vst v3;
	v1 =	vsub.f32 v6, v1  }
0x4d: {  	v3 =	vld [tilespmem:s8+$0x16440];
	[tilespmem:s7+$0x1A450] =	vst v2;
	v0 =	vsub.f32 v10, v0  }
0x4e: {  	v2 =	vld [tilespmem:s8+$0x16450];
	[tilespmem:s7+$0x1A460] =	vst v1  }
0x4f: {  	v1 =	vld [tilespmem:s8+$0x16460];
	[tilespmem:s7+$0x1A470] =	vst v0;
	s7 =	smov.u32 s8  }
0x50: {  	v0 =	vld [tilespmem:s7+$0x16470]  }
0x51: {  	v6 =	vld [tilespmem:s7+$0x1A400]  }
0x52: {  	v13 =	vld [tilespmem:s7+$0x1A410]  }
.Ltmp2:
0x53: {  	v10 =	vld [tilespmem:s7+$0x1A420];
	(pc) =	sbr.rel @p0 .LBB2_3-.Ltmp2, $4  }
0x54: {  	v9 =	vld [tilespmem:s7+$0x1A430]  }
0x55: {  	v8 =	vld [tilespmem:s7+$0x1A440]  }
0x56: {  	v12 =	vsub.f32 v6, v12;
	v7 =	vld [tilespmem:s7+$0x1A450]  }
0x57: {  	s6 =	sadd.s32 $0x200, s6;
	v11 =	vsub.f32 v13, v11;
	v6 =	vld [tilespmem:s7+$0x1A460]  }
0x58: {  	[tilespmem:s7+$0x1A400] =	vst v12;
	v5 =	vsub.f32 v10, v5;
	v10 =	vld [tilespmem:s7+$0x1A470]  }
0x59: {  	[tilespmem:s7+$0x1A410] =	vst v11;
	v4 =	vsub.f32 v9, v4  }
0x5a: {  	[tilespmem:s7+$0x1A420] =	vst v5;
	v3 =	vsub.f32 v8, v3  }
0x5b: {  	s6 =	sshll.u32 s5, $0x1;
	[tilespmem:s7+$0x1A430] =	vst v4;
	v2 =	vsub.f32 v7, v2  }
0x5c: {  	p0 =	seq.s32 s5, $0x13;
	s6 =	sadd.s32 $0x2, s6;
	[tilespmem:s7+$0x1A440] =	vst v3;
	v1 =	vsub.f32 v6, v1  }
0x5d: {  	s8 =	sshll.u32 @!p0 s6, $0x7;
	[tilespmem:s7+$0x1A450] =	vst v2;
	v0 =	vsub.f32 v10, v0  }
0x5e: {  	s8 =	sand.u32 @!p0 $0x3FFFFF80, s8;
	[tilespmem:s7+$0x1A460] =	vst v1  }
0x5f: {  	s11 =	simm.s32 @!p0 $0x16400;
	[tilespmem:s7+$0x1A470] =	vst v0;
	s7 =	sadd.s32 @!p0 $0x13C00, s8;
	s8 =	simm.s32 @!p0 $0x40  }
0x60: {  	[tilespmem:s11], [sflag:$0x1] =	stream.indirect.gather @!p0 [spmem:s2], $0x80, s7, s8, $0xb8;
	[tilespmem:$0x1E400] =	vst v63  }
0x61: {  	s8 =	sshll.u32 s5, $0xB  }
0x62: {  	s7 =	sadd.s32 s9, s8  }
0x63: {  	s20 =	simm.s32 $0x0;
	s11 =	sadd.s32 s4, s7  }
0x64: {  	[hbm4b:s11+s20] =	stream.linear.scatter [tilespmem:s21], [sflag:$0x5], $0x2000, $0x38;
	[tilespmem:$0x1E400] =	vst v63  }
0x65: {  	_ =	swait.ge [sflag:s29], $0x2000  }
0x66: {  	[sflag:s29] =	ssyncset.done $0x0  }
0x67: {  	[sflag:s29] =	ssyncadd.s32 $0xFFFFE000  }
0x68: {  	_ =	swait.ge [sflag:s30], $0x2000  }
0x69: {  	[sflag:s30] =	ssyncset.done $0x0  }
0x6a: {  	s8 =	simm.s32 $0x0;
	[sflag:s30] =	ssyncadd.s32 $0xFFFFE000  }
0x6b: {  	v7 =	vld [tilespmem:s8+$0x18400]  }
0x6c: {  	v11 =	vld [tilespmem:s8+$0x18410]  }
0x6d: {  	v5 =	vld [tilespmem:s8+$0x18420]  }
0x6e: {  	v4 =	vld [tilespmem:s8+$0x18430]  }
0x6f: {  	v3 =	vld [tilespmem:s8+$0x18440]  }
0x70: {  	v2 =	vld [tilespmem:s8+$0x18450]  }
0x71: {  	v1 =	vld [tilespmem:s8+$0x18460]  }
0x72: {  	v0 =	vld [tilespmem:s8+$0x18470]  }
0x73: {  	v12 =	vld [tilespmem:s8+$0x1C400]  }
0x74: {  	v13 =	vld [tilespmem:s8+$0x1C410]  }
0x75: {  	v10 =	vld [tilespmem:s8+$0x1C420]  }
0x76: {  	v9 =	vld [tilespmem:s8+$0x1C430]  }
0x77: {  	v8 =	vld [tilespmem:s8+$0x1C440]  }
0x78: {  	v6 =	vld [tilespmem:s8+$0x1C450];
	v12 =	vsub.f32 v12, v7  }
0x79: {  	s11 =	simm.s32 $0x200;
	v11 =	vsub.f32 v13, v11;
	v7 =	vld [tilespmem:s8+$0x1C460]  }
.LBB2_5:
0x7a: {  	s20 =	sshra.s32 s11, $0x2;
	p1 =	sne.s32 s11, $0x7E00;
	[tilespmem:s8+$0x1C400] =	vst v12;
	v5 =	vsub.f32 v10, v5;
	v10 =	vld [tilespmem:s8+$0x1C470]  }
0x7b: {  	v12 =	vld [tilespmem:s20+$0x18400];
	[tilespmem:s8+$0x1C410] =	vst v11;
	v4 =	vsub.f32 v9, v4  }
0x7c: {  	v11 =	vld [tilespmem:s20+$0x18410];
	[tilespmem:s8+$0x1C420] =	vst v5;
	v3 =	vsub.f32 v8, v3  }
0x7d: {  	v5 =	vld [tilespmem:s20+$0x18420];
	[tilespmem:s8+$0x1C430] =	vst v4;
	v2 =	vsub.f32 v6, v2  }
0x7e: {  	v4 =	vld [tilespmem:s20+$0x18430];
	[tilespmem:s8+$0x1C440] =	vst v3;
	v1 =	vsub.f32 v7, v1  }
0x7f: {  	v3 =	vld [tilespmem:s20+$0x18440];
	[tilespmem:s8+$0x1C450] =	vst v2;
	v0 =	vsub.f32 v10, v0  }
0x80: {  	v2 =	vld [tilespmem:s20+$0x18450];
	[tilespmem:s8+$0x1C460] =	vst v1  }
0x81: {  	v1 =	vld [tilespmem:s20+$0x18460];
	[tilespmem:s8+$0x1C470] =	vst v0;
	s8 =	smov.u32 s20  }
0x82: {  	v0 =	vld [tilespmem:s8+$0x18470]  }
0x83: {  	v6 =	vld [tilespmem:s8+$0x1C400]  }
0x84: {  	v7 =	vld [tilespmem:s8+$0x1C410]  }
.Ltmp3:
0x85: {  	v10 =	vld [tilespmem:s8+$0x1C420];
	(pc) =	sbr.rel @p1 .LBB2_5-.Ltmp3, $4  }
0x86: {  	v9 =	vld [tilespmem:s8+$0x1C430]  }
0x87: {  	v8 =	vld [tilespmem:s8+$0x1C440]  }
0x88: {  	v12 =	vsub.f32 v6, v12;
	v6 =	vld [tilespmem:s8+$0x1C450]  }
0x89: {  	s11 =	sadd.s32 $0x200, s11;
	v11 =	vsub.f32 v7, v11;
	v7 =	vld [tilespmem:s8+$0x1C460]  }
0x8a: {  	[tilespmem:s8+$0x1C400] =	vst v12;
	v5 =	vsub.f32 v10, v5;
	v63 =	vld [tilespmem:s8+$0x1C470]  }
0x8b: {  	[tilespmem:s8+$0x1C410] =	vst v11;
	v4 =	vsub.f32 v9, v4  }
0x8c: {  	[tilespmem:s8+$0x1C420] =	vst v5;
	v3 =	vsub.f32 v8, v3  }
0x8d: {  	[tilespmem:s8+$0x1C430] =	vst v4;
	v2 =	vsub.f32 v6, v2  }
0x8e: {  	[tilespmem:s8+$0x1C440] =	vst v3;
	v1 =	vsub.f32 v7, v1  }
0x8f: {  	[tilespmem:s8+$0x1C450] =	vst v2;
	v0 =	vsub.f32 v63, v0  }
.Ltmp4:
0x90: {  	[tilespmem:s8+$0x1C460] =	vst v1;
	(pc) =	sbr.rel @p0 .LBB2_8-.Ltmp4, $4  }
0x91: {  	[tilespmem:s8+$0x1C470] =	vst v0  }
0x92: {  	_ =	swait.ge [sflag:s31], $0x2000  }
0x93: {  	[sflag:s31] =	ssyncset.done $0x0  }
0x94: {  	s7 =	sadd.s32 s7, s10;
	[sflag:s31] =	ssyncadd.s32 $0xFFFFE000  }
0x95: {  	s6 =	sshll.u32 s6, $0x7  }
0x96: {  	s6 =	sand.u32 $0x3FFFFF80, s6  }
0x97: {  	s20 =	sshll.u32 s5, $0xA;
	s6 =	sadd.s32 $0x15000, s6  }
0x98: {  	[tilespmem:s21], [sflag:$0x3] =	stream.indirect.gather [spmem:s2], $0x80, s6, s19, $0xb8;
	[tilespmem:$0x1E400] =	vst v63  }
0x99: {  	s6 =	sadd.s32 $0x600, s20  }
0x9a: {  	s6 =	sshra.s32 s6, $0x2  }
0x9b: {  	s8 =	sadd.s32 $0x13C00, s6  }
0x9c: {  	[tilespmem:s23], [sflag:$0x2] =	stream.indirect.gather [spmem:s2], $0x80, s8, s19, $0xb8;
	[tilespmem:$0x1E400] =	vst v63  }
0x9d: {  	_ = 	snop  }
0x9e: {  	[hbm4b:s7+s3] =	stream.linear.scatter [tilespmem:s25], [sflag:$0x6], $0x2000, $0x38;
	[tilespmem:$0x1E400] =	vst v63  }
.Ltmp5:
0x9f: {  	_ = 	snop;
	(pc) =	sbr.rel .LBB2_2-.Ltmp5, $4  }
0xa0: {  	_ =	swait.ge [sflag:s0], $0x2000  }
0xa1: {  	[sflag:s0] =	ssyncset.done $0x0  }
0xa2: {  	s5 =	sadd.s32 $0x1, s5;
	s6 =	sadd.s32 $0x15000, s6;
	[sflag:s0] =	ssyncadd.s32 $0xFFFFE000  }
0xa3: {  	[tilespmem:s25], [sflag:$0x4] =	stream.indirect.gather [spmem:s2], $0x80, s6, s19, $0xb8;
	[tilespmem:$0x1E400] =	vst v63  }
.LBB2_8:
0xa4: {  	s5 =	simm.s32 $0x0  }
0xa5: {  	[hbm4b:s7+s5] =	stream.linear.scatter [tilespmem:s25], [sflag:$0x6], $0x2000, $0x38;
	[tilespmem:$0x1E400] =	vst v63  }
0xa6: {  	_ =	swait.ge [sflag:s0], $0x2000  }
0xa7: {  	[sflag:s0] =	ssyncset.done $0x0  }
0xa8: {  	s6 =	rddreg [dreg:$0x7];
	[sflag:s0] =	ssyncadd.s32 $0xFFFFE000  }
0xa9: {  	[tilespmem:s17], [sflag:$0x7] =	stream.linear.gather [hbm4b:s6+s5], $0x1400, $0x38;
	[tilespmem:$0x1E400] =	vst v63  }
0xaa: {  	_ =	swait.ge [sflag:s16], $0x1400  }
0xab: {  	[sflag:s16] =	ssyncset.done $0x0  }
0xac: {  	[sflag:s16] =	ssyncadd.s32 $0xFFFFEC00  }
0xad: {  	[tilespmem:s18], [sflag:$0x7] =	stream.linear.gather [hbm4b:s12+s5], $0x1400, $0x38;
	[tilespmem:$0x1E400] =	vst v63  }
0xae: {  	_ =	swait.ge [sflag:s16], $0x1400  }
0xaf: {  	[sflag:s16] =	ssyncset.done $0x0  }
0xb0: {  	s20 =	simm.s32 $0x16400;
	[sflag:s16] =	ssyncadd.s32 $0xFFFFEC00  }
0xb1: {  	[tilespmem:s20], [sflag:$0x1] =	stream.indirect.gather [spmem:s2], $0x80, s17, s19, $0xb8;
	[tilespmem:$0x1E400] =	vst v63  }
0xb2: {  	_ = 	snop  }
0xb3: {  	[tilespmem:s21], [sflag:$0x3] =	stream.indirect.gather [spmem:s2], $0x80, s18, s19, $0xb8;
	[tilespmem:$0x1E400] =	vst v63  }
0xb4: {  	_ = 	snop  }
0xb5: {  	[tilespmem:s23], [sflag:$0x2] =	stream.indirect.gather [spmem:s2], $0x80, s22, s19, $0xb8;
	[tilespmem:$0x1E400] =	vst v63  }
0xb6: {  	_ = 	snop  }
0xb7: {  	[tilespmem:s25], [sflag:$0x4] =	stream.indirect.gather [spmem:s2], $0x80, s24, s19, $0xb8;
	[tilespmem:$0x1E400] =	vst v63  }
.LBB2_9:
0xb8: {  	_ =	swait.ge [sflag:s26], $0x2000  }
0xb9: {  	[sflag:s26] =	ssyncset.done $0x0  }
0xba: {  	[sflag:s26] =	ssyncadd.s32 $0xFFFFE000  }
0xbb: {  	_ =	swait.ge [sflag:s28], $0x2000  }
0xbc: {  	[sflag:s28] =	ssyncset.done $0x0  }
0xbd: {  	s8 =	simm.s32 $0x0;
	[sflag:s28] =	ssyncadd.s32 $0xFFFFE000  }
0xbe: {  	v6 =	vld [tilespmem:s8+$0x16400]  }
0xbf: {  	v11 =	vld [tilespmem:s8+$0x16410]  }
0xc0: {  	v5 =	vld [tilespmem:s8+$0x16420]  }
0xc1: {  	v4 =	vld [tilespmem:s8+$0x16430]  }
0xc2: {  	v3 =	vld [tilespmem:s8+$0x16440]  }
0xc3: {  	v2 =	vld [tilespmem:s8+$0x16450]  }
0xc4: {  	v1 =	vld [tilespmem:s8+$0x16460]  }
0xc5: {  	v0 =	vld [tilespmem:s8+$0x16470]  }
0xc6: {  	v12 =	vld [tilespmem:s8+$0x1A400]  }
0xc7: {  	v13 =	vld [tilespmem:s8+$0x1A410]  }
0xc8: {  	v10 =	vld [tilespmem:s8+$0x1A420]  }
0xc9: {  	v9 =	vld [tilespmem:s8+$0x1A430]  }
0xca: {  	v8 =	vld [tilespmem:s8+$0x1A440]  }
0xcb: {  	v7 =	vld [tilespmem:s8+$0x1A450];
	v12 =	vsub.f32 v12, v6  }
0xcc: {  	s6 =	simm.s32 $0x200;
	v11 =	vsub.f32 v13, v11;
	v6 =	vld [tilespmem:s8+$0x1A460]  }
.LBB2_10:
0xcd: {  	s7 =	sshra.s32 s6, $0x2;
	p0 =	sne.s32 s6, $0x7E00;
	[tilespmem:s8+$0x1A400] =	vst v12;
	v5 =	vsub.f32 v10, v5;
	v10 =	vld [tilespmem:s8+$0x1A470]  }
0xce: {  	v12 =	vld [tilespmem:s7+$0x16400];
	[tilespmem:s8+$0x1A410] =	vst v11;
	v4 =	vsub.f32 v9, v4  }
0xcf: {  	v11 =	vld [tilespmem:s7+$0x16410];
	[tilespmem:s8+$0x1A420] =	vst v5;
	v3 =	vsub.f32 v8, v3  }
0xd0: {  	v5 =	vld [tilespmem:s7+$0x16420];
	[tilespmem:s8+$0x1A430] =	vst v4;
	v2 =	vsub.f32 v7, v2  }
0xd1: {  	v4 =	vld [tilespmem:s7+$0x16430];
	[tilespmem:s8+$0x1A440] =	vst v3;
	v1 =	vsub.f32 v6, v1  }
0xd2: {  	v3 =	vld [tilespmem:s7+$0x16440];
	[tilespmem:s8+$0x1A450] =	vst v2;
	v0 =	vsub.f32 v10, v0  }
0xd3: {  	v2 =	vld [tilespmem:s7+$0x16450];
	[tilespmem:s8+$0x1A460] =	vst v1  }
0xd4: {  	v1 =	vld [tilespmem:s7+$0x16460];
	[tilespmem:s8+$0x1A470] =	vst v0;
	s8 =	smov.u32 s7  }
0xd5: {  	v0 =	vld [tilespmem:s8+$0x16470]  }
0xd6: {  	v6 =	vld [tilespmem:s8+$0x1A400]  }
0xd7: {  	v13 =	vld [tilespmem:s8+$0x1A410]  }
.Ltmp6:
0xd8: {  	v10 =	vld [tilespmem:s8+$0x1A420];
	(pc) =	sbr.rel @p0 .LBB2_10-.Ltmp6, $4  }
0xd9: {  	v9 =	vld [tilespmem:s8+$0x1A430]  }
0xda: {  	v8 =	vld [tilespmem:s8+$0x1A440]  }
0xdb: {  	v12 =	vsub.f32 v6, v12;
	v7 =	vld [tilespmem:s8+$0x1A450]  }
0xdc: {  	s6 =	sadd.s32 $0x200, s6;
	v11 =	vsub.f32 v13, v11;
	v6 =	vld [tilespmem:s8+$0x1A460]  }
0xdd: {  	[tilespmem:s8+$0x1A400] =	vst v12;
	v5 =	vsub.f32 v10, v5;
	v10 =	vld [tilespmem:s8+$0x1A470]  }
0xde: {  	[tilespmem:s8+$0x1A410] =	vst v11;
	v4 =	vsub.f32 v9, v4  }
0xdf: {  	[tilespmem:s8+$0x1A420] =	vst v5;
	v3 =	vsub.f32 v8, v3  }
0xe0: {  	s6 =	sshll.u32 s5, $0x1;
	[tilespmem:s8+$0x1A430] =	vst v4;
	v2 =	vsub.f32 v7, v2  }
0xe1: {  	p0 =	seq.s32 s5, $0x13;
	s6 =	sadd.s32 $0x2, s6;
	[tilespmem:s8+$0x1A440] =	vst v3;
	v1 =	vsub.f32 v6, v1  }
0xe2: {  	s7 =	sshll.u32 s5, $0xB;
	s11 =	sshll.u32 @!p0 s6, $0x7;
	[tilespmem:s8+$0x1A450] =	vst v2;
	v0 =	vsub.f32 v10, v0  }
0xe3: {  	s7 =	sadd.s32 s13, s7;
	s11 =	sand.u32 @!p0 $0x3FFFFF80, s11;
	[tilespmem:s8+$0x1A460] =	vst v1  }
0xe4: {  	s20 =	simm.s32 @!p0 $0x16400;
	[tilespmem:s8+$0x1A470] =	vst v0;
	s8 =	sadd.s32 @!p0 $0x13C00, s11;
	s11 =	simm.s32 @!p0 $0x40  }
0xe5: {  	[tilespmem:s20], [sflag:$0x1] =	stream.indirect.gather @!p0 [spmem:s2], $0x80, s8, s11, $0xb8;
	[tilespmem:$0x1E400] =	vst v63  }
0xe6: {  	s11 =	sadd.s32 s4, s7;
	s20 =	simm.s32 $0x0  }
0xe7: {  	[hbm4b:s11+s20] =	stream.linear.scatter [tilespmem:s21], [sflag:$0x5], $0x2000, $0x38;
	[tilespmem:$0x1E400] =	vst v63  }
0xe8: {  	_ =	swait.ge [sflag:s29], $0x2000  }
0xe9: {  	[sflag:s29] =	ssyncset.done $0x0  }
0xea: {  	[sflag:s29] =	ssyncadd.s32 $0xFFFFE000  }
0xeb: {  	_ =	swait.ge [sflag:s30], $0x2000  }
0xec: {  	[sflag:s30] =	ssyncset.done $0x0  }
0xed: {  	s8 =	simm.s32 $0x0;
	[sflag:s30] =	ssyncadd.s32 $0xFFFFE000  }
0xee: {  	v7 =	vld [tilespmem:s8+$0x18400]  }
0xef: {  	v11 =	vld [tilespmem:s8+$0x18410]  }
0xf0: {  	v5 =	vld [tilespmem:s8+$0x18420]  }
0xf1: {  	v4 =	vld [tilespmem:s8+$0x18430]  }
0xf2: {  	v3 =	vld [tilespmem:s8+$0x18440]  }
0xf3: {  	v2 =	vld [tilespmem:s8+$0x18450]  }
0xf4: {  	v1 =	vld [tilespmem:s8+$0x18460]  }
0xf5: {  	v0 =	vld [tilespmem:s8+$0x18470]  }
0xf6: {  	v12 =	vld [tilespmem:s8+$0x1C400]  }
0xf7: {  	v13 =	vld [tilespmem:s8+$0x1C410]  }
0xf8: {  	v10 =	vld [tilespmem:s8+$0x1C420]  }
0xf9: {  	v9 =	vld [tilespmem:s8+$0x1C430]  }
0xfa: {  	v8 =	vld [tilespmem:s8+$0x1C440]  }
0xfb: {  	v6 =	vld [tilespmem:s8+$0x1C450];
	v12 =	vsub.f32 v12, v7  }
0xfc: {  	s11 =	simm.s32 $0x200;
	v11 =	vsub.f32 v13, v11;
	v7 =	vld [tilespmem:s8+$0x1C460]  }
.LBB2_12:
0xfd: {  	s20 =	sshra.s32 s11, $0x2;
	p1 =	sne.s32 s11, $0x7E00;
	[tilespmem:s8+$0x1C400] =	vst v12;
	v5 =	vsub.f32 v10, v5;
	v10 =	vld [tilespmem:s8+$0x1C470]  }
0xfe: {  	v12 =	vld [tilespmem:s20+$0x18400];
	[tilespmem:s8+$0x1C410] =	vst v11;
	v4 =	vsub.f32 v9, v4  }
0xff: {  	v11 =	vld [tilespmem:s20+$0x18410];
	[tilespmem:s8+$0x1C420] =	vst v5;
	v3 =	vsub.f32 v8, v3  }
0x100: {  	v5 =	vld [tilespmem:s20+$0x18420];
	[tilespmem:s8+$0x1C430] =	vst v4;
	v2 =	vsub.f32 v6, v2  }
0x101: {  	v4 =	vld [tilespmem:s20+$0x18430];
	[tilespmem:s8+$0x1C440] =	vst v3;
	v1 =	vsub.f32 v7, v1  }
0x102: {  	v3 =	vld [tilespmem:s20+$0x18440];
	[tilespmem:s8+$0x1C450] =	vst v2;
	v0 =	vsub.f32 v10, v0  }
0x103: {  	v2 =	vld [tilespmem:s20+$0x18450];
	[tilespmem:s8+$0x1C460] =	vst v1  }
0x104: {  	v1 =	vld [tilespmem:s20+$0x18460];
	[tilespmem:s8+$0x1C470] =	vst v0;
	s8 =	smov.u32 s20  }
0x105: {  	v0 =	vld [tilespmem:s8+$0x18470]  }
0x106: {  	v6 =	vld [tilespmem:s8+$0x1C400]  }
0x107: {  	v7 =	vld [tilespmem:s8+$0x1C410]  }
.Ltmp7:
0x108: {  	v10 =	vld [tilespmem:s8+$0x1C420];
	(pc) =	sbr.rel @p1 .LBB2_12-.Ltmp7, $4  }
0x109: {  	v9 =	vld [tilespmem:s8+$0x1C430]  }
0x10a: {  	v8 =	vld [tilespmem:s8+$0x1C440]  }
0x10b: {  	v12 =	vsub.f32 v6, v12;
	v6 =	vld [tilespmem:s8+$0x1C450]  }
0x10c: {  	s11 =	sadd.s32 $0x200, s11;
	v11 =	vsub.f32 v7, v11;
	v7 =	vld [tilespmem:s8+$0x1C460]  }
0x10d: {  	[tilespmem:s8+$0x1C400] =	vst v12;
	v5 =	vsub.f32 v10, v5;
	v63 =	vld [tilespmem:s8+$0x1C470]  }
0x10e: {  	[tilespmem:s8+$0x1C410] =	vst v11;
	v4 =	vsub.f32 v9, v4  }
0x10f: {  	[tilespmem:s8+$0x1C420] =	vst v5;
	v3 =	vsub.f32 v8, v3  }
0x110: {  	[tilespmem:s8+$0x1C430] =	vst v4;
	v2 =	vsub.f32 v6, v2  }
0x111: {  	[tilespmem:s8+$0x1C440] =	vst v3;
	v1 =	vsub.f32 v7, v1  }
0x112: {  	[tilespmem:s8+$0x1C450] =	vst v2;
	v0 =	vsub.f32 v63, v0  }
.Ltmp8:
0x113: {  	[tilespmem:s8+$0x1C460] =	vst v1;
	(pc) =	sbr.rel @p0 .LBB2_15-.Ltmp8, $4  }
0x114: {  	[tilespmem:s8+$0x1C470] =	vst v0  }
0x115: {  	_ =	swait.ge [sflag:s31], $0x2000  }
0x116: {  	[sflag:s31] =	ssyncset.done $0x0  }
0x117: {  	s7 =	sadd.s32 s7, s10;
	[sflag:s31] =	ssyncadd.s32 $0xFFFFE000  }
0x118: {  	s6 =	sshll.u32 s6, $0x7  }
0x119: {  	s6 =	sand.u32 $0x3FFFFF80, s6  }
0x11a: {  	s20 =	sshll.u32 s5, $0xA;
	s6 =	sadd.s32 $0x15000, s6  }
0x11b: {  	[tilespmem:s21], [sflag:$0x3] =	stream.indirect.gather [spmem:s2], $0x80, s6, s19, $0xb8;
	[tilespmem:$0x1E400] =	vst v63  }
0x11c: {  	s6 =	sadd.s32 $0x600, s20  }
0x11d: {  	s6 =	sshra.s32 s6, $0x2  }
0x11e: {  	s8 =	sadd.s32 $0x13C00, s6  }
0x11f: {  	[tilespmem:s23], [sflag:$0x2] =	stream.indirect.gather [spmem:s2], $0x80, s8, s19, $0xb8;
	[tilespmem:$0x1E400] =	vst v63  }
0x120: {  	_ = 	snop  }
0x121: {  	[hbm4b:s7+s3] =	stream.linear.scatter [tilespmem:s25], [sflag:$0x6], $0x2000, $0x38;
	[tilespmem:$0x1E400] =	vst v63  }
.Ltmp9:
0x122: {  	_ = 	snop;
	(pc) =	sbr.rel .LBB2_9-.Ltmp9, $4  }
0x123: {  	_ =	swait.ge [sflag:s0], $0x2000  }
0x124: {  	[sflag:s0] =	ssyncset.done $0x0  }
0x125: {  	s5 =	sadd.s32 $0x1, s5;
	s6 =	sadd.s32 $0x15000, s6;
	[sflag:s0] =	ssyncadd.s32 $0xFFFFE000  }
0x126: {  	[tilespmem:s25], [sflag:$0x4] =	stream.indirect.gather [spmem:s2], $0x80, s6, s19, $0xb8;
	[tilespmem:$0x1E400] =	vst v63  }
.LBB2_16:
0x127: {  	_ =	sfence.sel $0x180000  }
0x128: {  	[bflag:$0x0] =	sbarrier.arrive $0xFFFF  }
0x129: {  	_ =	strace $0x90000047  }
0x12a: {  	s0 =	stileid.u32;
	[bflag:$0x2] =	sbarrier.arrive $0xFFFF  }
0x12b: {  	p0 =	sne.s32 s0, $0x0;
	s0 =	rddreg [dreg:$0x2]  }
0x12c: {  	s0 =	sadd.s32 @!p0 $0x100000, s0  }
0x12d: {  	[sflag:s0] =	ssyncadd.tile.s32 @!p0 $0x1;
	_ =	shalt  }
.Lfunc_end2:
_tile_overlayer_lowered:
.L_overlay_start_2:
0x12e: {  	(tag) =	ssettag $0x2  }
0x12f: {  	s0 =	rddreg [dreg:$0x0];
	s2 =	stileid.u32  }
0x130: {  	s1 =	rddreg [dreg:$0x1];
	p0 =	sne.s32 s2, $0x0  }
0x131: {  	s3 =	rddreg [dreg:$0x2];
	[bflag:$0x3] =	sbarrier.arrive $0xFFFF;
	s2 =	simm.s32 @!p0 $0x1C07  }
0x132: {  	[timem:s3], [sflag:s2] =	dma.local @!p0 [hbm:s0], s1  }
0x133: {  	s0 =	simm.s32 @!p0 $0x7  }
0x134: {  	_ =	swait.ge @!p0 [sflag:s0], s1  }
0x135: {  	s1 =	ssub.s32 @!p0 $0x0, s1;
	[sflag:s0] =	ssyncset.done @!p0 $0x0  }
0x136: {  	[sflag:s0] =	ssyncadd.s32 @!p0 s1  }
0x137: {  	[bflag:$0x3] =	sbarrier.arrive $0xFFFF  }
0x138: {  	_ =	shalt  }

// kernel: kernel.15.cloned.1.call-start
scs
__scs_entry_jumppad:
0x0: {  	(pc) =	sbr.rel $0x88, $3  }
0x1: {  	(tag) =	ssettag $0x0;
	lr =	simm.s32 $0x1  }
0x2: {  	[smem:$0x3F99] =	sst lr;
	_ =	strace $0xD0000000  }
0x3: {  	_ = 	snop  }
0x4: {  	_ = 	snop  }
0x5: {  	_ = 	snop  }
0x6: {  	_ = 	snop  }
0x7: {  	_ = 	snop  }
__scs_overlays_trampoline_lowered:
0x8: {  	[smem:$0x3FA8] =	sst s0  }
0x9: {  	[smem:$0x3FA9] =	sst s1  }
0xa: {  	[smem:$0x3FAA] =	sst s2  }
0xb: {  	[smem:$0x3FAB] =	sst s3  }
0xc: {  	[smem:$0x3FAC] =	sst s4  }
0xd: {  	[smem:$0x3FAD] =	sst s5  }
0xe: {  	[smem:$0x3FAE] =	sst s6  }
0xf: {  	[smem:$0x3FAF] =	sst s7  }
0x10: {  	[smem:$0x3FB0] =	sst s8  }
0x11: {  	[smem:$0x3FB1] =	sst s9;
	s0 =	simm.s32 @!p0 $0x0  }
0x12: {  	s1 =	sld [smem:$0x3F97];
	s0 =	simm.s32 @p0 $0x1  }
0x13: {  	[smem:$0x3FB2] =	sst s0;
	s0 =	simm.s32 @!p1 $0x0  }
0x14: {  	s2 =	sld [smem:$0x3F96];
	s0 =	simm.s32 @p1 $0x1  }
0x15: {  	[smem:$0x3FB3] =	sst s0;
	s0 =	simm.s32 @!p2 $0x0  }
0x16: {  	s3 =	sld [smem:$0x3FDB];
	s0 =	simm.s32 @p2 $0x1  }
0x17: {  	s4 =	simm.s32 $0x1BF5;
	[smem:$0x3FB5] =	sst s0  }
0x18: {  	s0 =	sld [smem:$0x3F98];
	_ =	swait.ge [sflag:s4], $0x0  }
0x19: {  	s7 =	sld [smem:$0x3F99]  }
0x1a: {  	s8 =	sadd.s32 $0xFFFFE003, lr  }
0x1b: {  	s9 =	sadd.s32 $0xFFFFFEF7, lr;
	s5 =	simm.s32 $0xFFFFFFFF;
	p2 =	slt.u32 s8, $0xFFFFF086  }
0x1c: {  	p1 =	slt.u32 s9, $0xF7A;
	s5 =	simm.s32 @!p2 $0x0  }
0x1d: {  	s5 =	simm.s32 @p1 $0x1;
	p0 =	seq.s32 s7, s2  }
0x1e: {  	s7 =	smul.u32 @!p0 $0xF7A, s2;
	p2 =	seq.s32 @!p0 s5, $0x0  }
0x1f: {  	s9 =	smul.u32 $0xF7A, s1;
	s8 =	simm.s32 @!p0 $0x1BF5;
	p2 =	por !p2, p0  }
0x20: {  	[sflag:s8] =	ssyncset.s32 @!p0 $0xFFFFF086;
	s6 =	sadd.s32 @!p0 s3, s7;
	s7 =	simm.s32 @!p0 $0x108  }
0x21: {  	s3 =	sadd.s32 s3, s9;
	s6 =	sadd.s32 @!p0 $0x88, s6;
	s7 =	simm.s32 @p2 $0x1082  }
0x22: {  	[simem:s7], [sflag:s8] =	dma.local @!p0 [hbm:s6], $0xF7A  }
0x23: {  	s9 =	sor.u32 $0xD0000000, s2;
	s6 =	simm.s32 $0x108;
	_ =	swait.ge @!p0 [sflag:s8], $0x0  }
0x24: {  	s3 =	sadd.s32 $0x88, s3;
	s6 =	simm.s32 @!p1 $0x1082;
	[sflag:s4] =	ssyncset.s32 $0xFFFFF086  }
0x25: {  	[simem:s6], [sflag:s4] =	dma.local [hbm:s3], $0xF7A  }
0x26: {  	[smem:$0x3F99] =	sst s1;
	(tag) =	ssettag s2;
	_ =	strace s9  }
0x27: {  	s1 =	sld [smem:$0x3FA9]  }
0x28: {  	s2 =	sld [smem:$0x3FAA]  }
0x29: {  	s4 =	sld [smem:$0x3FAC]  }
0x2a: {  	p0 =	seq.s32 s5, $0x0;
	s5 =	sld [smem:$0x3FAD]  }
0x2b: {  	s6 =	sld [smem:$0x3FAE]  }
0x2c: {  	s7 =	sld [smem:$0x3FAF]  }
0x2d: {  	s3 =	simm.s32 $0x108;
	s8 =	sld [smem:$0x3FB0]  }
0x2e: {  	s3 =	simm.s32 @!p0 $0x1082;
	s9 =	sld [smem:$0x3FB1]  }
0x2f: {  	lr =	sadd.s32 s0, s3;
	s0 =	sld [smem:$0x3FA8]  }
0x30: {  	s3 =	sld [smem:$0x3FAB]  }
0x31: {  	[smem:$0x3FB4] =	sst s10  }
0x32: {  	s10 =	sld [smem:$0x3FB2];
	_ =	sdelay $0x3  }
0x33: {  	p0 =	seq.s32 s10, $0x1;
	s10 =	sld [smem:$0x3FB4];
	_ =	sdelay $0x3  }
0x34: {  	[smem:$0x3FB4] =	sst s10  }
0x35: {  	s10 =	sld [smem:$0x3FB3];
	_ =	sdelay $0x3  }
0x36: {  	p1 =	seq.s32 s10, $0x1;
	s10 =	sld [smem:$0x3FB4];
	_ =	sdelay $0x3  }
0x37: {  	[smem:$0x3FB4] =	sst s10  }
0x38: {  	s10 =	sld [smem:$0x3FB5]  }
0x39: {  	_ = 	snop;
	(pc) =	sbr.ind lr, $3  }
0x3a: {  	_ = 	snop  }
0x3b: {  	_ = 	snop  }
0x3c: {  	p2 =	seq.s32 s10, $0x1;
	s10 =	sld [smem:$0x3FB4]  }
0x3d: {  	_ =	shalt  }
0x3e: {  	_ =	shalt  }
0x3f: {  	_ =	shalt  }
0x40: {  	_ =	shalt  }
0x41: {  	_ =	shalt  }
0x42: {  	_ =	shalt  }
0x43: {  	_ =	shalt  }
0x44: {  	_ =	shalt  }
0x45: {  	_ =	shalt  }
0x46: {  	_ =	shalt  }
0x47: {  	_ =	shalt  }
0x48: {  	_ =	shalt  }
0x49: {  	_ =	shalt  }
0x4a: {  	_ =	shalt  }
0x4b: {  	_ =	shalt  }
0x4c: {  	_ =	shalt  }
0x4d: {  	_ =	shalt  }
0x4e: {  	_ =	shalt  }
0x4f: {  	_ =	shalt  }
0x50: {  	_ =	shalt  }
0x51: {  	_ =	shalt  }
0x52: {  	_ =	shalt  }
0x53: {  	_ =	shalt  }
0x54: {  	_ =	shalt  }
0x55: {  	_ =	shalt  }
0x56: {  	_ =	shalt  }
0x57: {  	_ =	shalt  }
0x58: {  	_ =	shalt  }
0x59: {  	_ =	shalt  }
0x5a: {  	_ =	shalt  }
0x5b: {  	_ =	shalt  }
0x5c: {  	_ =	shalt  }
0x5d: {  	_ =	shalt  }
0x5e: {  	_ =	shalt  }
0x5f: {  	_ =	shalt  }
0x60: {  	_ =	shalt  }
0x61: {  	_ =	shalt  }
0x62: {  	_ =	shalt  }
0x63: {  	_ =	shalt  }
0x64: {  	_ =	shalt  }
0x65: {  	_ =	shalt  }
0x66: {  	_ =	shalt  }
0x67: {  	_ =	shalt  }
0x68: {  	_ =	shalt  }
0x69: {  	_ =	shalt  }
0x6a: {  	_ =	shalt  }
0x6b: {  	_ =	shalt  }
0x6c: {  	_ =	shalt  }
0x6d: {  	_ =	shalt  }
0x6e: {  	_ =	shalt  }
0x6f: {  	_ =	shalt  }
0x70: {  	_ =	shalt  }
0x71: {  	_ =	shalt  }
0x72: {  	_ =	shalt  }
0x73: {  	_ =	shalt  }
0x74: {  	_ =	shalt  }
0x75: {  	_ =	shalt  }
0x76: {  	_ =	shalt  }
0x77: {  	_ =	shalt  }
0x78: {  	_ =	shalt  }
0x79: {  	_ =	shalt  }
0x7a: {  	_ =	shalt  }
0x7b: {  	_ =	shalt  }
0x7c: {  	_ =	shalt  }
0x7d: {  	_ =	shalt  }
0x7e: {  	_ =	shalt  }
0x7f: {  	_ =	shalt  }
0x80: {  	_ =	shalt  }
0x81: {  	_ =	shalt  }
0x82: {  	_ =	shalt  }
0x83: {  	_ =	shalt  }
0x84: {  	_ =	shalt  }
0x85: {  	_ =	shalt  }
0x86: {  	_ =	shalt  }
0x87: {  	_ =	shalt  }
.Lfunc_end0:
.L_simem_size_0:
called_computation.2_lowered:
.L_overlay_start_0:
0x88: {  	s2 =	sld [smem:$0x3FD9]  }
0x89: {  	s3 =	sld [smem:$0x3FFE];
	_ =	sdelay $0x1  }
0x8a: {  	s1 =	srdreg.scid  }
0x8b: {  	s0 =	sand.u32 $0x1, s1  }
0x8c: {  	s17 =	sshll.u32 s0, $0xA;
	s2 =	sadd.s32 s3, s2  }
0x8d: {  	s2 =	sadd.s32 s2, s17  }
0x8e: {  	[smem:$0x3FC0] =	sst s2  }
0x8f: {  	_ = 	snop  }
0x90: {  	s2 =	sld [smem:$0x3FD0];
	(tm) =	ssettm $0x1  }
0x91: {  	s18 =	sld [smem:$0x3FFB];
	_ =	sdelay $0x3  }
0x92: {  	_ =	strace s18  }
0x93: {  	s3 =	sld [smem:$0x3FFC];
	_ =	sdelay $0x3  }
0x94: {  	_ =	strace s3  }
0x95: {  	s3 =	sld [smem:$0x3FFD];
	_ =	sdelay $0x3  }
0x96: {  	_ =	strace s3  }
0x97: {  	_ =	strace $0x8FFFFFFF  }
0x98: {  	s19 =	sld [smem:$0x3FDB];
	_ =	sdelay $0x1  }
0x99: {  	s4 =	simm.s32 $_scs_section_size  }
0x9a: {  	s5 =	simm.s32 $_size__tile_overlayer_lowered;
	s6 =	simm.s32 $_tile_overlayer_lowered  }
0x9b: {  	s22 =	simm.s32 $0x1BFF;
	s21 =	sshll.u32 s6, $0x1;
	s3 =	sadd.s32 s4, s19  }
0x9c: {  	s7 =	simm.s32 $0x0;
	s20 =	sshll.u32 s5, $0x1;
	s5 =	sadd.s32 s21, s3  }
0x9d: {  	[timem:s7], [sflag:s22] =	dma.local [hbm:s5], s20  }
0x9e: {  	_ =	swait.ge [sflag:s22], s20  }
0x9f: {  	s4 =	ssub.s32 $0x0, s20;
	[sflag:s22] =	ssyncset.done $0x0  }
0xa0: {  	[sflag:s22] =	ssyncadd.s32 s4;
	_ =	sdelay $0x1  }
0xa1: {  	s23 =	simm.s32 $0x1B8B  }
0xa2: {  	_ =	swait.ge [sflag:s23], $0x1  }
0xa3: {  	[sflag:s23] =	ssyncset.done $0x0  }
0xa4: {  	s25 =	simm.s32 $0x1B8E;
	s24 =	sld [smem:$0x3FFE];
	[sflag:s23] =	ssyncadd.s32 $0xFFFFFFFF  }
0xa5: {  	s26 =	simm.s32 $execute0_lowered;
	[smem:$0x3FD2] =	sst s25  }
0xa6: {  	s5 =	sshll.u32 s26, $0x1;
	_ =	strace $0x8000004C;
	[dreg:$0x1] =	wrdreg $0xFFFFFFFF  }
0xa7: {  	s28 =	simm.s32 $_size_execute0_lowered;
	s3 =	sadd.s32 s3, s5;
	[dreg:$0x0] =	wrdreg $0x0  }
0xa8: {  	s5 =	sshll.u32 s28, $0x1;
	[dreg:$0x2] =	wrdreg s3  }
0xa9: {  	[dreg:$0x3] =	wrdreg s5  }
0xaa: {  	[dreg:$0x4] =	wrdreg $0xC0  }
0xab: {  	_ =	task [dreg:s7], $0x5FFFF  }
0xac: {  	[dreg:$0x1] =	wrdreg $0xFFFFFFFF  }
0xad: {  	[dreg:$0x0] =	wrdreg $0x60  }
0xae: {  	[dreg:$0x2] =	wrdreg s24  }
0xaf: {  	[dreg:$0x3] =	wrdreg s2  }
0xb0: {  	[dreg:$0x4] =	wrdreg $0x0  }
0xb1: {  	[dreg:$0x5] =	wrdreg $0x9  }
0xb2: {  	_ =	task.clear_ibuf [dreg:s7], $0x6FFFF;
	_ =	strace $0x9000004C  }
0xb3: {  	s29 =	simm.s32 $0x9;
	_ =	strace $0x8000004E  }
0xb4: {  	_ =	swait.ge [sflag:s29], $0x1  }
0xb5: {  	[sflag:s29] =	ssyncadd.s32 $0xFFFFFFFF  }
0xb6: {  	_ =	strace $0x9000004E  }
0xb7: {  	_ =	sfence  }
0xb8: {  	s30 =	sld [smem:$0x0];
	_ =	sdelay $0x2  }
0xb9: {  	s31 =	sshll.u32 s1, $0xD;
	s1 =	sshrl.u32 s1, $0x2  }
0xba: {  	s3 =	sand.u32 $0x4000, s31;
	s1 =	sadd.s32 s1, s30  }
0xbb: {  	s0 =	sor.u32 s3, s0;
	s1 =	sshll.u32 s1, $0x11  }
0xbc: {  	s0 =	sor.u32 s1, s0  }
0xbd: {  	s0 =	sadd.s32 $0x8F2B, s0  }
0xbe: {  	[sflag:s0] =	ssyncadd.remote.s32 $0x1  }
0xbf: {  	_ =	sfence.sel $0xFFFF  }
0xc0: {  	[dreg:$0x0] =	wrdreg $0xFFFFFFFF;
	(pc) =	sbr.abs _section_cstart, $3  }
0xc1: {  	[dreg:$0x1] =	wrdreg $0xFFFFFFFF  }
0xc2: {  	_ =	task.clear_ibuf [dreg:s7], $0x2FFFF;
	_ =	strace $0x9FFFFFFF  }
0xc3: {  	(tm) =	ssettm $0x7FFFFFFF  }
tec
execute0_lowered:
.L_overlay_start_1:
0x0: {  	(tag) =	ssettag $0x1  }
0x1: {  	s1 =	rddreg [dreg:$0x0]  }
0x2: {  	s0 =	srdreg.scid;
	s5 =	rddreg [dreg:$0x1]  }
0x3: {  	s14 =	stileid.u32;
	s2 =	rddreg [dreg:$0x2];
	s28 =	simm.s32 $0x1A400  }
0x4: {  	s29 =	simm.s32 $0x1;
	s0 =	sand.u32 $0x1, s0;
	s15 =	smul.u32 $0x13C00, s14  }
0x5: {  	s30 =	simm.s32 $0x2;
	s16 =	smul.u32 $0x4F000, s14;
	s3 =	sshll.u32 s0, $0x4  }
0x6: {  	s31 =	simm.s32 $0x3;
	s9 =	smul.u32 $0x13C000, s0;
	s6 =	sor.u32 s14, s3  }
0x7: {  	s4 =	sadd.s32 $0x2F2800, s1;
	s11 =	sadd.s32 $0x2E6000, s1;
	s7 =	smul.u32 $0x14000, s6  }
0x8: {  	s12 =	sadd.s32 $0x2F0000, s1;
	s20 =	sshll.u32 s14, $0x6;
	s8 =	smul.u32 $0x280, s6  }
0x9: {  	s0 =	ssub.s32 $0x2, s0;
	s3 =	simm.s32 $0x0;
	s13 =	smul.u32 $0x2800, s6  }
0xa: {  	s17 =	sshrl.u32 s0, $0x1;
	s18 =	sshrl.u32 s16, $0x2;
	s21 =	smul.u32 $0x500, s6  }
0xb: {  	[smem:$0x7FF] =	sst s3;
	s0 =	ssub.s32 s0, s17;
	s14 =	smul.u32 $0x1400, s6  }
0xc: {  	s17 =	sadd.s32 $0x34C800, s1;
	s6 =	simm.s32 $0x0;
	_ =	strace $0x8000004D  }
0xd: {  	[dreg:$0x4] =	wrdreg s12;
	s10 =	sadd.s32 s7, s1;
	s8 =	sadd.s32 s8, s1  }
0xe: {  	s7 =	sadd.s32 s15, s9;
	s13 =	sshrl.u32 s13, $0x3;
	s23 =	sadd.s32 s11, s21  }
0xf: {  	s12 =	sadd.s32 s5, s21;
	s21 =	simm.s32 $0x5;
	s7 =	sshrl.u32 s7, $0x3  }
0x10: {  	s22 =	sadd.s32 $0x280, s13;
	[dreg:$0x6] =	wrdreg s23;
	s24 =	sadd.s32 $0x341800, s8  }
0x11: {  	[dreg:$0x7] =	wrdreg s12;
	s25 =	sadd.s32 $0x346800, s8;
	s26 =	sadd.s32 $0x34B800, s10  }
0x12: {  	s16 =	sadd.s32 $0x34C000, s10;
	s23 =	simm.s32 $0x13C00;
	[dreg:$0xa] =	wrdreg s24  }
0x13: {  	s19 =	sadd.s32 s7, s1;
	s7 =	sadd.s32 s18, s2;
	[dreg:$0xb] =	wrdreg s25  }
0x14: {  	s11 =	sadd.s32 s11, s22;
	s5 =	sadd.s32 s5, s22;
	[dreg:$0xc] =	wrdreg s26  }
.Ltmp0:
0x15: {  	s18 =	sadd.s32 $0x34D000, s1;
	s22 =	simm.s32 $0x15000;
	(pc) =	sbr.rel .LBB2_1-.Ltmp0, $4  }
0x16: {  	s24 =	simm.s32 $0x80;
	s25 =	simm.s32 $0x16400;
	[dreg:$0x5] =	wrdreg s7  }
0x17: {  	s26 =	simm.s32 $0x15080;
	s1 =	simm.s32 $0x4;
	[dreg:$0x8] =	wrdreg s11  }
0x18: {  	s7 =	sor.u32 $0x1C05, s20;
	[dreg:$0x9] =	wrdreg s5;
	s19 =	sadd.s32 $0x3000, s19  }
0x19: {  	s20 =	smax.u32 s0, $0x1;
	s0 =	simm.s32 $0x14F00;
	s5 =	simm.s32 $0x14F80  }
.LBB2_12:
0x1a: {  	s6 =	sadd.s32 $0x1, s6  }
0x1b: {  	p0 =	sne.s32 s6, s20  }
.Ltmp1:
0x1c: {  	[bflag:$0x0] =	sbarrier.arrive $0xFFFF;
	(pc) =	sbr.rel @!p0 .LBB2_13-.Ltmp1, $4  }
0x1d: {  	[hbm:s19], [sflag:s7] =	dma.local [spmem:s8], $0x2780  }
0x1e: {  	_ =	swait.ge [sflag:s21], $0x2780  }
0x1f: {  	[sflag:s21] =	ssyncset.done $0x0  }
0x20: {  	[sflag:s21] =	ssyncadd.s32 $0xFFFFD880  }
.LBB2_1:
0x21: {  	s8 =	rddreg [dreg:$0x5]  }
0x22: {  	s9 =	rddreg [dreg:$0x4];
	s8 =	sshrl.u32 s8, $0x3  }
0x23: {  	[spmem:s8], [sflag:s7] =	dma.local [hbm:s9], $0x2780  }
0x24: {  	_ =	swait.ge [sflag:s21], $0x2780  }
0x25: {  	[sflag:s21] =	ssyncset.done $0x0  }
0x26: {  	s10 =	rddreg [dreg:$0x6];
	[sflag:s21] =	ssyncadd.s32 $0xFFFFD880  }
0x27: {  	[tilespmem:s22], [sflag:$0x5] =	stream.linear.gather [hbm4b:s10+s3], $0x1400, $0x38;
	[tilespmem:$0x1E400] =	vst v63  }
0x28: {  	_ =	swait.ge [sflag:s21], $0x1400  }
0x29: {  	[sflag:s21] =	ssyncset.done $0x0  }
0x2a: {  	s11 =	rddreg [dreg:$0x7];
	[sflag:s21] =	ssyncadd.s32 $0xFFFFEC00  }
0x2b: {  	[tilespmem:s23], [sflag:$0x5] =	stream.linear.gather [hbm4b:s11+s3], $0x1400, $0x38;
	[tilespmem:$0x1E400] =	vst v63  }
0x2c: {  	_ =	swait.ge [sflag:s21], $0x1400  }
0x2d: {  	[sflag:s21] =	ssyncset.done $0x0  }
0x2e: {  	[sflag:s21] =	ssyncadd.s32 $0xFFFFEC00  }
0x2f: {  	[bflag:$0x0] =	sbarrier.arrive $0xFFFF  }
0x30: {  	[tilespmem:s25], [sflag:$0x1] =	stream.indirect.gather [hbm4b:s4+s24], $0x80, s22, s24, $0xb8;
	[tilespmem:$0x1E400] =	vst v63  }
0x31: {  	_ = 	snop  }
0x32: {  	[tilespmem:s28], [sflag:$0x2] =	stream.indirect.gather [hbm4b:s4+s24], $0x80, s26, s24, $0xb8;
	[tilespmem:$0x1E400] =	vst v63  }
0x33: {  	_ =	swait.ge [sflag:s29], $0x4000  }
0x34: {  	[sflag:s29] =	ssyncset.done $0x0  }
0x35: {  	s12 =	simm.s32 $0x13C00;
	[sflag:s29] =	ssyncadd.s32 $0xFFFFC000  }
0x36: {  	[spmem:s2] =	stream.indirect.scatter.add.f32 [tilespmem:s25], [sflag:$0x3], $0x80, s12, s24, $0xb8;
	[tilespmem:$0x1E400] =	vst v63  }
0x37: {  	_ =	swait.ge [sflag:s30], $0x4000  }
0x38: {  	[sflag:s30] =	ssyncset.done $0x0  }
0x39: {  	[sflag:s30] =	ssyncadd.s32 $0xFFFFC000  }
0x3a: {  	_ =	swait.ge [sflag:s31], $0x4000  }
0x3b: {  	[sflag:s31] =	ssyncset.done $0x0  }
0x3c: {  	s13 =	simm.s32 $0x15100;
	[sflag:s31] =	ssyncadd.s32 $0xFFFFC000  }
0x3d: {  	[tilespmem:s25], [sflag:$0x1] =	stream.indirect.gather [hbm4b:s4+s24], $0x80, s13, s24, $0xb8;
	[tilespmem:$0x1E400] =	vst v63  }
0x3e: {  	s15 =	simm.s32 $0x13C80  }
0x3f: {  	[spmem:s2] =	stream.indirect.scatter.add.f32 [tilespmem:s28], [sflag:$0x4], $0x80, s15, s24, $0xb8;
	[tilespmem:$0x1E400] =	vst v63  }
0x40: {  	_ =	swait.ge [sflag:s1], $0x4000  }
0x41: {  	[sflag:s1] =	ssyncset.done $0x0  }
0x42: {  	s9 =	simm.s32 $0x400;
	s10 =	simm.s32 $0x15180;
	[sflag:s1] =	ssyncadd.s32 $0xFFFFC000  }
.LBB2_2:
0x43: {  	[tilespmem:s28], [sflag:$0x2] =	stream.indirect.gather [hbm4b:s4+s24], $0x80, s10, s24, $0xb8;
	[tilespmem:$0x1E400] =	vst v63  }
0x44: {  	s10 =	smov.u32 s9  }
0x45: {  	p0 =	sne.s32 s9, $0x4800;
	s9 =	sadd.s32 $0x400, s9;
	_ =	swait.ge [sflag:s29], $0x4000  }
0x46: {  	s10 =	sshra.s32 s10, $0x2;
	[sflag:s29] =	ssyncset.done $0x0  }
0x47: {  	s11 =	sadd.s32 $0x13C00, s10;
	[sflag:s29] =	ssyncadd.s32 $0xFFFFC000  }
0x48: {  	[spmem:s2] =	stream.indirect.scatter.add.f32 [tilespmem:s25], [sflag:$0x3], $0x80, s11, s24, $0xb8;
	[tilespmem:$0x1E400] =	vst v63  }
0x49: {  	_ =	swait.ge [sflag:s30], $0x4000  }
0x4a: {  	[sflag:s30] =	ssyncset.done $0x0  }
0x4b: {  	[sflag:s30] =	ssyncadd.s32 $0xFFFFC000  }
0x4c: {  	_ =	swait.ge [sflag:s31], $0x4000  }
0x4d: {  	[sflag:s31] =	ssyncset.done $0x0  }
0x4e: {  	s11 =	sadd.s32 $0x15100, s10;
	[sflag:s31] =	ssyncadd.s32 $0xFFFFC000  }
0x4f: {  	[tilespmem:s25], [sflag:$0x1] =	stream.indirect.gather [hbm4b:s4+s24], $0x80, s11, s24, $0xb8;
	[tilespmem:$0x1E400] =	vst v63  }
.Ltmp2:
0x50: {  	s11 =	sadd.s32 $0x13C80, s10;
	(pc) =	sbr.rel @p0 .LBB2_2-.Ltmp2, $4  }
0x51: {  	[spmem:s2] =	stream.indirect.scatter.add.f32 [tilespmem:s28], [sflag:$0x4], $0x80, s11, s24, $0xb8;
	[tilespmem:$0x1E400] =	vst v63  }
0x52: {  	_ =	swait.ge [sflag:s1], $0x4000  }
0x53: {  	[sflag:s1] =	ssyncset.done $0x0  }
0x54: {  	s10 =	sadd.s32 $0x15180, s10;
	[sflag:s1] =	ssyncadd.s32 $0xFFFFC000  }
0x55: {  	[tilespmem:s28], [sflag:$0x2] =	stream.indirect.gather [hbm4b:s4+s24], $0x80, s10, s24, $0xb8;
	[tilespmem:$0x1E400] =	vst v63  }
0x56: {  	_ =	swait.ge [sflag:s29], $0x4000  }
0x57: {  	[sflag:s29] =	ssyncset.done $0x0  }
0x58: {  	[sflag:s29] =	ssyncadd.s32 $0xFFFFC000  }
0x59: {  	[spmem:s2] =	stream.indirect.scatter.add.f32 [tilespmem:s25], [sflag:$0x3], $0x80, s0, s24, $0xb8;
	[tilespmem:$0x1E400] =	vst v63  }
0x5a: {  	_ =	swait.ge [sflag:s30], $0x4000  }
0x5b: {  	[sflag:s30] =	ssyncset.done $0x0  }
0x5c: {  	[sflag:s30] =	ssyncadd.s32 $0xFFFFC000  }
0x5d: {  	_ =	swait.ge [sflag:s31], $0x4000  }
0x5e: {  	[sflag:s31] =	ssyncset.done $0x0  }
0x5f: {  	[sflag:s31] =	ssyncadd.s32 $0xFFFFC000  }
0x60: {  	[spmem:s2] =	stream.indirect.scatter.add.f32 [tilespmem:s28], [sflag:$0x4], $0x80, s5, s24, $0xb8;
	[tilespmem:$0x1E400] =	vst v63  }
0x61: {  	_ =	swait.ge [sflag:s1], $0x4000  }
0x62: {  	[sflag:s1] =	ssyncset.done $0x0  }
0x63: {  	s9 =	simm.s32 $0x0;
	s15 =	rddreg [dreg:$0x8];
	[sflag:s1] =	ssyncadd.s32 $0xFFFFC000  }
0x64: {  	[tilespmem:s22], [sflag:$0x5] =	stream.linear.gather [hbm4b:s15+s9], $0x1400, $0x38;
	[tilespmem:$0x1E400] =	vst v63  }
0x65: {  	_ =	swait.ge [sflag:s21], $0x1400  }
0x66: {  	[sflag:s21] =	ssyncset.done $0x0  }
0x67: {  	s11 =	rddreg [dreg:$0x9];
	[sflag:s21] =	ssyncadd.s32 $0xFFFFEC00  }
0x68: {  	[tilespmem:s23], [sflag:$0x5] =	stream.linear.gather [hbm4b:s11+s9], $0x1400, $0x38;
	[tilespmem:$0x1E400] =	vst v63  }
0x69: {  	_ =	swait.ge [sflag:s21], $0x1400  }
0x6a: {  	[sflag:s21] =	ssyncset.done $0x0  }
0x6b: {  	[sflag:s21] =	ssyncadd.s32 $0xFFFFEC00  }
0x6c: {  	[tilespmem:s25], [sflag:$0x1] =	stream.indirect.gather [hbm4b:s4+s24], $0x80, s22, s24, $0xb8;
	[tilespmem:$0x1E400] =	vst v63  }
0x6d: {  	_ = 	snop  }
0x6e: {  	[tilespmem:s28], [sflag:$0x2] =	stream.indirect.gather [hbm4b:s4+s24], $0x80, s26, s24, $0xb8;
	[tilespmem:$0x1E400] =	vst v63  }
0x6f: {  	_ =	swait.ge [sflag:s29], $0x4000  }
0x70: {  	[sflag:s29] =	ssyncset.done $0x0  }
0x71: {  	s12 =	simm.s32 $0x13C00;
	[sflag:s29] =	ssyncadd.s32 $0xFFFFC000  }
0x72: {  	[spmem:s2] =	stream.indirect.scatter.add.f32 [tilespmem:s25], [sflag:$0x3], $0x80, s12, s24, $0xb8;
	[tilespmem:$0x1E400] =	vst v63  }
0x73: {  	_ =	swait.ge [sflag:s30], $0x4000  }
0x74: {  	[sflag:s30] =	ssyncset.done $0x0  }
0x75: {  	[sflag:s30] =	ssyncadd.s32 $0xFFFFC000  }
0x76: {  	_ =	swait.ge [sflag:s31], $0x4000  }
0x77: {  	[sflag:s31] =	ssyncset.done $0x0  }
0x78: {  	s13 =	simm.s32 $0x15100;
	[sflag:s31] =	ssyncadd.s32 $0xFFFFC000  }
0x79: {  	[tilespmem:s25], [sflag:$0x1] =	stream.indirect.gather [hbm4b:s4+s24], $0x80, s13, s24, $0xb8;
	[tilespmem:$0x1E400] =	vst v63  }
0x7a: {  	s15 =	simm.s32 $0x13C80  }
0x7b: {  	[spmem:s2] =	stream.indirect.scatter.add.f32 [tilespmem:s28], [sflag:$0x4], $0x80, s15, s24, $0xb8;
	[tilespmem:$0x1E400] =	vst v63  }
0x7c: {  	_ =	swait.ge [sflag:s1], $0x4000  }
0x7d: {  	[sflag:s1] =	ssyncset.done $0x0  }
0x7e: {  	s10 =	simm.s32 $0x15180;
	s9 =	simm.s32 $0x400;
	[sflag:s1] =	ssyncadd.s32 $0xFFFFC000  }
.LBB2_4:
0x7f: {  	[tilespmem:s28], [sflag:$0x2] =	stream.indirect.gather [hbm4b:s4+s24], $0x80, s10, s24, $0xb8;
	[tilespmem:$0x1E400] =	vst v63  }
0x80: {  	s10 =	smov.u32 s9  }
0x81: {  	p0 =	sne.s32 s9, $0x4800;
	s9 =	sadd.s32 $0x400, s9;
	_ =	swait.ge [sflag:s29], $0x4000  }
0x82: {  	s10 =	sshra.s32 s10, $0x2;
	[sflag:s29] =	ssyncset.done $0x0  }
0x83: {  	s11 =	sadd.s32 $0x13C00, s10;
	[sflag:s29] =	ssyncadd.s32 $0xFFFFC000  }
0x84: {  	[spmem:s2] =	stream.indirect.scatter.add.f32 [tilespmem:s25], [sflag:$0x3], $0x80, s11, s24, $0xb8;
	[tilespmem:$0x1E400] =	vst v63  }
0x85: {  	_ =	swait.ge [sflag:s30], $0x4000  }
0x86: {  	[sflag:s30] =	ssyncset.done $0x0  }
0x87: {  	[sflag:s30] =	ssyncadd.s32 $0xFFFFC000  }
0x88: {  	_ =	swait.ge [sflag:s31], $0x4000  }
0x89: {  	[sflag:s31] =	ssyncset.done $0x0  }
0x8a: {  	s11 =	sadd.s32 $0x15100, s10;
	[sflag:s31] =	ssyncadd.s32 $0xFFFFC000  }
0x8b: {  	[tilespmem:s25], [sflag:$0x1] =	stream.indirect.gather [hbm4b:s4+s24], $0x80, s11, s24, $0xb8;
	[tilespmem:$0x1E400] =	vst v63  }
.Ltmp3:
0x8c: {  	s11 =	sadd.s32 $0x13C80, s10;
	(pc) =	sbr.rel @p0 .LBB2_4-.Ltmp3, $4  }
0x8d: {  	[spmem:s2] =	stream.indirect.scatter.add.f32 [tilespmem:s28], [sflag:$0x4], $0x80, s11, s24, $0xb8;
	[tilespmem:$0x1E400] =	vst v63  }
0x8e: {  	_ =	swait.ge [sflag:s1], $0x4000  }
0x8f: {  	[sflag:s1] =	ssyncset.done $0x0  }
0x90: {  	s10 =	sadd.s32 $0x15180, s10;
	[sflag:s1] =	ssyncadd.s32 $0xFFFFC000  }
0x91: {  	[tilespmem:s28], [sflag:$0x2] =	stream.indirect.gather [hbm4b:s4+s24], $0x80, s10, s24, $0xb8;
	[tilespmem:$0x1E400] =	vst v63  }
0x92: {  	_ =	swait.ge [sflag:s29], $0x4000  }
0x93: {  	[sflag:s29] =	ssyncset.done $0x0  }
0x94: {  	[sflag:s29] =	ssyncadd.s32 $0xFFFFC000  }
0x95: {  	[spmem:s2] =	stream.indirect.scatter.add.f32 [tilespmem:s25], [sflag:$0x3], $0x80, s0, s24, $0xb8;
	[tilespmem:$0x1E400] =	vst v63  }
0x96: {  	_ =	swait.ge [sflag:s30], $0x4000  }
0x97: {  	[sflag:s30] =	ssyncset.done $0x0  }
0x98: {  	[sflag:s30] =	ssyncadd.s32 $0xFFFFC000  }
0x99: {  	_ =	swait.ge [sflag:s31], $0x4000  }
0x9a: {  	[sflag:s31] =	ssyncset.done $0x0  }
0x9b: {  	[sflag:s31] =	ssyncadd.s32 $0xFFFFC000  }
0x9c: {  	[spmem:s2] =	stream.indirect.scatter.add.f32 [tilespmem:s28], [sflag:$0x4], $0x80, s5, s24, $0xb8;
	[tilespmem:$0x1E400] =	vst v63  }
0x9d: {  	_ =	swait.ge [sflag:s1], $0x4000  }
0x9e: {  	[sflag:s1] =	ssyncset.done $0x0  }
0x9f: {  	s9 =	simm.s32 $0x0;
	s12 =	rddreg [dreg:$0xa];
	[sflag:s1] =	ssyncadd.s32 $0xFFFFC000  }
0xa0: {  	[tilespmem:s23], [sflag:$0x5] =	stream.linear.gather [hbm4b:s12+s9], $0x1400, $0x38;
	[tilespmem:$0x1E400] =	vst v63  }
0xa1: {  	_ =	swait.ge [sflag:s21], $0x1400  }
0xa2: {  	[sflag:s21] =	ssyncset.done $0x0  }
0xa3: {  	s13 =	rddreg [dreg:$0xb];
	[sflag:s21] =	ssyncadd.s32 $0xFFFFEC00  }
0xa4: {  	[tilespmem:s22], [sflag:$0x5] =	stream.linear.gather [hbm4b:s13+s9], $0x1400, $0x38;
	[tilespmem:$0x1E400] =	vst v63  }
0xa5: {  	_ =	swait.ge [sflag:s21], $0x1400  }
0xa6: {  	[sflag:s21] =	ssyncset.done $0x0  }
0xa7: {  	s15 =	rddreg [dreg:$0xc];
	[sflag:s21] =	ssyncadd.s32 $0xFFFFEC00  }
0xa8: {  	[tilespmem:s25], [sflag:$0x1] =	stream.linear.gather [hbm4b:s15+s9], $0x4000, $0x38;
	[tilespmem:$0x1E400] =	vst v63  }
0xa9: {  	_ = 	snop  }
0xaa: {  	[tilespmem:s28], [sflag:$0x2] =	stream.linear.gather [hbm4b:s16+s9], $0x4000, $0x38;
	[tilespmem:$0x1E400] =	vst v63  }
.LBB2_6:
0xab: {  	_ =	swait.ge [sflag:s29], $0x4000  }
0xac: {  	s10 =	sshll.u32 s9, $0x8;
	[sflag:s29] =	ssyncset.done $0x0  }
0xad: {  	s11 =	sadd.s32 $0x15000, s10;
	[sflag:s29] =	ssyncadd.s32 $0xFFFFC000  }
0xae: {  	[spmem:s2] =	stream.indirect.scatter.add.f32 [tilespmem:s25], [sflag:$0x3], $0x80, s11, s24, $0xb8;
	[tilespmem:$0x1E400] =	vst v63  }
0xaf: {  	_ =	swait.ge [sflag:s31], $0x4000  }
0xb0: {  	[sflag:s31] =	ssyncset.done $0x0  }
0xb1: {  	s11 =	simm.s32 $0x0;
	[sflag:s31] =	ssyncadd.s32 $0xFFFFC000  }
0xb2: {  	v3 =	vld [tilespmem:s11+$0x16400]  }
0xb3: {  	v5 =	vld [tilespmem:s11+$0x16410]  }
0xb4: {  	v4 =	vld [tilespmem:s11+$0x16420]  }
0xb5: {  	v2 =	vld [tilespmem:s11+$0x16430]  }
0xb6: {  	v0 =	vld [tilespmem:s11+$0x16440]  }
0xb7: {  	v1 =	vld [tilespmem:s11+$0x16450];
	v6 =	vsub.f32 $0.0e+00, v3  }
0xb8: {  	s12 =	simm.s32 $0x200;
	v5 =	vsub.f32 $0.0e+00, v5;
	v3 =	vld [tilespmem:s11+$0x16460]  }
.LBB2_7:
0xb9: {  	s13 =	sshra.s32 s12, $0x2;
	p0 =	sne.s32 s12, $0xFE00;
	[tilespmem:s11+$0x16400] =	vst v6;
	v4 =	vsub.f32 $0.0e+00, v4;
	v6 =	vld [tilespmem:s11+$0x16470]  }
0xba: {  	v7 =	vld [tilespmem:s13+$0x16400];
	[tilespmem:s11+$0x16410] =	vst v5;
	v2 =	vsub.f32 $0.0e+00, v2  }
0xbb: {  	v5 =	vld [tilespmem:s13+$0x16410];
	[tilespmem:s11+$0x16420] =	vst v4;
	v0 =	vsub.f32 $0.0e+00, v0  }
.Ltmp4:
0xbc: {  	v4 =	vld [tilespmem:s13+$0x16420];
	[tilespmem:s11+$0x16430] =	vst v2;
	v1 =	vsub.f32 $0.0e+00, v1;
	(pc) =	sbr.rel @p0 .LBB2_7-.Ltmp4, $4  }
0xbd: {  	v2 =	vld [tilespmem:s13+$0x16430];
	[tilespmem:s11+$0x16440] =	vst v0;
	v3 =	vsub.f32 $0.0e+00, v3  }
0xbe: {  	v0 =	vld [tilespmem:s13+$0x16440];
	[tilespmem:s11+$0x16450] =	vst v1;
	v8 =	vsub.f32 $0.0e+00, v6  }
0xbf: {  	v6 =	vsub.f32 $0.0e+00, v7;
	v1 =	vld [tilespmem:s13+$0x16450];
	[tilespmem:s11+$0x16460] =	vst v3  }
0xc0: {  	s12 =	sadd.s32 $0x200, s12;
	v5 =	vsub.f32 $0.0e+00, v5;
	v3 =	vld [tilespmem:s13+$0x16460];
	[tilespmem:s11+$0x16470] =	vst v8;
	s11 =	smov.u32 s13  }
0xc1: {  	[tilespmem:s11+$0x16400] =	vst v6;
	v4 =	vsub.f32 $0.0e+00, v4;
	v6 =	vld [tilespmem:s11+$0x16470]  }
0xc2: {  	[tilespmem:s11+$0x16410] =	vst v5;
	v2 =	vsub.f32 $0.0e+00, v2  }
0xc3: {  	[tilespmem:s11+$0x16420] =	vst v4;
	v0 =	vsub.f32 $0.0e+00, v0  }
0xc4: {  	[tilespmem:s11+$0x16430] =	vst v2;
	v1 =	vsub.f32 $0.0e+00, v1  }
0xc5: {  	[tilespmem:s11+$0x16440] =	vst v0;
	v0 =	vsub.f32 $0.0e+00, v3  }
0xc6: {  	[tilespmem:s11+$0x16450] =	vst v1;
	v1 =	vsub.f32 $0.0e+00, v6  }
0xc7: {  	[tilespmem:s11+$0x16460] =	vst v0  }
0xc8: {  	s13 =	sadd.s32 $0x13C00, s10;
	[tilespmem:s11+$0x16470] =	vst v1  }
0xc9: {  	[spmem:s2] =	stream.indirect.scatter.add.f32 [tilespmem:s25], [sflag:$0x3], $0x80, s13, s24, $0xb8;
	[tilespmem:$0x1E400] =	vst v63  }
0xca: {  	p0 =	seq.s32 s9, $0x13;
	s11 =	sadd.s32 s14, s10;
	_ =	swait.ge [sflag:s31], $0x4000  }
0xcb: {  	s15 =	simm.s32 @!p0 $0x16400;
	s12 =	sshll.u32 @!p0 s11, $0x4;
	[sflag:s31] =	ssyncset.done $0x0  }
0xcc: {  	s13 =	simm.s32 @!p0 $0x0;
	s12 =	sadd.s32 @!p0 s12, s17;
	[sflag:s31] =	ssyncadd.s32 $0xFFFFC000  }
0xcd: {  	[tilespmem:s15], [sflag:$0x1] =	stream.linear.gather @!p0 [hbm4b:s12+s13], $0x4000, $0x38;
	[tilespmem:$0x1E400] =	vst v63  }
0xce: {  	_ =	swait.ge [sflag:s30], $0x4000  }
0xcf: {  	[sflag:s30] =	ssyncset.done $0x0  }
0xd0: {  	s15 =	sadd.s32 $0x15080, s10;
	[sflag:s30] =	ssyncadd.s32 $0xFFFFC000  }
0xd1: {  	[spmem:s2] =	stream.indirect.scatter.add.f32 [tilespmem:s28], [sflag:$0x4], $0x80, s15, s24, $0xb8;
	[tilespmem:$0x1E400] =	vst v63  }
0xd2: {  	_ =	swait.ge [sflag:s1], $0x4000  }
0xd3: {  	[sflag:s1] =	ssyncset.done $0x0  }
0xd4: {  	s12 =	simm.s32 $0x0;
	[sflag:s1] =	ssyncadd.s32 $0xFFFFC000  }
0xd5: {  	v3 =	vld [tilespmem:s12+$0x1A400]  }
0xd6: {  	v5 =	vld [tilespmem:s12+$0x1A410]  }
0xd7: {  	v4 =	vld [tilespmem:s12+$0x1A420]  }
0xd8: {  	v2 =	vld [tilespmem:s12+$0x1A430]  }
0xd9: {  	v0 =	vld [tilespmem:s12+$0x1A440]  }
0xda: {  	v1 =	vld [tilespmem:s12+$0x1A450];
	v6 =	vsub.f32 $0.0e+00, v3  }
0xdb: {  	s10 =	sor.u32 $0x80, s10;
	s13 =	simm.s32 $0x200;
	v5 =	vsub.f32 $0.0e+00, v5;
	v3 =	vld [tilespmem:s12+$0x1A460]  }
.LBB2_9:
0xdc: {  	s15 =	sshra.s32 s13, $0x2;
	p1 =	sne.s32 s13, $0xFE00;
	[tilespmem:s12+$0x1A400] =	vst v6;
	v4 =	vsub.f32 $0.0e+00, v4;
	v6 =	vld [tilespmem:s12+$0x1A470]  }
0xdd: {  	v7 =	vld [tilespmem:s15+$0x1A400];
	[tilespmem:s12+$0x1A410] =	vst v5;
	v2 =	vsub.f32 $0.0e+00, v2  }
0xde: {  	v5 =	vld [tilespmem:s15+$0x1A410];
	[tilespmem:s12+$0x1A420] =	vst v4;
	v0 =	vsub.f32 $0.0e+00, v0  }
.Ltmp5:
0xdf: {  	v4 =	vld [tilespmem:s15+$0x1A420];
	[tilespmem:s12+$0x1A430] =	vst v2;
	v1 =	vsub.f32 $0.0e+00, v1;
	(pc) =	sbr.rel @p1 .LBB2_9-.Ltmp5, $4  }
0xe0: {  	v2 =	vld [tilespmem:s15+$0x1A430];
	[tilespmem:s12+$0x1A440] =	vst v0;
	v3 =	vsub.f32 $0.0e+00, v3  }
0xe1: {  	v0 =	vld [tilespmem:s15+$0x1A440];
	[tilespmem:s12+$0x1A450] =	vst v1;
	v8 =	vsub.f32 $0.0e+00, v6  }
0xe2: {  	v6 =	vsub.f32 $0.0e+00, v7;
	v1 =	vld [tilespmem:s15+$0x1A450];
	[tilespmem:s12+$0x1A460] =	vst v3  }
0xe3: {  	s13 =	sadd.s32 $0x200, s13;
	v5 =	vsub.f32 $0.0e+00, v5;
	v3 =	vld [tilespmem:s15+$0x1A460];
	[tilespmem:s12+$0x1A470] =	vst v8;
	s12 =	smov.u32 s15  }
0xe4: {  	[tilespmem:s12+$0x1A400] =	vst v6;
	v4 =	vsub.f32 $0.0e+00, v4;
	v61 =	vld [tilespmem:s12+$0x1A470]  }
0xe5: {  	[tilespmem:s12+$0x1A410] =	vst v5;
	v2 =	vsub.f32 $0.0e+00, v2  }
0xe6: {  	[tilespmem:s12+$0x1A420] =	vst v4;
	v0 =	vsub.f32 $0.0e+00, v0  }
0xe7: {  	[tilespmem:s12+$0x1A430] =	vst v2;
	v1 =	vsub.f32 $0.0e+00, v1  }
0xe8: {  	[tilespmem:s12+$0x1A440] =	vst v0;
	v62 =	vsub.f32 $0.0e+00, v3  }
0xe9: {  	[tilespmem:s12+$0x1A450] =	vst v1;
	v63 =	vsub.f32 $0.0e+00, v61  }
0xea: {  	[tilespmem:s12+$0x1A460] =	vst v62  }
.Ltmp6:
0xeb: {  	s10 =	sadd.s32 $0x13C00, s10;
	[tilespmem:s12+$0x1A470] =	vst v63;
	(pc) =	sbr.rel @p0 .LBB2_12-.Ltmp6, $4  }
0xec: {  	[spmem:s2] =	stream.indirect.scatter.add.f32 [tilespmem:s28], [sflag:$0x4], $0x80, s10, s24, $0xb8;
	[tilespmem:$0x1E400] =	vst v63  }
0xed: {  	_ =	swait.ge [sflag:s1], $0x4000  }
0xee: {  	[sflag:s1] =	ssyncset.done $0x0  }
0xef: {  	[sflag:s1] =	ssyncadd.s32 $0xFFFFC000  }
.Ltmp7:
0xf0: {  	(pc) =	sbr.rel .LBB2_6-.Ltmp7, $4  }
0xf1: {  	_ = 	snop  }
0xf2: {  	s10 =	sshll.u32 s11, $0x4  }
0xf3: {  	s9 =	sadd.s32 $0x1, s9;
	s10 =	sadd.s32 s10, s18  }
0xf4: {  	[tilespmem:s28], [sflag:$0x2] =	stream.linear.gather [hbm4b:s10+s3], $0x4000, $0x38;
	[tilespmem:$0x1E400] =	vst v63  }
.LBB2_13:
0xf5: {  	_ =	sfence.sel $0x180000  }
0xf6: {  	[bflag:$0x0] =	sbarrier.arrive $0xFFFF  }
0xf7: {  	_ =	strace $0x9000004D  }
0xf8: {  	s0 =	stileid.u32;
	[bflag:$0x2] =	sbarrier.arrive $0xFFFF  }
0xf9: {  	p0 =	sne.s32 s0, $0x0;
	s0 =	rddreg [dreg:$0x3]  }
0xfa: {  	s0 =	sadd.s32 @!p0 $0x100000, s0  }
0xfb: {  	[sflag:s0] =	ssyncadd.tile.s32 @!p0 $0x1;
	_ =	shalt  }
.Lfunc_end2:
_tile_overlayer_lowered:
.L_overlay_start_2:
0xfc: {  	(tag) =	ssettag $0x2  }
0xfd: {  	s0 =	rddreg [dreg:$0x0];
	s2 =	stileid.u32  }
0xfe: {  	s1 =	rddreg [dreg:$0x1];
	p0 =	sne.s32 s2, $0x0  }
0xff: {  	s3 =	rddreg [dreg:$0x2];
	[bflag:$0x3] =	sbarrier.arrive $0xFFFF;
	s2 =	simm.s32 @!p0 $0x1C05  }
0x100: {  	[timem:s3], [sflag:s2] =	dma.local @!p0 [hbm:s0], s1  }
0x101: {  	s0 =	simm.s32 @!p0 $0x5  }
0x102: {  	_ =	swait.ge @!p0 [sflag:s0], s1  }
0x103: {  	s1 =	ssub.s32 @!p0 $0x0, s1;
	[sflag:s0] =	ssyncset.done @!p0 $0x0  }
0x104: {  	[sflag:s0] =	ssyncadd.s32 @!p0 s1  }
0x105: {  	[bflag:$0x3] =	sbarrier.arrive $0xFFFF  }
0x106: {  	_ =	shalt  }

// kernel: kernel.9.cloned.1.call-start
scs
__scs_entry_jumppad:
0x0: {  	(pc) =	sbr.rel $0x88, $3  }
0x1: {  	(tag) =	ssettag $0x0;
	lr =	simm.s32 $0x1  }
0x2: {  	[smem:$0x3F99] =	sst lr;
	_ =	strace $0xD0000000  }
0x3: {  	_ = 	snop  }
0x4: {  	_ = 	snop  }
0x5: {  	_ = 	snop  }
0x6: {  	_ = 	snop  }
0x7: {  	_ = 	snop  }
__scs_overlays_trampoline_lowered:
0x8: {  	[smem:$0x3FA8] =	sst s0  }
0x9: {  	[smem:$0x3FA9] =	sst s1  }
0xa: {  	[smem:$0x3FAA] =	sst s2  }
0xb: {  	[smem:$0x3FAB] =	sst s3  }
0xc: {  	[smem:$0x3FAC] =	sst s4  }
0xd: {  	[smem:$0x3FAD] =	sst s5  }
0xe: {  	[smem:$0x3FAE] =	sst s6  }
0xf: {  	[smem:$0x3FAF] =	sst s7  }
0x10: {  	[smem:$0x3FB0] =	sst s8  }
0x11: {  	[smem:$0x3FB1] =	sst s9;
	s0 =	simm.s32 @!p0 $0x0  }
0x12: {  	s1 =	sld [smem:$0x3F97];
	s0 =	simm.s32 @p0 $0x1  }
0x13: {  	[smem:$0x3FB2] =	sst s0;
	s0 =	simm.s32 @!p1 $0x0  }
0x14: {  	s2 =	sld [smem:$0x3F96];
	s0 =	simm.s32 @p1 $0x1  }
0x15: {  	[smem:$0x3FB3] =	sst s0;
	s0 =	simm.s32 @!p2 $0x0  }
0x16: {  	s3 =	sld [smem:$0x3FDB];
	s0 =	simm.s32 @p2 $0x1  }
0x17: {  	s4 =	simm.s32 $0x1BF5;
	[smem:$0x3FB5] =	sst s0  }
0x18: {  	s0 =	sld [smem:$0x3F98];
	_ =	swait.ge [sflag:s4], $0x0  }
0x19: {  	s7 =	sld [smem:$0x3F99]  }
0x1a: {  	s8 =	sadd.s32 $0xFFFFE003, lr  }
0x1b: {  	s9 =	sadd.s32 $0xFFFFFEF7, lr;
	s5 =	simm.s32 $0xFFFFFFFF;
	p2 =	slt.u32 s8, $0xFFFFF086  }
0x1c: {  	p1 =	slt.u32 s9, $0xF7A;
	s5 =	simm.s32 @!p2 $0x0  }
0x1d: {  	s5 =	simm.s32 @p1 $0x1;
	p0 =	seq.s32 s7, s2  }
0x1e: {  	s7 =	smul.u32 @!p0 $0xF7A, s2;
	p2 =	seq.s32 @!p0 s5, $0x0  }
0x1f: {  	s9 =	smul.u32 $0xF7A, s1;
	s8 =	simm.s32 @!p0 $0x1BF5;
	p2 =	por !p2, p0  }
0x20: {  	[sflag:s8] =	ssyncset.s32 @!p0 $0xFFFFF086;
	s6 =	sadd.s32 @!p0 s3, s7;
	s7 =	simm.s32 @!p0 $0x108  }
0x21: {  	s3 =	sadd.s32 s3, s9;
	s6 =	sadd.s32 @!p0 $0x88, s6;
	s7 =	simm.s32 @p2 $0x1082  }
0x22: {  	[simem:s7], [sflag:s8] =	dma.local @!p0 [hbm:s6], $0xF7A  }
0x23: {  	s9 =	sor.u32 $0xD0000000, s2;
	s6 =	simm.s32 $0x108;
	_ =	swait.ge @!p0 [sflag:s8], $0x0  }
0x24: {  	s3 =	sadd.s32 $0x88, s3;
	s6 =	simm.s32 @!p1 $0x1082;
	[sflag:s4] =	ssyncset.s32 $0xFFFFF086  }
0x25: {  	[simem:s6], [sflag:s4] =	dma.local [hbm:s3], $0xF7A  }
0x26: {  	[smem:$0x3F99] =	sst s1;
	(tag) =	ssettag s2;
	_ =	strace s9  }
0x27: {  	s1 =	sld [smem:$0x3FA9]  }
0x28: {  	s2 =	sld [smem:$0x3FAA]  }
0x29: {  	s4 =	sld [smem:$0x3FAC]  }
0x2a: {  	p0 =	seq.s32 s5, $0x0;
	s5 =	sld [smem:$0x3FAD]  }
0x2b: {  	s6 =	sld [smem:$0x3FAE]  }
0x2c: {  	s7 =	sld [smem:$0x3FAF]  }
0x2d: {  	s3 =	simm.s32 $0x108;
	s8 =	sld [smem:$0x3FB0]  }
0x2e: {  	s3 =	simm.s32 @!p0 $0x1082;
	s9 =	sld [smem:$0x3FB1]  }
0x2f: {  	lr =	sadd.s32 s0, s3;
	s0 =	sld [smem:$0x3FA8]  }
0x30: {  	s3 =	sld [smem:$0x3FAB]  }
0x31: {  	[smem:$0x3FB4] =	sst s10  }
0x32: {  	s10 =	sld [smem:$0x3FB2];
	_ =	sdelay $0x3  }
0x33: {  	p0 =	seq.s32 s10, $0x1;
	s10 =	sld [smem:$0x3FB4];
	_ =	sdelay $0x3  }
0x34: {  	[smem:$0x3FB4] =	sst s10  }
0x35: {  	s10 =	sld [smem:$0x3FB3];
	_ =	sdelay $0x3  }
0x36: {  	p1 =	seq.s32 s10, $0x1;
	s10 =	sld [smem:$0x3FB4];
	_ =	sdelay $0x3  }
0x37: {  	[smem:$0x3FB4] =	sst s10  }
0x38: {  	s10 =	sld [smem:$0x3FB5]  }
0x39: {  	_ = 	snop;
	(pc) =	sbr.ind lr, $3  }
0x3a: {  	_ = 	snop  }
0x3b: {  	_ = 	snop  }
0x3c: {  	p2 =	seq.s32 s10, $0x1;
	s10 =	sld [smem:$0x3FB4]  }
0x3d: {  	_ =	shalt  }
0x3e: {  	_ =	shalt  }
0x3f: {  	_ =	shalt  }
0x40: {  	_ =	shalt  }
0x41: {  	_ =	shalt  }
0x42: {  	_ =	shalt  }
0x43: {  	_ =	shalt  }
0x44: {  	_ =	shalt  }
0x45: {  	_ =	shalt  }
0x46: {  	_ =	shalt  }
0x47: {  	_ =	shalt  }
0x48: {  	_ =	shalt  }
0x49: {  	_ =	shalt  }
0x4a: {  	_ =	shalt  }
0x4b: {  	_ =	shalt  }
0x4c: {  	_ =	shalt  }
0x4d: {  	_ =	shalt  }
0x4e: {  	_ =	shalt  }
0x4f: {  	_ =	shalt  }
0x50: {  	_ =	shalt  }
0x51: {  	_ =	shalt  }
0x52: {  	_ =	shalt  }
0x53: {  	_ =	shalt  }
0x54: {  	_ =	shalt  }
0x55: {  	_ =	shalt  }
0x56: {  	_ =	shalt  }
0x57: {  	_ =	shalt  }
0x58: {  	_ =	shalt  }
0x59: {  	_ =	shalt  }
0x5a: {  	_ =	shalt  }
0x5b: {  	_ =	shalt  }
0x5c: {  	_ =	shalt  }
0x5d: {  	_ =	shalt  }
0x5e: {  	_ =	shalt  }
0x5f: {  	_ =	shalt  }
0x60: {  	_ =	shalt  }
0x61: {  	_ =	shalt  }
0x62: {  	_ =	shalt  }
0x63: {  	_ =	shalt  }
0x64: {  	_ =	shalt  }
0x65: {  	_ =	shalt  }
0x66: {  	_ =	shalt  }
0x67: {  	_ =	shalt  }
0x68: {  	_ =	shalt  }
0x69: {  	_ =	shalt  }
0x6a: {  	_ =	shalt  }
0x6b: {  	_ =	shalt  }
0x6c: {  	_ =	shalt  }
0x6d: {  	_ =	shalt  }
0x6e: {  	_ =	shalt  }
0x6f: {  	_ =	shalt  }
0x70: {  	_ =	shalt  }
0x71: {  	_ =	shalt  }
0x72: {  	_ =	shalt  }
0x73: {  	_ =	shalt  }
0x74: {  	_ =	shalt  }
0x75: {  	_ =	shalt  }
0x76: {  	_ =	shalt  }
0x77: {  	_ =	shalt  }
0x78: {  	_ =	shalt  }
0x79: {  	_ =	shalt  }
0x7a: {  	_ =	shalt  }
0x7b: {  	_ =	shalt  }
0x7c: {  	_ =	shalt  }
0x7d: {  	_ =	shalt  }
0x7e: {  	_ =	shalt  }
0x7f: {  	_ =	shalt  }
0x80: {  	_ =	shalt  }
0x81: {  	_ =	shalt  }
0x82: {  	_ =	shalt  }
0x83: {  	_ =	shalt  }
0x84: {  	_ =	shalt  }
0x85: {  	_ =	shalt  }
0x86: {  	_ =	shalt  }
0x87: {  	_ =	shalt  }
.Lfunc_end0:
.L_simem_size_0:
called_computation_lowered:
.L_overlay_start_0:
0x88: {  	s2 =	sld [smem:$0x3FD9]  }
0x89: {  	s3 =	sld [smem:$0x3FFE];
	_ =	sdelay $0x1  }
0x8a: {  	s1 =	srdreg.scid  }
0x8b: {  	s0 =	sand.u32 $0x1, s1  }
0x8c: {  	s17 =	sshll.u32 s0, $0xA;
	s2 =	sadd.s32 s3, s2  }
0x8d: {  	s2 =	sadd.s32 s2, s17  }
0x8e: {  	[smem:$0x3FC0] =	sst s2  }
0x8f: {  	_ = 	snop  }
0x90: {  	s18 =	sld [smem:$0x3FD0];
	(tm) =	ssettm $0x1  }
0x91: {  	s19 =	sld [smem:$0x3FFB];
	_ =	sdelay $0x3  }
0x92: {  	_ =	strace s19  }
0x93: {  	s2 =	sld [smem:$0x3FFC];
	_ =	sdelay $0x3  }
0x94: {  	_ =	strace s2  }
0x95: {  	s2 =	sld [smem:$0x3FFD];
	_ =	sdelay $0x3  }
0x96: {  	_ =	strace s2  }
0x97: {  	_ =	strace $0x8FFFFFFF  }
0x98: {  	s20 =	sld [smem:$0x3FDB];
	_ =	sdelay $0x1  }
0x99: {  	s4 =	simm.s32 $_scs_section_size  }
0x9a: {  	s5 =	simm.s32 $_size__tile_overlayer_lowered;
	s6 =	simm.s32 $_tile_overlayer_lowered  }
0x9b: {  	s7 =	simm.s32 $0x1BFF;
	s21 =	sshll.u32 s6, $0x1;
	s4 =	sadd.s32 s4, s20  }
0x9c: {  	s22 =	simm.s32 $0x0;
	s5 =	sshll.u32 s5, $0x1;
	s6 =	sadd.s32 s21, s4  }
0x9d: {  	[timem:s22], [sflag:s7] =	dma.local [hbm:s6], s5  }
0x9e: {  	_ =	swait.ge [sflag:s7], s5  }
0x9f: {  	s5 =	ssub.s32 $0x0, s5;
	[sflag:s7] =	ssyncset.done $0x0  }
0xa0: {  	[sflag:s7] =	ssyncadd.s32 s5;
	_ =	sdelay $0x1  }
0xa1: {  	s23 =	simm.s32 $0x1B8B  }
0xa2: {  	_ =	swait.ge [sflag:s23], $0x1  }
0xa3: {  	[sflag:s23] =	ssyncset.done $0x0  }
0xa4: {  	[sflag:s23] =	ssyncadd.s32 $0xFFFFFFFF  }
0xa5: {  	s5 =	sld [smem:$0x0]  }
0xa6: {  	s6 =	sand.u32 $0xFFFFFFFE, s1  }
0xa7: {  	p0 =	sne.s32 s1, s6  }
0xa8: {  	s6 =	sshll.u32 @p0 s6, $0xE  }
0xa9: {  	s6 =	sadd.s32 @p0 $0x11B8D, s6;
	s7 =	sshll.u32 @p0 s5, $0x11  }
0xaa: {  	s6 =	sor.u32 @p0 s7, s6  }
0xab: {  	[sflag:s6] =	ssyncadd.remote.s32 @p0 $0x1;
	_ =	sdelay $0x1  }
0xac: {  	s6 =	simm.s32 @p0 $0x1B8D  }
0xad: {  	_ =	swait.eq @p0 [sflag:s6], $0x1  }
0xae: {  	[sflag:s6] =	ssyncadd.s32 @p0 $0xFFFFFFFF  }
0xaf: {  	s7 =	sshll.u32 @!p0 s1, $0xE  }
0xb0: {  	s7 =	sor.u32 @!p0 $0x4000, s7;
	s6 =	simm.s32 @!p0 $0x1B8D  }
0xb1: {  	s5 =	sshll.u32 @!p0 s5, $0x11;
	s7 =	sadd.s32 @!p0 $0x11B8D, s7;
	_ =	swait.eq @!p0 [sflag:s6], $0x1  }
0xb2: {  	s5 =	sor.u32 @!p0 s5, s7;
	[sflag:s6] =	ssyncadd.s32 @!p0 $0xFFFFFFFF  }
0xb3: {  	s25 =	simm.s32 $0x1B8E;
	s24 =	sld [smem:$0x3FFE];
	[sflag:s5] =	ssyncadd.remote.s32 @!p0 $0x1  }
0xb4: {  	s26 =	simm.s32 $execute0_lowered;
	[smem:$0x3FD2] =	sst s25  }
0xb5: {  	s6 =	sshll.u32 s26, $0x1;
	_ =	strace $0x80000049;
	[dreg:$0x1] =	wrdreg $0xFFFFFFFF  }
0xb6: {  	s28 =	simm.s32 $_size_execute0_lowered;
	s4 =	sadd.s32 s4, s6;
	[dreg:$0x0] =	wrdreg $0x0  }
0xb7: {  	s6 =	sshll.u32 s28, $0x1;
	[dreg:$0x2] =	wrdreg s4  }
0xb8: {  	[dreg:$0x3] =	wrdreg s6  }
0xb9: {  	[dreg:$0x4] =	wrdreg $0xC0  }
0xba: {  	_ =	task [dreg:s22], $0x5FFFF  }
0xbb: {  	[dreg:$0x1] =	wrdreg $0xFFFFFFFF  }
0xbc: {  	[dreg:$0x0] =	wrdreg $0x60  }
0xbd: {  	[dreg:$0x2] =	wrdreg s24  }
0xbe: {  	[dreg:$0x3] =	wrdreg s18  }
0xbf: {  	[dreg:$0x4] =	wrdreg $0x0  }
0xc0: {  	[dreg:$0x5] =	wrdreg $0x9  }
0xc1: {  	_ =	task.clear_ibuf [dreg:s22], $0x6FFFF;
	_ =	strace $0x90000049  }
0xc2: {  	s29 =	simm.s32 $0x9;
	_ =	strace $0x8000004B  }
0xc3: {  	_ =	swait.ge [sflag:s29], $0x1  }
0xc4: {  	[sflag:s29] =	ssyncadd.s32 $0xFFFFFFFF  }
0xc5: {  	_ =	strace $0x9000004B  }
0xc6: {  	_ =	sfence  }
0xc7: {  	s30 =	sld [smem:$0x0];
	_ =	sdelay $0x2  }
0xc8: {  	s31 =	sshll.u32 s1, $0xD;
	s1 =	sshrl.u32 s1, $0x2  }
0xc9: {  	s4 =	sand.u32 $0x4000, s31;
	s1 =	sadd.s32 s1, s30  }
0xca: {  	s0 =	sor.u32 s4, s0;
	s1 =	sshll.u32 s1, $0x11  }
0xcb: {  	s0 =	sor.u32 s1, s0  }
0xcc: {  	s0 =	sadd.s32 $0x8F2B, s0  }
0xcd: {  	[sflag:s0] =	ssyncadd.remote.s32 $0x1  }
0xce: {  	_ =	sfence.sel $0xFFFF  }
0xcf: {  	[dreg:$0x0] =	wrdreg $0xFFFFFFFF;
	(pc) =	sbr.abs _section_cstart, $3  }
0xd0: {  	[dreg:$0x1] =	wrdreg $0xFFFFFFFF  }
0xd1: {  	_ =	task.clear_ibuf [dreg:s22], $0x2FFFF;
	_ =	strace $0x9FFFFFFF  }
0xd2: {  	(tm) =	ssettm $0x7FFFFFFF  }
0xd3: {  	_ =	shalt  }
tec
execute0_lowered:
.L_overlay_start_1:
0x0: {  	(tag) =	ssettag $0x1  }
0x1: {  	s6 =	rddreg [dreg:$0x0]  }
0x2: {  	s10 =	rddreg [dreg:$0x1]  }
0x3: {  	s1 =	rddreg [dreg:$0x2]  }
0x4: {  	s2 =	srdreg.scid;
	s0 =	rddreg [dreg:$0x3]  }
0x5: {  	s3 =	simm.s32 $0x0;
	s16 =	simm.s32 $0x13C00;
	s17 =	simm.s32 $0x80  }
0x6: {  	s18 =	simm.s32 $0x16400;
	s19 =	simm.s32 $0x15080;
	s20 =	simm.s32 $0x1A400  }
0x7: {  	s21 =	simm.s32 $0x1;
	s22 =	simm.s32 $0x2;
	s28 =	simm.s32 $0x0  }
0x8: {  	s7 =	sand.u32 $0x1, s2;
	s2 =	stileid.u32;
	[smem:$0x7FF] =	sst s3  }
0x9: {  	s4 =	sadd.s32 $0x3E800, s6;
	s11 =	sadd.s32 $0x2E6000, s6;
	s8 =	smul.u32 $0x13C000, s7  }
0xa: {  	s5 =	sadd.s32 $0x2F0000, s6;
	s9 =	smul.u32 $0x13C00, s2;
	_ =	strace $0x8000004A  }
0xb: {  	s23 =	sshll.u32 s7, $0x4;
	s7 =	ssub.s32 $0x2, s7;
	s12 =	smul.u32 $0x4F000, s2  }
0xc: {  	s25 =	sshll.u32 s2, $0x6;
	s13 =	sshrl.u32 s7, $0x1;
	s8 =	sadd.s32 s9, s8  }
0xd: {  	s9 =	sor.u32 s2, s23;
	s13 =	ssub.s32 s7, s13;
	s24 =	sshrl.u32 s12, $0x2  }
0xe: {  	s23 =	simm.s32 $0x3;
	s8 =	sshrl.u32 s8, $0x3;
	s14 =	smul.u32 $0x2800, s9  }
0xf: {  	s26 =	smul.u32 $0x500, s9;
	s30 =	sadd.s32 s24, s1;
	s12 =	smax.u32 s13, $0x1  }
0x10: {  	s24 =	simm.s32 $0x4;
	s15 =	sadd.s32 s8, s6;
	s6 =	sor.u32 $0x1C05, s25  }
0x11: {  	s13 =	sshrl.u32 s30, $0x3;
	s25 =	simm.s32 $0x14F00;
	s29 =	sshrl.u32 s14, $0x3  }
0x12: {  	s7 =	sadd.s32 s11, s26;
	s8 =	sadd.s32 s10, s26;
	s31 =	sadd.s32 $0x280, s29  }
0x13: {  	s14 =	simm.s32 $0x5;
	s26 =	simm.s32 $0x14F80;
	s9 =	sadd.s32 s11, s31  }
0x14: {  	s10 =	sadd.s32 s10, s31;
	s11 =	sadd.s32 $0x2F2800, s15;
	s15 =	simm.s32 $0x15000  }
.LBB2_1:
0x15: {  	[spmem:s13], [sflag:s6] =	dma.local [hbm:s5], $0x2780  }
0x16: {  	_ =	swait.ge [sflag:s14], $0x2780  }
0x17: {  	[sflag:s14] =	ssyncset.done $0x0  }
0x18: {  	[sflag:s14] =	ssyncadd.s32 $0xFFFFD880  }
0x19: {  	[tilespmem:s15], [sflag:$0x5] =	stream.linear.gather [hbm4b:s7+s3], $0x1400, $0x38;
	[tilespmem:$0x1E400] =	vst v63  }
0x1a: {  	_ =	swait.ge [sflag:s14], $0x1400  }
0x1b: {  	[sflag:s14] =	ssyncset.done $0x0  }
0x1c: {  	[sflag:s14] =	ssyncadd.s32 $0xFFFFEC00  }
0x1d: {  	[tilespmem:s16], [sflag:$0x5] =	stream.linear.gather [hbm4b:s8+s3], $0x1400, $0x38;
	[tilespmem:$0x1E400] =	vst v63  }
0x1e: {  	_ =	swait.ge [sflag:s14], $0x1400  }
0x1f: {  	[sflag:s14] =	ssyncset.done $0x0  }
0x20: {  	[sflag:s14] =	ssyncadd.s32 $0xFFFFEC00  }
0x21: {  	[bflag:$0x0] =	sbarrier.arrive $0xFFFF  }
0x22: {  	[tilespmem:s18], [sflag:$0x1] =	stream.indirect.gather [hbm4b:s4+s17], $0x80, s15, s17, $0xb8;
	[tilespmem:$0x1E400] =	vst v63  }
0x23: {  	_ = 	snop  }
0x24: {  	[tilespmem:s20], [sflag:$0x2] =	stream.indirect.gather [hbm4b:s4+s17], $0x80, s19, s17, $0xb8;
	[tilespmem:$0x1E400] =	vst v63  }
0x25: {  	_ =	swait.ge [sflag:s21], $0x4000  }
0x26: {  	[sflag:s21] =	ssyncset.done $0x0  }
0x27: {  	s29 =	simm.s32 $0x13C00;
	[sflag:s21] =	ssyncadd.s32 $0xFFFFC000  }
0x28: {  	[spmem:s1] =	stream.indirect.scatter.add.f32 [tilespmem:s18], [sflag:$0x3], $0x80, s29, s17, $0xb8;
	[tilespmem:$0x1E400] =	vst v63  }
0x29: {  	_ =	swait.ge [sflag:s22], $0x4000  }
0x2a: {  	[sflag:s22] =	ssyncset.done $0x0  }
0x2b: {  	[sflag:s22] =	ssyncadd.s32 $0xFFFFC000  }
0x2c: {  	_ =	swait.ge [sflag:s23], $0x4000  }
0x2d: {  	[sflag:s23] =	ssyncset.done $0x0  }
0x2e: {  	s29 =	simm.s32 $0x15100;
	[sflag:s23] =	ssyncadd.s32 $0xFFFFC000  }
0x2f: {  	[tilespmem:s18], [sflag:$0x1] =	stream.indirect.gather [hbm4b:s4+s17], $0x80, s29, s17, $0xb8;
	[tilespmem:$0x1E400] =	vst v63  }
0x30: {  	s29 =	simm.s32 $0x13C80  }
0x31: {  	[spmem:s1] =	stream.indirect.scatter.add.f32 [tilespmem:s20], [sflag:$0x4], $0x80, s29, s17, $0xb8;
	[tilespmem:$0x1E400] =	vst v63  }
0x32: {  	_ =	swait.ge [sflag:s24], $0x4000  }
0x33: {  	[sflag:s24] =	ssyncset.done $0x0  }
0x34: {  	s30 =	simm.s32 $0x15180;
	s29 =	simm.s32 $0x400;
	[sflag:s24] =	ssyncadd.s32 $0xFFFFC000  }
.LBB2_2:
0x35: {  	[tilespmem:s20], [sflag:$0x2] =	stream.indirect.gather [hbm4b:s4+s17], $0x80, s30, s17, $0xb8;
	[tilespmem:$0x1E400] =	vst v63  }
0x36: {  	s30 =	smov.u32 s29  }
0x37: {  	p0 =	sne.s32 s29, $0x4800;
	s29 =	sadd.s32 $0x400, s29;
	_ =	swait.ge [sflag:s21], $0x4000  }
0x38: {  	s30 =	sshra.s32 s30, $0x2;
	[sflag:s21] =	ssyncset.done $0x0  }
0x39: {  	s31 =	sadd.s32 $0x13C00, s30;
	[sflag:s21] =	ssyncadd.s32 $0xFFFFC000  }
0x3a: {  	[spmem:s1] =	stream.indirect.scatter.add.f32 [tilespmem:s18], [sflag:$0x3], $0x80, s31, s17, $0xb8;
	[tilespmem:$0x1E400] =	vst v63  }
0x3b: {  	_ =	swait.ge [sflag:s22], $0x4000  }
0x3c: {  	[sflag:s22] =	ssyncset.done $0x0  }
0x3d: {  	[sflag:s22] =	ssyncadd.s32 $0xFFFFC000  }
0x3e: {  	_ =	swait.ge [sflag:s23], $0x4000  }
0x3f: {  	[sflag:s23] =	ssyncset.done $0x0  }
0x40: {  	s31 =	sadd.s32 $0x15100, s30;
	[sflag:s23] =	ssyncadd.s32 $0xFFFFC000  }
0x41: {  	[tilespmem:s18], [sflag:$0x1] =	stream.indirect.gather [hbm4b:s4+s17], $0x80, s31, s17, $0xb8;
	[tilespmem:$0x1E400] =	vst v63  }
.Ltmp0:
0x42: {  	s31 =	sadd.s32 $0x13C80, s30;
	(pc) =	sbr.rel @p0 .LBB2_2-.Ltmp0, $4  }
0x43: {  	[spmem:s1] =	stream.indirect.scatter.add.f32 [tilespmem:s20], [sflag:$0x4], $0x80, s31, s17, $0xb8;
	[tilespmem:$0x1E400] =	vst v63  }
0x44: {  	_ =	swait.ge [sflag:s24], $0x4000  }
0x45: {  	[sflag:s24] =	ssyncset.done $0x0  }
0x46: {  	s30 =	sadd.s32 $0x15180, s30;
	[sflag:s24] =	ssyncadd.s32 $0xFFFFC000  }
0x47: {  	[tilespmem:s20], [sflag:$0x2] =	stream.indirect.gather [hbm4b:s4+s17], $0x80, s30, s17, $0xb8;
	[tilespmem:$0x1E400] =	vst v63  }
0x48: {  	_ =	swait.ge [sflag:s21], $0x4000  }
0x49: {  	[sflag:s21] =	ssyncset.done $0x0  }
0x4a: {  	[sflag:s21] =	ssyncadd.s32 $0xFFFFC000  }
0x4b: {  	[spmem:s1] =	stream.indirect.scatter.add.f32 [tilespmem:s18], [sflag:$0x3], $0x80, s25, s17, $0xb8;
	[tilespmem:$0x1E400] =	vst v63  }
0x4c: {  	_ =	swait.ge [sflag:s22], $0x4000  }
0x4d: {  	[sflag:s22] =	ssyncset.done $0x0  }
0x4e: {  	[sflag:s22] =	ssyncadd.s32 $0xFFFFC000  }
0x4f: {  	_ =	swait.ge [sflag:s23], $0x4000  }
0x50: {  	[sflag:s23] =	ssyncset.done $0x0  }
0x51: {  	[sflag:s23] =	ssyncadd.s32 $0xFFFFC000  }
0x52: {  	[spmem:s1] =	stream.indirect.scatter.add.f32 [tilespmem:s20], [sflag:$0x4], $0x80, s26, s17, $0xb8;
	[tilespmem:$0x1E400] =	vst v63  }
0x53: {  	_ =	swait.ge [sflag:s24], $0x4000  }
0x54: {  	[sflag:s24] =	ssyncset.done $0x0  }
0x55: {  	s29 =	simm.s32 $0x0;
	[sflag:s24] =	ssyncadd.s32 $0xFFFFC000  }
0x56: {  	[tilespmem:s15], [sflag:$0x5] =	stream.linear.gather [hbm4b:s9+s29], $0x1400, $0x38;
	[tilespmem:$0x1E400] =	vst v63  }
0x57: {  	_ =	swait.ge [sflag:s14], $0x1400  }
0x58: {  	[sflag:s14] =	ssyncset.done $0x0  }
0x59: {  	[sflag:s14] =	ssyncadd.s32 $0xFFFFEC00  }
0x5a: {  	[tilespmem:s16], [sflag:$0x5] =	stream.linear.gather [hbm4b:s10+s29], $0x1400, $0x38;
	[tilespmem:$0x1E400] =	vst v63  }
0x5b: {  	_ =	swait.ge [sflag:s14], $0x1400  }
0x5c: {  	[sflag:s14] =	ssyncset.done $0x0  }
0x5d: {  	[sflag:s14] =	ssyncadd.s32 $0xFFFFEC00  }
0x5e: {  	[tilespmem:s18], [sflag:$0x1] =	stream.indirect.gather [hbm4b:s4+s17], $0x80, s15, s17, $0xb8;
	[tilespmem:$0x1E400] =	vst v63  }
0x5f: {  	_ = 	snop  }
0x60: {  	[tilespmem:s20], [sflag:$0x2] =	stream.indirect.gather [hbm4b:s4+s17], $0x80, s19, s17, $0xb8;
	[tilespmem:$0x1E400] =	vst v63  }
0x61: {  	_ =	swait.ge [sflag:s21], $0x4000  }
0x62: {  	[sflag:s21] =	ssyncset.done $0x0  }
0x63: {  	s29 =	simm.s32 $0x13C00;
	[sflag:s21] =	ssyncadd.s32 $0xFFFFC000  }
0x64: {  	[spmem:s1] =	stream.indirect.scatter.add.f32 [tilespmem:s18], [sflag:$0x3], $0x80, s29, s17, $0xb8;
	[tilespmem:$0x1E400] =	vst v63  }
0x65: {  	_ =	swait.ge [sflag:s22], $0x4000  }
0x66: {  	[sflag:s22] =	ssyncset.done $0x0  }
0x67: {  	[sflag:s22] =	ssyncadd.s32 $0xFFFFC000  }
0x68: {  	_ =	swait.ge [sflag:s23], $0x4000  }
0x69: {  	[sflag:s23] =	ssyncset.done $0x0  }
0x6a: {  	s29 =	simm.s32 $0x15100;
	[sflag:s23] =	ssyncadd.s32 $0xFFFFC000  }
0x6b: {  	[tilespmem:s18], [sflag:$0x1] =	stream.indirect.gather [hbm4b:s4+s17], $0x80, s29, s17, $0xb8;
	[tilespmem:$0x1E400] =	vst v63  }
0x6c: {  	s29 =	simm.s32 $0x13C80  }
0x6d: {  	[spmem:s1] =	stream.indirect.scatter.add.f32 [tilespmem:s20], [sflag:$0x4], $0x80, s29, s17, $0xb8;
	[tilespmem:$0x1E400] =	vst v63  }
0x6e: {  	_ =	swait.ge [sflag:s24], $0x4000  }
0x6f: {  	[sflag:s24] =	ssyncset.done $0x0  }
0x70: {  	s30 =	simm.s32 $0x15180;
	s29 =	simm.s32 $0x400;
	[sflag:s24] =	ssyncadd.s32 $0xFFFFC000  }
.LBB2_4:
0x71: {  	[tilespmem:s20], [sflag:$0x2] =	stream.indirect.gather [hbm4b:s4+s17], $0x80, s30, s17, $0xb8;
	[tilespmem:$0x1E400] =	vst v63  }
0x72: {  	s30 =	smov.u32 s29  }
0x73: {  	p0 =	sne.s32 s29, $0x4800;
	s29 =	sadd.s32 $0x400, s29;
	_ =	swait.ge [sflag:s21], $0x4000  }
0x74: {  	s30 =	sshra.s32 s30, $0x2;
	[sflag:s21] =	ssyncset.done $0x0  }
0x75: {  	s31 =	sadd.s32 $0x13C00, s30;
	[sflag:s21] =	ssyncadd.s32 $0xFFFFC000  }
0x76: {  	[spmem:s1] =	stream.indirect.scatter.add.f32 [tilespmem:s18], [sflag:$0x3], $0x80, s31, s17, $0xb8;
	[tilespmem:$0x1E400] =	vst v63  }
0x77: {  	_ =	swait.ge [sflag:s22], $0x4000  }
0x78: {  	[sflag:s22] =	ssyncset.done $0x0  }
0x79: {  	[sflag:s22] =	ssyncadd.s32 $0xFFFFC000  }
0x7a: {  	_ =	swait.ge [sflag:s23], $0x4000  }
0x7b: {  	[sflag:s23] =	ssyncset.done $0x0  }
0x7c: {  	s31 =	sadd.s32 $0x15100, s30;
	[sflag:s23] =	ssyncadd.s32 $0xFFFFC000  }
0x7d: {  	[tilespmem:s18], [sflag:$0x1] =	stream.indirect.gather [hbm4b:s4+s17], $0x80, s31, s17, $0xb8;
	[tilespmem:$0x1E400] =	vst v63  }
.Ltmp1:
0x7e: {  	s31 =	sadd.s32 $0x13C80, s30;
	(pc) =	sbr.rel @p0 .LBB2_4-.Ltmp1, $4  }
0x7f: {  	[spmem:s1] =	stream.indirect.scatter.add.f32 [tilespmem:s20], [sflag:$0x4], $0x80, s31, s17, $0xb8;
	[tilespmem:$0x1E400] =	vst v63  }
0x80: {  	_ =	swait.ge [sflag:s24], $0x4000  }
0x81: {  	[sflag:s24] =	ssyncset.done $0x0  }
0x82: {  	s30 =	sadd.s32 $0x15180, s30;
	[sflag:s24] =	ssyncadd.s32 $0xFFFFC000  }
0x83: {  	[tilespmem:s20], [sflag:$0x2] =	stream.indirect.gather [hbm4b:s4+s17], $0x80, s30, s17, $0xb8;
	[tilespmem:$0x1E400] =	vst v63  }
0x84: {  	_ =	swait.ge [sflag:s21], $0x4000  }
0x85: {  	[sflag:s21] =	ssyncset.done $0x0  }
0x86: {  	[sflag:s21] =	ssyncadd.s32 $0xFFFFC000  }
0x87: {  	[spmem:s1] =	stream.indirect.scatter.add.f32 [tilespmem:s18], [sflag:$0x3], $0x80, s25, s17, $0xb8;
	[tilespmem:$0x1E400] =	vst v63  }
0x88: {  	_ =	swait.ge [sflag:s22], $0x4000  }
0x89: {  	[sflag:s22] =	ssyncset.done $0x0  }
0x8a: {  	[sflag:s22] =	ssyncadd.s32 $0xFFFFC000  }
0x8b: {  	_ =	swait.ge [sflag:s23], $0x4000  }
0x8c: {  	[sflag:s23] =	ssyncset.done $0x0  }
0x8d: {  	[sflag:s23] =	ssyncadd.s32 $0xFFFFC000  }
0x8e: {  	[spmem:s1] =	stream.indirect.scatter.add.f32 [tilespmem:s20], [sflag:$0x4], $0x80, s26, s17, $0xb8;
	[tilespmem:$0x1E400] =	vst v63  }
0x8f: {  	_ =	swait.ge [sflag:s24], $0x4000  }
0x90: {  	s28 =	sadd.s32 $0x1, s28;
	[sflag:s24] =	ssyncset.done $0x0  }
0x91: {  	p0 =	sne.s32 s28, s12;
	[sflag:s24] =	ssyncadd.s32 $0xFFFFC000  }
.Ltmp2:
0x92: {  	[bflag:$0x0] =	sbarrier.arrive $0xFFFF;
	(pc) =	sbr.rel @p0 .LBB2_1-.Ltmp2, $4  }
0x93: {  	[hbm:s11], [sflag:s6] =	dma.local [spmem:s13], $0x2780  }
0x94: {  	_ =	swait.ge [sflag:s14], $0x2780  }
0x95: {  	[sflag:s14] =	ssyncset.done $0x0  }
0x96: {  	[sflag:s14] =	ssyncadd.s32 $0xFFFFD880  }
0x97: {  	_ =	sfence.sel $0x180000  }
0x98: {  	[bflag:$0x0] =	sbarrier.arrive $0xFFFF  }
0x99: {  	p0 =	sne.s32 s2, $0x0;
	_ =	strace $0x9000004A  }
0x9a: {  	s0 =	sadd.s32 @!p0 $0x100000, s0;
	[bflag:$0x2] =	sbarrier.arrive $0xFFFF  }
0x9b: {  	[sflag:s0] =	ssyncadd.tile.s32 @!p0 $0x1;
	_ =	shalt  }
.Lfunc_end2:
_tile_overlayer_lowered:
.L_overlay_start_2:
0x9c: {  	(tag) =	ssettag $0x2  }
0x9d: {  	s0 =	rddreg [dreg:$0x0];
	s2 =	stileid.u32  }
0x9e: {  	s1 =	rddreg [dreg:$0x1];
	p0 =	sne.s32 s2, $0x0  }
0x9f: {  	s3 =	rddreg [dreg:$0x2];
	[bflag:$0x3] =	sbarrier.arrive $0xFFFF;
	s2 =	simm.s32 @!p0 $0x1C05  }
0xa0: {  	[timem:s3], [sflag:s2] =	dma.local @!p0 [hbm:s0], s1  }
0xa1: {  	s0 =	simm.s32 @!p0 $0x5  }
0xa2: {  	_ =	swait.ge @!p0 [sflag:s0], s1  }
0xa3: {  	s1 =	ssub.s32 @!p0 $0x0, s1;
	[sflag:s0] =	ssyncset.done @!p0 $0x0  }
0xa4: {  	[sflag:s0] =	ssyncadd.s32 @!p0 s1  }
0xa5: {  	[bflag:$0x3] =	sbarrier.arrive $0xFFFF  }
0xa6: {  	_ =	shalt  }

</sc_bundles>
